<compile_context>
chip_gen: v7x
topology: tpu7x:2x2x1
jax: 0.10.2.dev20260603
libtpu: 0.0.44.dev20260713+nightly
codegen_flags: <defaults>
</compile_context>

<pallas_src>
import functools

import jax
import jax.numpy as jnp
from jax import lax
from jax.experimental import pallas as pl
from jax.experimental.pallas import tpu as pltpu
from jax.experimental.pallas import tpu_sc as plsc

NC = 2
NS = 16
L = 16
NW = NC * NS

IDXC = 128
FUNROLL = 16


def _rsqrt(x):
    xi = plsc.bitcast(x, jnp.int32)
    r = plsc.bitcast(jnp.full((L,), 0x5F3759DF, jnp.int32) - (xi >> 1),
                     jnp.float32)
    for _ in range(3):
        r = r * (1.5 - 0.5 * x * r * r)
    return r


@functools.lru_cache(maxsize=None)
def _build(B, D, C):
    b_per_w = B // NW
    h_per_s = B // NS
    hch = h_per_s // IDXC
    cpad = ((C + 8 * NS - 1) // (8 * NS)) * (8 * NS)
    z_per_s = cpad // NS
    n_chunks = b_per_w // IDXC
    blocks = IDXC // L

    mesh = plsc.VectorSubcoreMesh(core_axis_name="c", subcore_axis_name="s")

    @functools.partial(
        pl.kernel,
        mesh=mesh,
        out_type=jax.ShapeDtypeStruct((NC, L), jnp.float32),
        compiler_params=pltpu.CompilerParams(needs_layout_passes=False),
        scratch_types=[
            pltpu.VMEM((z_per_s,), jnp.float32),
            pltpu.VMEM((IDXC,), jnp.float32),
            [pltpu.VMEM((IDXC,), jnp.int32) for _ in range(8)],
            [pltpu.VMEM((IDXC,), jnp.int32) for _ in range(2)],
            [pltpu.VMEM((IDXC,), jnp.float32) for _ in range(4)],
            [pltpu.VMEM((IDXC, D), jnp.float32) for _ in range(2)],
            [pltpu.VMEM((IDXC, D), jnp.float32) for _ in range(2)],
            pltpu.VMEM((B // NW,), jnp.float32),
            pltpu.VMEM((L,), jnp.float32),
            pltpu.VMEM((NS * L,), jnp.float32),
            pltpu.VMEM_SHARED((cpad,), jnp.float32),
            pltpu.VMEM_SHARED((NS * L,), jnp.float32),
            pltpu.SemaphoreType.DMA,
            pltpu.SemaphoreType.DMA,
            [pltpu.SemaphoreType.DMA for _ in range(2)],
            [pltpu.SemaphoreType.DMA for _ in range(2)],
            [pltpu.SemaphoreType.DMA for _ in range(2)],
        ],
    )
    def sc_kernel(xs_hbm, ys_hbm, center_hbm, out_hbm,
                  zero_v, ones_v, hbuf, idx_b, cnt4, rows_b, xsc_b, dist_v,
                  lane_v, pread_v, count_sh, part_sh, semh, sema,
                  semr, semx, semc):
        cid = lax.axis_index("c")
        sid = lax.axis_index("s")
        wid = sid * NC + cid
        iota = lax.iota(jnp.int32, L)
        base = wid * b_per_w

        zv = jnp.zeros((L,), jnp.float32)
        ov = jnp.ones((L,), jnp.float32)

        def zfill(i, _):
            zero_v[pl.ds(i * L, L)] = zv
            return 0
        lax.fori_loop(0, z_per_s // L, zfill, 0)
        for i in range(IDXC // L):
            ones_v[pl.ds(i * L, L)] = ov

        pltpu.sync_copy(ys_hbm.at[pl.ds(base, IDXC)], idx_b[0])
        pend = [None, None]
        pend[0] = [
            pltpu.async_copy(center_hbm.at[idx_b[0]], rows_b[0], semr[0]),
            pltpu.async_copy(xs_hbm.at[pl.ds(base, IDXC)], xsc_b[0], semx[0]),
        ]

        pltpu.sync_copy(zero_v, count_sh.at[pl.ds(sid * z_per_s, z_per_s)])
        plsc.subcore_barrier()
        hbase = sid * h_per_s
        lcps = [pltpu.async_copy(ys_hbm.at[pl.ds(hbase + j * IDXC, IDXC)],
                                 hbuf[j], semh) for j in range(hch)]
        for c in lcps:
            c.wait()
        acps = [pltpu.async_copy(ones_v, count_sh.at[hbuf[j]], sema, add=True)
                for j in range(hch)]
        for c in acps:
            c.wait()
        plsc.subcore_barrier()

        cpend = [None, None]
        cpend[0] = pltpu.async_copy(count_sh.at[idx_b[0]], cnt4[0], semc[0])

        def issue(ci, buf):
            off = base + ci * IDXC
            pltpu.sync_copy(ys_hbm.at[pl.ds(off, IDXC)], idx_b[buf])
            cpend[buf] = pltpu.async_copy(count_sh.at[idx_b[buf]], cnt4[buf],
                                          semc[buf])
            return [
                pltpu.async_copy(center_hbm.at[idx_b[buf]], rows_b[buf],
                                 semr[buf]),
                pltpu.async_copy(xs_hbm.at[pl.ds(off, IDXC)], xsc_b[buf],
                                 semx[buf]),
            ]

        loss = jnp.zeros((L,), jnp.float32)
        for ci in range(n_chunks):
            buf = ci % 2
            if ci + 1 < n_chunks:
                pend[1 - buf] = issue(ci + 1, 1 - buf)
            for c in pend[buf]:
                c.wait()
            rows_v = rows_b[buf]
            xsc_v = xsc_b[buf]
            cnt_v = cnt4[buf]

            def bbody(b, _):
                rowids = b * L + iota

                def fbody(f8, acc):
                    a = acc
                    for u in range(FUNROLL):
                        f = f8 * FUNROLL + u
                        colv0 = f + iota
                        if D & (D - 1) == 0:
                            colv = colv0 & (D - 1)
                        else:
                            colv = jnp.where(colv0 >= D, colv0 - D, colv0)
                        xv = plsc.load_gather(xsc_v, [rowids, colv])
                        cv = plsc.load_gather(rows_v, [rowids, colv])
                        d = xv - cv
                        a = a + d * d
                    return a

                acc = lax.fori_loop(0, D // FUNROLL, fbody,
                                    jnp.zeros((L,), jnp.float32))
                x = jnp.maximum(acc, 1e-30)
                dist_v[pl.ds(b * L, L)] = x * _rsqrt(x)
                return 0

            lax.fori_loop(0, blocks, bbody, 0)
            cpend[buf].wait()

            def dbody(b, lacc):
                dv = dist_v[pl.ds(b * L, L)]
                cv = cnt_v[pl.ds(b * L, L)]
                return lacc + dv / cv
            loss = lax.fori_loop(0, blocks, dbody, loss)

        lane_v[...] = loss
        pltpu.sync_copy(lane_v, part_sh.at[pl.ds(sid * L, L)])
        plsc.subcore_barrier()

        @pl.when(sid == 0)
        def _():
            pltpu.sync_copy(part_sh, pread_v)
            tv = jnp.zeros((L,), jnp.float32)
            for i in range(NS):
                tv = tv + pread_v[pl.ds(i * L, L)]
            s = jnp.sum(tv)
            lane_v[...] = jnp.full((L,), s)
            pltpu.sync_copy(lane_v, out_hbm.at[cid])

    return sc_kernel


def kernel(xs, ys, center):
    B, D = xs.shape
    C = center.shape[0]
    out = _build(B, D, C)(xs, ys.astype(jnp.int32), center)
    return out[0, 0] + out[1, 0]

# --- scband reference (transcript-rebuilt; emitter-appended) ---
"""Pipeline reference for scband-center-loss-48447231099235 (READ-ONLY COPY).

The authoritative reference and input builder live on the scoring server;
editing this copy changes nothing except your own understanding.
"""

import jax, jax.numpy as jnp
import numpy as np

CLS_NUM = 100000
FEATURE_NUM = 128
BATCH = 16384

def setup_inputs(seed: int = 0) -> dict:
    key = jax.random.key(seed)
    k1, k2, k3 = jax.random.split(key, 3)
    xs = jax.random.normal(k1, (BATCH, FEATURE_NUM), dtype=jnp.float32)
    ys = jax.random.randint(k2, (BATCH,), 0, CLS_NUM, dtype=jnp.int64 if jax.config.jax_enable_x64 else jnp.int32)
    center = jax.random.normal(k3, (CLS_NUM, FEATURE_NUM), dtype=jnp.float32)
    return {"xs": xs, "ys": ys, "center": center}

def reference(xs, ys, center):
    ys_idx = ys.astype(jnp.int32)
    # gather centers per-sample (embedding lookup)
    center_exp = jnp.take(center, ys_idx, axis=0)
    # histogram of class labels over [0, cls_num)
    count = jnp.bincount(ys_idx, length=CLS_NUM).astype(jnp.float32)
    # gather per-sample counts
    count_exp = jnp.take(count, ys_idx, axis=0)
    dist = jnp.sqrt(jnp.sum(jnp.power(xs - center_exp, 2), axis=1))
    center_loss = jnp.sum(dist / count_exp)
    return center_loss

if __name__ == "__main__":
    import jax
    _d = setup_inputs()
    print(jax.jit(kernel)(*tuple(_d.values())))

</pallas_src>

<mosaic_0001>
#map = affine_map<(d0, d1) -> (0, 0)>
#map1 = affine_map<(d0, d1) -> (0)>
module attributes {stable_mosaic.version = 14 : i64} {
  func.func @sc_kernel(%arg0: i32, %arg1: i32, %arg2: memref<16384x128xf32, #tpu.memory_space<hbm>>, %arg3: memref<16384xi32, #tpu.memory_space<hbm>>, %arg4: memref<100000x128xf32, #tpu.memory_space<hbm>>, %arg5: memref<2x16xf32, #tpu.memory_space<hbm>>, %arg6: memref<6256xf32, #tpu.memory_space<vmem>>, %arg7: memref<128xf32, #tpu.memory_space<vmem>>, %arg8: memref<128xi32, #tpu.memory_space<vmem>>, %arg9: memref<128xi32, #tpu.memory_space<vmem>>, %arg10: memref<128xi32, #tpu.memory_space<vmem>>, %arg11: memref<128xi32, #tpu.memory_space<vmem>>, %arg12: memref<128xi32, #tpu.memory_space<vmem>>, %arg13: memref<128xi32, #tpu.memory_space<vmem>>, %arg14: memref<128xi32, #tpu.memory_space<vmem>>, %arg15: memref<128xi32, #tpu.memory_space<vmem>>, %arg16: memref<128xi32, #tpu.memory_space<vmem>>, %arg17: memref<128xi32, #tpu.memory_space<vmem>>, %arg18: memref<128xf32, #tpu.memory_space<vmem>>, %arg19: memref<128xf32, #tpu.memory_space<vmem>>, %arg20: memref<128xf32, #tpu.memory_space<vmem>>, %arg21: memref<128xf32, #tpu.memory_space<vmem>>, %arg22: memref<128x128xf32, #tpu.memory_space<vmem>>, %arg23: memref<128x128xf32, #tpu.memory_space<vmem>>, %arg24: memref<128x128xf32, #tpu.memory_space<vmem>>, %arg25: memref<128x128xf32, #tpu.memory_space<vmem>>, %arg26: memref<512xf32, #tpu.memory_space<vmem>>, %arg27: memref<16xf32, #tpu.memory_space<vmem>>, %arg28: memref<256xf32, #tpu.memory_space<vmem>>, %arg29: memref<100096xf32, #tpu.memory_space<vmem_shared>>, %arg30: memref<256xf32, #tpu.memory_space<vmem_shared>>, %arg31: memref<!tpu.dma_semaphore, #tpu.memory_space<semaphore_mem>>, %arg32: memref<!tpu.dma_semaphore, #tpu.memory_space<semaphore_mem>>, %arg33: memref<!tpu.dma_semaphore, #tpu.memory_space<semaphore_mem>>, %arg34: memref<!tpu.dma_semaphore, #tpu.memory_space<semaphore_mem>>, %arg35: memref<!tpu.dma_semaphore, #tpu.memory_space<semaphore_mem>>, %arg36: memref<!tpu.dma_semaphore, #tpu.memory_space<semaphore_mem>>, %arg37: memref<!tpu.dma_semaphore, #tpu.memory_space<semaphore_mem>>, %arg38: memref<!tpu.dma_semaphore, #tpu.memory_space<semaphore_mem>>) attributes {dimension_semantics = [#tpu.dimension_semantics<core_parallel>, #tpu.dimension_semantics<subcore_parallel>], iteration_bounds = array<i64: 2, 16>, scalar_prefetch = 0 : i64, scratch_operands = 33 : i64, tpu.core_type = #tpu.core_type<sc_vector_subcore>, window_params = [{transform_indices = #map}, {transform_indices = #map1}, {transform_indices = #map}, {transform_indices = #map}]} {
    %mul3A = arith.constant 2 : i32
    %mul3A_0 = arith.muli %arg1, %mul3A : i32
    %add3A = arith.addi %mul3A_0, %arg0 : i32
    %iota3A = tpu.iota {dimensions = array<i32: 0>} : vector<16xi32>
    %mul3A_1 = arith.constant 512 : i32
    %mul3A_2 = arith.muli %add3A, %mul3A_1 : i32
    %broadcast_in_dim3A = arith.constant 0.000000e+00 : f32
    %broadcast_in_dim3A_3 = vector.broadcast %broadcast_in_dim3A : f32 to vector<16xf32>
    %broadcast_in_dim3A_4 = arith.constant 1.000000e+00 : f32
    %broadcast_in_dim3A_5 = vector.broadcast %broadcast_in_dim3A_4 : f32 to vector<16xf32>
    %scan3A = arith.constant 0 : i32
    %scan3A_6 = arith.constant 0 : i32
    %scan3A_7 = arith.constant 391 : i32
    %scan3A_8 = arith.addi %scan3A_6, %scan3A_7 : i32
    %scan3A_9 = arith.constant 1 : i32
    %scan3A_10 = scf.for %scan3A_249 = %scan3A_6 to %scan3A_8 step %scan3A_9 iter_args(%scan3A_250 = %scan3A) -> (i32)  : i32 {
      %mul3A_251 = arith.constant 16 : i32
      %mul3A_252 = arith.muli %scan3A_249, %mul3A_251 : i32
      %swap3A_253 = arith.index_cast %mul3A_252 : i32 to index
      %swap3A_254 = tpu.vector_load %arg6[%swap3A_253] {strides = array<i32>} : memref<6256xf32, #tpu.memory_space<vmem>>, vector<16xf32>,
      tpu.vector_store %arg6[%swap3A_253], %broadcast_in_dim3A_3 {strides = array<i32>} : memref<6256xf32, #tpu.memory_space<vmem>>, vector<16xf32>,
      %scan3A_255 = arith.constant 0 : i32
      scf.yield %scan3A_255 : i32
    }
    %scan3A_11 = arith.constant 391 : i32
    %swap3A = arith.constant 0 : index
    %swap3A_12 = tpu.vector_load %arg7[%swap3A] {strides = array<i32>} : memref<128xf32, #tpu.memory_space<vmem>>, vector<16xf32>,
    tpu.vector_store %arg7[%swap3A], %broadcast_in_dim3A_5 {strides = array<i32>} : memref<128xf32, #tpu.memory_space<vmem>>, vector<16xf32>,
    %swap3A_13 = arith.constant 16 : index
    %swap3A_14 = tpu.vector_load %arg7[%swap3A_13] {strides = array<i32>} : memref<128xf32, #tpu.memory_space<vmem>>, vector<16xf32>,
    tpu.vector_store %arg7[%swap3A_13], %broadcast_in_dim3A_5 {strides = array<i32>} : memref<128xf32, #tpu.memory_space<vmem>>, vector<16xf32>,
    %swap3A_15 = arith.constant 32 : index
    %swap3A_16 = tpu.vector_load %arg7[%swap3A_15] {strides = array<i32>} : memref<128xf32, #tpu.memory_space<vmem>>, vector<16xf32>,
    tpu.vector_store %arg7[%swap3A_15], %broadcast_in_dim3A_5 {strides = array<i32>} : memref<128xf32, #tpu.memory_space<vmem>>, vector<16xf32>,
    %swap3A_17 = arith.constant 48 : index
    %swap3A_18 = tpu.vector_load %arg7[%swap3A_17] {strides = array<i32>} : memref<128xf32, #tpu.memory_space<vmem>>, vector<16xf32>,
    tpu.vector_store %arg7[%swap3A_17], %broadcast_in_dim3A_5 {strides = array<i32>} : memref<128xf32, #tpu.memory_space<vmem>>, vector<16xf32>,
    %swap3A_19 = arith.constant 64 : index
    %swap3A_20 = tpu.vector_load %arg7[%swap3A_19] {strides = array<i32>} : memref<128xf32, #tpu.memory_space<vmem>>, vector<16xf32>,
    tpu.vector_store %arg7[%swap3A_19], %broadcast_in_dim3A_5 {strides = array<i32>} : memref<128xf32, #tpu.memory_space<vmem>>, vector<16xf32>,
    %swap3A_21 = arith.constant 80 : index
    %swap3A_22 = tpu.vector_load %arg7[%swap3A_21] {strides = array<i32>} : memref<128xf32, #tpu.memory_space<vmem>>, vector<16xf32>,
    tpu.vector_store %arg7[%swap3A_21], %broadcast_in_dim3A_5 {strides = array<i32>} : memref<128xf32, #tpu.memory_space<vmem>>, vector<16xf32>,
    %swap3A_23 = arith.constant 96 : index
    %swap3A_24 = tpu.vector_load %arg7[%swap3A_23] {strides = array<i32>} : memref<128xf32, #tpu.memory_space<vmem>>, vector<16xf32>,
    tpu.vector_store %arg7[%swap3A_23], %broadcast_in_dim3A_5 {strides = array<i32>} : memref<128xf32, #tpu.memory_space<vmem>>, vector<16xf32>,
    %swap3A_25 = arith.constant 112 : index
    %swap3A_26 = tpu.vector_load %arg7[%swap3A_25] {strides = array<i32>} : memref<128xf32, #tpu.memory_space<vmem>>, vector<16xf32>,
    tpu.vector_store %arg7[%swap3A_25], %broadcast_in_dim3A_5 {strides = array<i32>} : memref<128xf32, #tpu.memory_space<vmem>>, vector<16xf32>,
    "tpu.region"() ({
      %run_scoped3A = tpu.sem_alloc : memref<!tpu.dma_semaphore, #tpu.memory_space<semaphore_mem>>
      %dma_start3A_249 = tpu.memref_slice %arg3[%mul3A_2] : memref<16384xi32, #tpu.memory_space<hbm>> -> memref<128xi32, #tpu.memory_space<hbm>>
      %dma_start3A_250 = tpu.memref_slice %arg3[%mul3A_2] : memref<16384xi32, #tpu.memory_space<hbm>> -> memref<128xi32, #tpu.memory_space<hbm>>
      tpu.enqueue_dma source(%dma_start3A_250 : memref<128xi32, #tpu.memory_space<hbm>>) target(%arg16 : memref<128xi32, #tpu.memory_space<vmem>>) target_semaphore(%run_scoped3A : memref<!tpu.dma_semaphore, #tpu.memory_space<semaphore_mem>>)
      %dma_wait3A_251 = tpu.memref_slice %arg3[%mul3A_2] : memref<16384xi32, #tpu.memory_space<hbm>> -> memref<128xi32, #tpu.memory_space<hbm>>
      %dma_wait3A_252 = tpu.memref_slice %arg3[%mul3A_2] : memref<16384xi32, #tpu.memory_space<hbm>> -> memref<128xi32, #tpu.memory_space<hbm>>
      tpu.wait_dma2 semaphore(%run_scoped3A : memref<!tpu.dma_semaphore, #tpu.memory_space<semaphore_mem>>) src(%dma_wait3A_252 : memref<128xi32, #tpu.memory_space<hbm>>) dst(%arg16 : memref<128xi32, #tpu.memory_space<vmem>>)
      tpu.yield
    }) : () -> ()
    %dma_start3A = arith.constant 0 : i32
    %dma_start3A_27 = arith.constant 0 : i32
    %dma_start3A_28 = tpu.memref_slice %arg4[%dma_start3A, %dma_start3A_27] : memref<100000x128xf32, #tpu.memory_space<hbm>> -> memref<100000x128xf32, #tpu.memory_space<hbm>>
    tpu.enqueue_indirect_dma source(%dma_start3A_28 : memref<100000x128xf32, #tpu.memory_space<hbm>>) target(%arg22 : memref<128x128xf32, #tpu.memory_space<vmem>>) offsets(%arg16 : memref<128xi32, #tpu.memory_space<vmem>>) semaphore(%arg33 : memref<!tpu.dma_semaphore, #tpu.memory_space<semaphore_mem>>)
    %dma_start3A_29 = arith.constant 0 : i32
    %dma_start3A_30 = tpu.memref_slice %arg2[%mul3A_2, %dma_start3A_29] : memref<16384x128xf32, #tpu.memory_space<hbm>> -> memref<128x128xf32, #tpu.memory_space<hbm>>
    %dma_start3A_31 = arith.constant 0 : i32
    %dma_start3A_32 = tpu.memref_slice %arg2[%mul3A_2, %dma_start3A_31] : memref<16384x128xf32, #tpu.memory_space<hbm>> -> memref<128x128xf32, #tpu.memory_space<hbm>>
    tpu.enqueue_dma source(%dma_start3A_32 : memref<128x128xf32, #tpu.memory_space<hbm>>) target(%arg24 : memref<128x128xf32, #tpu.memory_space<vmem>>) target_semaphore(%arg35 : memref<!tpu.dma_semaphore, #tpu.memory_space<semaphore_mem>>)
    %mul3A_33 = arith.constant 6256 : i32
    %mul3A_34 = arith.muli %arg1, %mul3A_33 : i32
    "tpu.region"() ({
      %run_scoped3A = tpu.sem_alloc : memref<!tpu.dma_semaphore, #tpu.memory_space<semaphore_mem>>
      %dma_start3A_249 = tpu.memref_slice %arg29[%mul3A_34] : memref<100096xf32, #tpu.memory_space<vmem_shared>> -> memref<6256xf32, #tpu.memory_space<vmem_shared>>
      %dma_start3A_250 = tpu.memref_slice %arg29[%mul3A_34] : memref<100096xf32, #tpu.memory_space<vmem_shared>> -> memref<6256xf32, #tpu.memory_space<vmem_shared>>
      tpu.enqueue_dma source(%arg6 : memref<6256xf32, #tpu.memory_space<vmem>>) target(%dma_start3A_250 : memref<6256xf32, #tpu.memory_space<vmem_shared>>) target_semaphore(%run_scoped3A : memref<!tpu.dma_semaphore, #tpu.memory_space<semaphore_mem>>)
      %dma_wait3A_251 = tpu.memref_slice %arg29[%mul3A_34] : memref<100096xf32, #tpu.memory_space<vmem_shared>> -> memref<6256xf32, #tpu.memory_space<vmem_shared>>
      %dma_wait3A_252 = tpu.memref_slice %arg29[%mul3A_34] : memref<100096xf32, #tpu.memory_space<vmem_shared>> -> memref<6256xf32, #tpu.memory_space<vmem_shared>>
      tpu.wait_dma2 semaphore(%run_scoped3A : memref<!tpu.dma_semaphore, #tpu.memory_space<semaphore_mem>>) src(%arg6 : memref<6256xf32, #tpu.memory_space<vmem>>) dst(%dma_wait3A_252 : memref<6256xf32, #tpu.memory_space<vmem_shared>>)
      tpu.yield
    }) : () -> ()
    %barrier3A = arith.constant 0 : index
    tpu.barrier barrier_id(%barrier3A)
    %mul3A_35 = arith.constant 1024 : i32
    %mul3A_36 = arith.muli %arg1, %mul3A_35 : i32
    %add3A_37 = arith.constant 0 : i32
    %add3A_38 = arith.addi %mul3A_36, %add3A_37 : i32
    %dma_start3A_39 = tpu.memref_slice %arg3[%add3A_38] : memref<16384xi32, #tpu.memory_space<hbm>> -> memref<128xi32, #tpu.memory_space<hbm>>
    %dma_start3A_40 = tpu.memref_slice %arg3[%add3A_38] : memref<16384xi32, #tpu.memory_space<hbm>> -> memref<128xi32, #tpu.memory_space<hbm>>
    tpu.enqueue_dma source(%dma_start3A_40 : memref<128xi32, #tpu.memory_space<hbm>>) target(%arg8 : memref<128xi32, #tpu.memory_space<vmem>>) target_semaphore(%arg31 : memref<!tpu.dma_semaphore, #tpu.memory_space<semaphore_mem>>)
    %add3A_41 = arith.constant 128 : i32
    %add3A_42 = arith.addi %mul3A_36, %add3A_41 : i32
    %dma_start3A_43 = tpu.memref_slice %arg3[%add3A_42] : memref<16384xi32, #tpu.memory_space<hbm>> -> memref<128xi32, #tpu.memory_space<hbm>>
    %dma_start3A_44 = tpu.memref_slice %arg3[%add3A_42] : memref<16384xi32, #tpu.memory_space<hbm>> -> memref<128xi32, #tpu.memory_space<hbm>>
    tpu.enqueue_dma source(%dma_start3A_44 : memref<128xi32, #tpu.memory_space<hbm>>) target(%arg9 : memref<128xi32, #tpu.memory_space<vmem>>) target_semaphore(%arg31 : memref<!tpu.dma_semaphore, #tpu.memory_space<semaphore_mem>>)
    %add3A_45 = arith.constant 256 : i32
    %add3A_46 = arith.addi %mul3A_36, %add3A_45 : i32
    %dma_start3A_47 = tpu.memref_slice %arg3[%add3A_46] : memref<16384xi32, #tpu.memory_space<hbm>> -> memref<128xi32, #tpu.memory_space<hbm>>
    %dma_start3A_48 = tpu.memref_slice %arg3[%add3A_46] : memref<16384xi32, #tpu.memory_space<hbm>> -> memref<128xi32, #tpu.memory_space<hbm>>
    tpu.enqueue_dma source(%dma_start3A_48 : memref<128xi32, #tpu.memory_space<hbm>>) target(%arg10 : memref<128xi32, #tpu.memory_space<vmem>>) target_semaphore(%arg31 : memref<!tpu.dma_semaphore, #tpu.memory_space<semaphore_mem>>)
    %add3A_49 = arith.constant 384 : i32
    %add3A_50 = arith.addi %mul3A_36, %add3A_49 : i32
    %dma_start3A_51 = tpu.memref_slice %arg3[%add3A_50] : memref<16384xi32, #tpu.memory_space<hbm>> -> memref<128xi32, #tpu.memory_space<hbm>>
    %dma_start3A_52 = tpu.memref_slice %arg3[%add3A_50] : memref<16384xi32, #tpu.memory_space<hbm>> -> memref<128xi32, #tpu.memory_space<hbm>>
    tpu.enqueue_dma source(%dma_start3A_52 : memref<128xi32, #tpu.memory_space<hbm>>) target(%arg11 : memref<128xi32, #tpu.memory_space<vmem>>) target_semaphore(%arg31 : memref<!tpu.dma_semaphore, #tpu.memory_space<semaphore_mem>>)
    %add3A_53 = arith.constant 512 : i32
    %add3A_54 = arith.addi %mul3A_36, %add3A_53 : i32
    %dma_start3A_55 = tpu.memref_slice %arg3[%add3A_54] : memref<16384xi32, #tpu.memory_space<hbm>> -> memref<128xi32, #tpu.memory_space<hbm>>
    %dma_start3A_56 = tpu.memref_slice %arg3[%add3A_54] : memref<16384xi32, #tpu.memory_space<hbm>> -> memref<128xi32, #tpu.memory_space<hbm>>
    tpu.enqueue_dma source(%dma_start3A_56 : memref<128xi32, #tpu.memory_space<hbm>>) target(%arg12 : memref<128xi32, #tpu.memory_space<vmem>>) target_semaphore(%arg31 : memref<!tpu.dma_semaphore, #tpu.memory_space<semaphore_mem>>)
    %add3A_57 = arith.constant 640 : i32
    %add3A_58 = arith.addi %mul3A_36, %add3A_57 : i32
    %dma_start3A_59 = tpu.memref_slice %arg3[%add3A_58] : memref<16384xi32, #tpu.memory_space<hbm>> -> memref<128xi32, #tpu.memory_space<hbm>>
    %dma_start3A_60 = tpu.memref_slice %arg3[%add3A_58] : memref<16384xi32, #tpu.memory_space<hbm>> -> memref<128xi32, #tpu.memory_space<hbm>>
    tpu.enqueue_dma source(%dma_start3A_60 : memref<128xi32, #tpu.memory_space<hbm>>) target(%arg13 : memref<128xi32, #tpu.memory_space<vmem>>) target_semaphore(%arg31 : memref<!tpu.dma_semaphore, #tpu.memory_space<semaphore_mem>>)
    %add3A_61 = arith.constant 768 : i32
    %add3A_62 = arith.addi %mul3A_36, %add3A_61 : i32
    %dma_start3A_63 = tpu.memref_slice %arg3[%add3A_62] : memref<16384xi32, #tpu.memory_space<hbm>> -> memref<128xi32, #tpu.memory_space<hbm>>
    %dma_start3A_64 = tpu.memref_slice %arg3[%add3A_62] : memref<16384xi32, #tpu.memory_space<hbm>> -> memref<128xi32, #tpu.memory_space<hbm>>
    tpu.enqueue_dma source(%dma_start3A_64 : memref<128xi32, #tpu.memory_space<hbm>>) target(%arg14 : memref<128xi32, #tpu.memory_space<vmem>>) target_semaphore(%arg31 : memref<!tpu.dma_semaphore, #tpu.memory_space<semaphore_mem>>)
    %add3A_65 = arith.constant 896 : i32
    %add3A_66 = arith.addi %mul3A_36, %add3A_65 : i32
    %dma_start3A_67 = tpu.memref_slice %arg3[%add3A_66] : memref<16384xi32, #tpu.memory_space<hbm>> -> memref<128xi32, #tpu.memory_space<hbm>>
    %dma_start3A_68 = tpu.memref_slice %arg3[%add3A_66] : memref<16384xi32, #tpu.memory_space<hbm>> -> memref<128xi32, #tpu.memory_space<hbm>>
    tpu.enqueue_dma source(%dma_start3A_68 : memref<128xi32, #tpu.memory_space<hbm>>) target(%arg15 : memref<128xi32, #tpu.memory_space<vmem>>) target_semaphore(%arg31 : memref<!tpu.dma_semaphore, #tpu.memory_space<semaphore_mem>>)
    %dma_wait3A = tpu.memref_slice %arg3[%add3A_38] : memref<16384xi32, #tpu.memory_space<hbm>> -> memref<128xi32, #tpu.memory_space<hbm>>
    %dma_wait3A_69 = tpu.memref_slice %arg3[%add3A_38] : memref<16384xi32, #tpu.memory_space<hbm>> -> memref<128xi32, #tpu.memory_space<hbm>>
    tpu.wait_dma2 semaphore(%arg31 : memref<!tpu.dma_semaphore, #tpu.memory_space<semaphore_mem>>) src(%dma_wait3A_69 : memref<128xi32, #tpu.memory_space<hbm>>) dst(%arg8 : memref<128xi32, #tpu.memory_space<vmem>>)
    %dma_wait3A_70 = tpu.memref_slice %arg3[%add3A_42] : memref<16384xi32, #tpu.memory_space<hbm>> -> memref<128xi32, #tpu.memory_space<hbm>>
    %dma_wait3A_71 = tpu.memref_slice %arg3[%add3A_42] : memref<16384xi32, #tpu.memory_space<hbm>> -> memref<128xi32, #tpu.memory_space<hbm>>
    tpu.wait_dma2 semaphore(%arg31 : memref<!tpu.dma_semaphore, #tpu.memory_space<semaphore_mem>>) src(%dma_wait3A_71 : memref<128xi32, #tpu.memory_space<hbm>>) dst(%arg9 : memref<128xi32, #tpu.memory_space<vmem>>)
    %dma_wait3A_72 = tpu.memref_slice %arg3[%add3A_46] : memref<16384xi32, #tpu.memory_space<hbm>> -> memref<128xi32, #tpu.memory_space<hbm>>
    %dma_wait3A_73 = tpu.memref_slice %arg3[%add3A_46] : memref<16384xi32, #tpu.memory_space<hbm>> -> memref<128xi32, #tpu.memory_space<hbm>>
    tpu.wait_dma2 semaphore(%arg31 : memref<!tpu.dma_semaphore, #tpu.memory_space<semaphore_mem>>) src(%dma_wait3A_73 : memref<128xi32, #tpu.memory_space<hbm>>) dst(%arg10 : memref<128xi32, #tpu.memory_space<vmem>>)
    %dma_wait3A_74 = tpu.memref_slice %arg3[%add3A_50] : memref<16384xi32, #tpu.memory_space<hbm>> -> memref<128xi32, #tpu.memory_space<hbm>>
    %dma_wait3A_75 = tpu.memref_slice %arg3[%add3A_50] : memref<16384xi32, #tpu.memory_space<hbm>> -> memref<128xi32, #tpu.memory_space<hbm>>
    tpu.wait_dma2 semaphore(%arg31 : memref<!tpu.dma_semaphore, #tpu.memory_space<semaphore_mem>>) src(%dma_wait3A_75 : memref<128xi32, #tpu.memory_space<hbm>>) dst(%arg11 : memref<128xi32, #tpu.memory_space<vmem>>)
    %dma_wait3A_76 = tpu.memref_slice %arg3[%add3A_54] : memref<16384xi32, #tpu.memory_space<hbm>> -> memref<128xi32, #tpu.memory_space<hbm>>
    %dma_wait3A_77 = tpu.memref_slice %arg3[%add3A_54] : memref<16384xi32, #tpu.memory_space<hbm>> -> memref<128xi32, #tpu.memory_space<hbm>>
    tpu.wait_dma2 semaphore(%arg31 : memref<!tpu.dma_semaphore, #tpu.memory_space<semaphore_mem>>) src(%dma_wait3A_77 : memref<128xi32, #tpu.memory_space<hbm>>) dst(%arg12 : memref<128xi32, #tpu.memory_space<vmem>>)
    %dma_wait3A_78 = tpu.memref_slice %arg3[%add3A_58] : memref<16384xi32, #tpu.memory_space<hbm>> -> memref<128xi32, #tpu.memory_space<hbm>>
    %dma_wait3A_79 = tpu.memref_slice %arg3[%add3A_58] : memref<16384xi32, #tpu.memory_space<hbm>> -> memref<128xi32, #tpu.memory_space<hbm>>
    tpu.wait_dma2 semaphore(%arg31 : memref<!tpu.dma_semaphore, #tpu.memory_space<semaphore_mem>>) src(%dma_wait3A_79 : memref<128xi32, #tpu.memory_space<hbm>>) dst(%arg13 : memref<128xi32, #tpu.memory_space<vmem>>)
    %dma_wait3A_80 = tpu.memref_slice %arg3[%add3A_62] : memref<16384xi32, #tpu.memory_space<hbm>> -> memref<128xi32, #tpu.memory_space<hbm>>
    %dma_wait3A_81 = tpu.memref_slice %arg3[%add3A_62] : memref<16384xi32, #tpu.memory_space<hbm>> -> memref<128xi32, #tpu.memory_space<hbm>>
    tpu.wait_dma2 semaphore(%arg31 : memref<!tpu.dma_semaphore, #tpu.memory_space<semaphore_mem>>) src(%dma_wait3A_81 : memref<128xi32, #tpu.memory_space<hbm>>) dst(%arg14 : memref<128xi32, #tpu.memory_space<vmem>>)
    %dma_wait3A_82 = tpu.memref_slice %arg3[%add3A_66] : memref<16384xi32, #tpu.memory_space<hbm>> -> memref<128xi32, #tpu.memory_space<hbm>>
    %dma_wait3A_83 = tpu.memref_slice %arg3[%add3A_66] : memref<16384xi32, #tpu.memory_space<hbm>> -> memref<128xi32, #tpu.memory_space<hbm>>
    tpu.wait_dma2 semaphore(%arg31 : memref<!tpu.dma_semaphore, #tpu.memory_space<semaphore_mem>>) src(%dma_wait3A_83 : memref<128xi32, #tpu.memory_space<hbm>>) dst(%arg15 : memref<128xi32, #tpu.memory_space<vmem>>)
    %dma_start3A_84 = arith.constant 0 : i32
    %dma_start3A_85 = tpu.memref_slice %arg29[%dma_start3A_84] : memref<100096xf32, #tpu.memory_space<vmem_shared>> -> memref<100096xf32, #tpu.memory_space<vmem_shared>>
    tpu.enqueue_indirect_dma source(%arg7 : memref<128xf32, #tpu.memory_space<vmem>>) target(%dma_start3A_85 : memref<100096xf32, #tpu.memory_space<vmem_shared>>) offsets(%arg8 : memref<128xi32, #tpu.memory_space<vmem>>) semaphore(%arg32 : memref<!tpu.dma_semaphore, #tpu.memory_space<semaphore_mem>>) {add = true}
    %dma_start3A_86 = arith.constant 0 : i32
    %dma_start3A_87 = tpu.memref_slice %arg29[%dma_start3A_86] : memref<100096xf32, #tpu.memory_space<vmem_shared>> -> memref<100096xf32, #tpu.memory_space<vmem_shared>>
    tpu.enqueue_indirect_dma source(%arg7 : memref<128xf32, #tpu.memory_space<vmem>>) target(%dma_start3A_87 : memref<100096xf32, #tpu.memory_space<vmem_shared>>) offsets(%arg9 : memref<128xi32, #tpu.memory_space<vmem>>) semaphore(%arg32 : memref<!tpu.dma_semaphore, #tpu.memory_space<semaphore_mem>>) {add = true}
    %dma_start3A_88 = arith.constant 0 : i32
    %dma_start3A_89 = tpu.memref_slice %arg29[%dma_start3A_88] : memref<100096xf32, #tpu.memory_space<vmem_shared>> -> memref<100096xf32, #tpu.memory_space<vmem_shared>>
    tpu.enqueue_indirect_dma source(%arg7 : memref<128xf32, #tpu.memory_space<vmem>>) target(%dma_start3A_89 : memref<100096xf32, #tpu.memory_space<vmem_shared>>) offsets(%arg10 : memref<128xi32, #tpu.memory_space<vmem>>) semaphore(%arg32 : memref<!tpu.dma_semaphore, #tpu.memory_space<semaphore_mem>>) {add = true}
    %dma_start3A_90 = arith.constant 0 : i32
    %dma_start3A_91 = tpu.memref_slice %arg29[%dma_start3A_90] : memref<100096xf32, #tpu.memory_space<vmem_shared>> -> memref<100096xf32, #tpu.memory_space<vmem_shared>>
    tpu.enqueue_indirect_dma source(%arg7 : memref<128xf32, #tpu.memory_space<vmem>>) target(%dma_start3A_91 : memref<100096xf32, #tpu.memory_space<vmem_shared>>) offsets(%arg11 : memref<128xi32, #tpu.memory_space<vmem>>) semaphore(%arg32 : memref<!tpu.dma_semaphore, #tpu.memory_space<semaphore_mem>>) {add = true}
    %dma_start3A_92 = arith.constant 0 : i32
    %dma_start3A_93 = tpu.memref_slice %arg29[%dma_start3A_92] : memref<100096xf32, #tpu.memory_space<vmem_shared>> -> memref<100096xf32, #tpu.memory_space<vmem_shared>>
    tpu.enqueue_indirect_dma source(%arg7 : memref<128xf32, #tpu.memory_space<vmem>>) target(%dma_start3A_93 : memref<100096xf32, #tpu.memory_space<vmem_shared>>) offsets(%arg12 : memref<128xi32, #tpu.memory_space<vmem>>) semaphore(%arg32 : memref<!tpu.dma_semaphore, #tpu.memory_space<semaphore_mem>>) {add = true}
    %dma_start3A_94 = arith.constant 0 : i32
    %dma_start3A_95 = tpu.memref_slice %arg29[%dma_start3A_94] : memref<100096xf32, #tpu.memory_space<vmem_shared>> -> memref<100096xf32, #tpu.memory_space<vmem_shared>>
    tpu.enqueue_indirect_dma source(%arg7 : memref<128xf32, #tpu.memory_space<vmem>>) target(%dma_start3A_95 : memref<100096xf32, #tpu.memory_space<vmem_shared>>) offsets(%arg13 : memref<128xi32, #tpu.memory_space<vmem>>) semaphore(%arg32 : memref<!tpu.dma_semaphore, #tpu.memory_space<semaphore_mem>>) {add = true}
    %dma_start3A_96 = arith.constant 0 : i32
    %dma_start3A_97 = tpu.memref_slice %arg29[%dma_start3A_96] : memref<100096xf32, #tpu.memory_space<vmem_shared>> -> memref<100096xf32, #tpu.memory_space<vmem_shared>>
    tpu.enqueue_indirect_dma source(%arg7 : memref<128xf32, #tpu.memory_space<vmem>>) target(%dma_start3A_97 : memref<100096xf32, #tpu.memory_space<vmem_shared>>) offsets(%arg14 : memref<128xi32, #tpu.memory_space<vmem>>) semaphore(%arg32 : memref<!tpu.dma_semaphore, #tpu.memory_space<semaphore_mem>>) {add = true}
    %dma_start3A_98 = arith.constant 0 : i32
    %dma_start3A_99 = tpu.memref_slice %arg29[%dma_start3A_98] : memref<100096xf32, #tpu.memory_space<vmem_shared>> -> memref<100096xf32, #tpu.memory_space<vmem_shared>>
    tpu.enqueue_indirect_dma source(%arg7 : memref<128xf32, #tpu.memory_space<vmem>>) target(%dma_start3A_99 : memref<100096xf32, #tpu.memory_space<vmem_shared>>) offsets(%arg15 : memref<128xi32, #tpu.memory_space<vmem>>) semaphore(%arg32 : memref<!tpu.dma_semaphore, #tpu.memory_space<semaphore_mem>>) {add = true}
    %dma_wait3A_100 = arith.constant 0 : i32
    %dma_wait3A_101 = tpu.memref_slice %arg29[%dma_wait3A_100] : memref<100096xf32, #tpu.memory_space<vmem_shared>> -> memref<100096xf32, #tpu.memory_space<vmem_shared>>
    tpu.wait_indirect_dma semaphore(%arg32 : memref<!tpu.dma_semaphore, #tpu.memory_space<semaphore_mem>>) src(%arg7 : memref<128xf32, #tpu.memory_space<vmem>>) dst(%dma_wait3A_101 : memref<100096xf32, #tpu.memory_space<vmem_shared>>)
    %dma_wait3A_102 = arith.constant 0 : i32
    %dma_wait3A_103 = tpu.memref_slice %arg29[%dma_wait3A_102] : memref<100096xf32, #tpu.memory_space<vmem_shared>> -> memref<100096xf32, #tpu.memory_space<vmem_shared>>
    tpu.wait_indirect_dma semaphore(%arg32 : memref<!tpu.dma_semaphore, #tpu.memory_space<semaphore_mem>>) src(%arg7 : memref<128xf32, #tpu.memory_space<vmem>>) dst(%dma_wait3A_103 : memref<100096xf32, #tpu.memory_space<vmem_shared>>)
    %dma_wait3A_104 = arith.constant 0 : i32
    %dma_wait3A_105 = tpu.memref_slice %arg29[%dma_wait3A_104] : memref<100096xf32, #tpu.memory_space<vmem_shared>> -> memref<100096xf32, #tpu.memory_space<vmem_shared>>
    tpu.wait_indirect_dma semaphore(%arg32 : memref<!tpu.dma_semaphore, #tpu.memory_space<semaphore_mem>>) src(%arg7 : memref<128xf32, #tpu.memory_space<vmem>>) dst(%dma_wait3A_105 : memref<100096xf32, #tpu.memory_space<vmem_shared>>)
    %dma_wait3A_106 = arith.constant 0 : i32
    %dma_wait3A_107 = tpu.memref_slice %arg29[%dma_wait3A_106] : memref<100096xf32, #tpu.memory_space<vmem_shared>> -> memref<100096xf32, #tpu.memory_space<vmem_shared>>
    tpu.wait_indirect_dma semaphore(%arg32 : memref<!tpu.dma_semaphore, #tpu.memory_space<semaphore_mem>>) src(%arg7 : memref<128xf32, #tpu.memory_space<vmem>>) dst(%dma_wait3A_107 : memref<100096xf32, #tpu.memory_space<vmem_shared>>)
    %dma_wait3A_108 = arith.constant 0 : i32
    %dma_wait3A_109 = tpu.memref_slice %arg29[%dma_wait3A_108] : memref<100096xf32, #tpu.memory_space<vmem_shared>> -> memref<100096xf32, #tpu.memory_space<vmem_shared>>
    tpu.wait_indirect_dma semaphore(%arg32 : memref<!tpu.dma_semaphore, #tpu.memory_space<semaphore_mem>>) src(%arg7 : memref<128xf32, #tpu.memory_space<vmem>>) dst(%dma_wait3A_109 : memref<100096xf32, #tpu.memory_space<vmem_shared>>)
    %dma_wait3A_110 = arith.constant 0 : i32
    %dma_wait3A_111 = tpu.memref_slice %arg29[%dma_wait3A_110] : memref<100096xf32, #tpu.memory_space<vmem_shared>> -> memref<100096xf32, #tpu.memory_space<vmem_shared>>
    tpu.wait_indirect_dma semaphore(%arg32 : memref<!tpu.dma_semaphore, #tpu.memory_space<semaphore_mem>>) src(%arg7 : memref<128xf32, #tpu.memory_space<vmem>>) dst(%dma_wait3A_111 : memref<100096xf32, #tpu.memory_space<vmem_shared>>)
    %dma_wait3A_112 = arith.constant 0 : i32
    %dma_wait3A_113 = tpu.memref_slice %arg29[%dma_wait3A_112] : memref<100096xf32, #tpu.memory_space<vmem_shared>> -> memref<100096xf32, #tpu.memory_space<vmem_shared>>
    tpu.wait_indirect_dma semaphore(%arg32 : memref<!tpu.dma_semaphore, #tpu.memory_space<semaphore_mem>>) src(%arg7 : memref<128xf32, #tpu.memory_space<vmem>>) dst(%dma_wait3A_113 : memref<100096xf32, #tpu.memory_space<vmem_shared>>)
    %dma_wait3A_114 = arith.constant 0 : i32
    %dma_wait3A_115 = tpu.memref_slice %arg29[%dma_wait3A_114] : memref<100096xf32, #tpu.memory_space<vmem_shared>> -> memref<100096xf32, #tpu.memory_space<vmem_shared>>
    tpu.wait_indirect_dma semaphore(%arg32 : memref<!tpu.dma_semaphore, #tpu.memory_space<semaphore_mem>>) src(%arg7 : memref<128xf32, #tpu.memory_space<vmem>>) dst(%dma_wait3A_115 : memref<100096xf32, #tpu.memory_space<vmem_shared>>)
    %barrier3A_116 = arith.constant 0 : index
    tpu.barrier barrier_id(%barrier3A_116)
    %dma_start3A_117 = arith.constant 0 : i32
    %dma_start3A_118 = tpu.memref_slice %arg29[%dma_start3A_117] : memref<100096xf32, #tpu.memory_space<vmem_shared>> -> memref<100096xf32, #tpu.memory_space<vmem_shared>>
    tpu.enqueue_indirect_dma source(%dma_start3A_118 : memref<100096xf32, #tpu.memory_space<vmem_shared>>) target(%arg18 : memref<128xf32, #tpu.memory_space<vmem>>) offsets(%arg16 : memref<128xi32, #tpu.memory_space<vmem>>) semaphore(%arg37 : memref<!tpu.dma_semaphore, #tpu.memory_space<semaphore_mem>>)
    %broadcast_in_dim3A_119 = arith.constant 0.000000e+00 : f32
    %broadcast_in_dim3A_120 = vector.broadcast %broadcast_in_dim3A_119 : f32 to vector<16xf32>
    %add3A_121 = arith.constant 128 : i32
    %add3A_122 = arith.addi %mul3A_2, %add3A_121 : i32
    "tpu.region"() ({
      %run_scoped3A = tpu.sem_alloc : memref<!tpu.dma_semaphore, #tpu.memory_space<semaphore_mem>>
      %dma_start3A_249 = tpu.memref_slice %arg3[%add3A_122] : memref<16384xi32, #tpu.memory_space<hbm>> -> memref<128xi32, #tpu.memory_space<hbm>>
      %dma_start3A_250 = tpu.memref_slice %arg3[%add3A_122] : memref<16384xi32, #tpu.memory_space<hbm>> -> memref<128xi32, #tpu.memory_space<hbm>>
      tpu.enqueue_dma source(%dma_start3A_250 : memref<128xi32, #tpu.memory_space<hbm>>) target(%arg17 : memref<128xi32, #tpu.memory_space<vmem>>) target_semaphore(%run_scoped3A : memref<!tpu.dma_semaphore, #tpu.memory_space<semaphore_mem>>)
      %dma_wait3A_251 = tpu.memref_slice %arg3[%add3A_122] : memref<16384xi32, #tpu.memory_space<hbm>> -> memref<128xi32, #tpu.memory_space<hbm>>
      %dma_wait3A_252 = tpu.memref_slice %arg3[%add3A_122] : memref<16384xi32, #tpu.memory_space<hbm>> -> memref<128xi32, #tpu.memory_space<hbm>>
      tpu.wait_dma2 semaphore(%run_scoped3A : memref<!tpu.dma_semaphore, #tpu.memory_space<semaphore_mem>>) src(%dma_wait3A_252 : memref<128xi32, #tpu.memory_space<hbm>>) dst(%arg17 : memref<128xi32, #tpu.memory_space<vmem>>)
      tpu.yield
    }) : () -> ()
    %dma_start3A_123 = arith.constant 0 : i32
    %dma_start3A_124 = tpu.memref_slice %arg29[%dma_start3A_123] : memref<100096xf32, #tpu.memory_space<vmem_shared>> -> memref<100096xf32, #tpu.memory_space<vmem_shared>>
    tpu.enqueue_indirect_dma source(%dma_start3A_124 : memref<100096xf32, #tpu.memory_space<vmem_shared>>) target(%arg19 : memref<128xf32, #tpu.memory_space<vmem>>) offsets(%arg17 : memref<128xi32, #tpu.memory_space<vmem>>) semaphore(%arg38 : memref<!tpu.dma_semaphore, #tpu.memory_space<semaphore_mem>>)
    %dma_start3A_125 = arith.constant 0 : i32
    %dma_start3A_126 = arith.constant 0 : i32
    %dma_start3A_127 = tpu.memref_slice %arg4[%dma_start3A_125, %dma_start3A_126] : memref<100000x128xf32, #tpu.memory_space<hbm>> -> memref<100000x128xf32, #tpu.memory_space<hbm>>
    tpu.enqueue_indirect_dma source(%dma_start3A_127 : memref<100000x128xf32, #tpu.memory_space<hbm>>) target(%arg23 : memref<128x128xf32, #tpu.memory_space<vmem>>) offsets(%arg17 : memref<128xi32, #tpu.memory_space<vmem>>) semaphore(%arg34 : memref<!tpu.dma_semaphore, #tpu.memory_space<semaphore_mem>>)
    %dma_start3A_128 = arith.constant 0 : i32
    %dma_start3A_129 = tpu.memref_slice %arg2[%add3A_122, %dma_start3A_128] : memref<16384x128xf32, #tpu.memory_space<hbm>> -> memref<128x128xf32, #tpu.memory_space<hbm>>
    %dma_start3A_130 = arith.constant 0 : i32
    %dma_start3A_131 = tpu.memref_slice %arg2[%add3A_122, %dma_start3A_130] : memref<16384x128xf32, #tpu.memory_space<hbm>> -> memref<128x128xf32, #tpu.memory_space<hbm>>
    tpu.enqueue_dma source(%dma_start3A_131 : memref<128x128xf32, #tpu.memory_space<hbm>>) target(%arg25 : memref<128x128xf32, #tpu.memory_space<vmem>>) target_semaphore(%arg36 : memref<!tpu.dma_semaphore, #tpu.memory_space<semaphore_mem>>)
    %dma_wait3A_132 = arith.constant 0 : i32
    %dma_wait3A_133 = arith.constant 0 : i32
    %dma_wait3A_134 = tpu.memref_slice %arg4[%dma_wait3A_132, %dma_wait3A_133] : memref<100000x128xf32, #tpu.memory_space<hbm>> -> memref<100000x128xf32, #tpu.memory_space<hbm>>
    tpu.wait_indirect_dma semaphore(%arg33 : memref<!tpu.dma_semaphore, #tpu.memory_space<semaphore_mem>>) src(%dma_wait3A_134 : memref<100000x128xf32, #tpu.memory_space<hbm>>) dst(%arg22 : memref<128x128xf32, #tpu.memory_space<vmem>>)
    %dma_wait3A_135 = arith.constant 0 : i32
    %dma_wait3A_136 = tpu.memref_slice %arg2[%mul3A_2, %dma_wait3A_135] : memref<16384x128xf32, #tpu.memory_space<hbm>> -> memref<128x128xf32, #tpu.memory_space<hbm>>
    %dma_wait3A_137 = arith.constant 0 : i32
    %dma_wait3A_138 = tpu.memref_slice %arg2[%mul3A_2, %dma_wait3A_137] : memref<16384x128xf32, #tpu.memory_space<hbm>> -> memref<128x128xf32, #tpu.memory_space<hbm>>
    tpu.wait_dma2 semaphore(%arg35 : memref<!tpu.dma_semaphore, #tpu.memory_space<semaphore_mem>>) src(%dma_wait3A_138 : memref<128x128xf32, #tpu.memory_space<hbm>>) dst(%arg24 : memref<128x128xf32, #tpu.memory_space<vmem>>)
    %scan3A_139 = arith.constant 0 : i32
    %scan3A_140 = arith.constant 0 : i32
    %scan3A_141 = arith.constant 8 : i32
    %scan3A_142 = arith.addi %scan3A_140, %scan3A_141 : i32
    %scan3A_143 = arith.constant 1 : i32
    %scan3A_144 = scf.for %scan3A_249 = %scan3A_140 to %scan3A_142 step %scan3A_143 iter_args(%scan3A_250 = %scan3A_139) -> (i32)  : i32 {
      %mul3A_251 = arith.constant 16 : i32
      %mul3A_252 = arith.muli %scan3A_249, %mul3A_251 : i32
      %add3A_253 = vector.broadcast %mul3A_252 : i32 to vector<16xi32>
      %add3A_254 = arith.addi %add3A_253, %iota3A : vector<16xi32>
      %broadcast_in_dim3A_255 = arith.constant 0.000000e+00 : f32
      %broadcast_in_dim3A_256 = vector.broadcast %broadcast_in_dim3A_255 : f32 to vector<16xf32>
      %scan3A_257 = arith.constant 0 : i32
      %scan3A_258 = arith.constant 8 : i32
      %scan3A_259 = arith.addi %scan3A_257, %scan3A_258 : i32
      %scan3A_260 = arith.constant 1 : i32
      %scan3A_261 = scf.for %scan3A_303 = %scan3A_257 to %scan3A_259 step %scan3A_260 iter_args(%scan3A_304 = %broadcast_in_dim3A_256) -> (vector<16xf32>)  : i32 {
        %mul3A_305 = arith.constant 16 : i32
        %mul3A_306 = arith.muli %scan3A_303, %mul3A_305 : i32
        %add3A_307 = arith.constant 0 : i32
        %add3A_308 = arith.addi %mul3A_306, %add3A_307 : i32
        %add3A_309 = vector.broadcast %add3A_308 : i32 to vector<16xi32>
        %add3A_310 = arith.addi %add3A_309, %iota3A : vector<16xi32>
        %and3A = arith.constant 127 : i32
        %and3A_311 = vector.broadcast %and3A : i32 to vector<16xi32>
        %and3A_312 = arith.andi %add3A_310, %and3A_311 : vector<16xi32>
        %gather3A = tpu.vector_load_idx %arg24[%add3A_254, %and3A_312] : memref<128x128xf32, #tpu.memory_space<vmem>>[vector<16xi32>, vector<16xi32>], vector<16xf32>,
        %gather3A_313 = tpu.vector_load_idx %arg22[%add3A_254, %and3A_312] : memref<128x128xf32, #tpu.memory_space<vmem>>[vector<16xi32>, vector<16xi32>], vector<16xf32>,
        %sub3A_314 = arith.subf %gather3A, %gather3A_313 : vector<16xf32>
        %mul3A_315 = arith.mulf %sub3A_314, %sub3A_314 : vector<16xf32>
        %add3A_316 = arith.addf %scan3A_304, %mul3A_315 : vector<16xf32>
        %mul3A_317 = arith.constant 16 : i32
        %mul3A_318 = arith.muli %scan3A_303, %mul3A_317 : i32
        %add3A_319 = arith.constant 1 : i32
        %add3A_320 = arith.addi %mul3A_318, %add3A_319 : i32
        %add3A_321 = vector.broadcast %add3A_320 : i32 to vector<16xi32>
        %add3A_322 = arith.addi %add3A_321, %iota3A : vector<16xi32>
        %and3A_323 = arith.constant 127 : i32
        %and3A_324 = vector.broadcast %and3A_323 : i32 to vector<16xi32>
        %and3A_325 = arith.andi %add3A_322, %and3A_324 : vector<16xi32>
        %gather3A_326 = tpu.vector_load_idx %arg24[%add3A_254, %and3A_325] : memref<128x128xf32, #tpu.memory_space<vmem>>[vector<16xi32>, vector<16xi32>], vector<16xf32>,
        %gather3A_327 = tpu.vector_load_idx %arg22[%add3A_254, %and3A_325] : memref<128x128xf32, #tpu.memory_space<vmem>>[vector<16xi32>, vector<16xi32>], vector<16xf32>,
        %sub3A_328 = arith.subf %gather3A_326, %gather3A_327 : vector<16xf32>
        %mul3A_329 = arith.mulf %sub3A_328, %sub3A_328 : vector<16xf32>
        %add3A_330 = arith.addf %add3A_316, %mul3A_329 : vector<16xf32>
        %mul3A_331 = arith.constant 16 : i32
        %mul3A_332 = arith.muli %scan3A_303, %mul3A_331 : i32
        %add3A_333 = arith.constant 2 : i32
        %add3A_334 = arith.addi %mul3A_332, %add3A_333 : i32
        %add3A_335 = vector.broadcast %add3A_334 : i32 to vector<16xi32>
        %add3A_336 = arith.addi %add3A_335, %iota3A : vector<16xi32>
        %and3A_337 = arith.constant 127 : i32
        %and3A_338 = vector.broadcast %and3A_337 : i32 to vector<16xi32>
        %and3A_339 = arith.andi %add3A_336, %and3A_338 : vector<16xi32>
        %gather3A_340 = tpu.vector_load_idx %arg24[%add3A_254, %and3A_339] : memref<128x128xf32, #tpu.memory_space<vmem>>[vector<16xi32>, vector<16xi32>], vector<16xf32>,
        %gather3A_341 = tpu.vector_load_idx %arg22[%add3A_254, %and3A_339] : memref<128x128xf32, #tpu.memory_space<vmem>>[vector<16xi32>, vector<16xi32>], vector<16xf32>,
        %sub3A_342 = arith.subf %gather3A_340, %gather3A_341 : vector<16xf32>
        %mul3A_343 = arith.mulf %sub3A_342, %sub3A_342 : vector<16xf32>
        %add3A_344 = arith.addf %add3A_330, %mul3A_343 : vector<16xf32>
        %mul3A_345 = arith.constant 16 : i32
        %mul3A_346 = arith.muli %scan3A_303, %mul3A_345 : i32
        %add3A_347 = arith.constant 3 : i32
        %add3A_348 = arith.addi %mul3A_346, %add3A_347 : i32
        %add3A_349 = vector.broadcast %add3A_348 : i32 to vector<16xi32>
        %add3A_350 = arith.addi %add3A_349, %iota3A : vector<16xi32>
        %and3A_351 = arith.constant 127 : i32
        %and3A_352 = vector.broadcast %and3A_351 : i32 to vector<16xi32>
        %and3A_353 = arith.andi %add3A_350, %and3A_352 : vector<16xi32>
        %gather3A_354 = tpu.vector_load_idx %arg24[%add3A_254, %and3A_353] : memref<128x128xf32, #tpu.memory_space<vmem>>[vector<16xi32>, vector<16xi32>], vector<16xf32>,
        %gather3A_355 = tpu.vector_load_idx %arg22[%add3A_254, %and3A_353] : memref<128x128xf32, #tpu.memory_space<vmem>>[vector<16xi32>, vector<16xi32>], vector<16xf32>,
        %sub3A_356 = arith.subf %gather3A_354, %gather3A_355 : vector<16xf32>
        %mul3A_357 = arith.mulf %sub3A_356, %sub3A_356 : vector<16xf32>
        %add3A_358 = arith.addf %add3A_344, %mul3A_357 : vector<16xf32>
        %mul3A_359 = arith.constant 16 : i32
        %mul3A_360 = arith.muli %scan3A_303, %mul3A_359 : i32
        %add3A_361 = arith.constant 4 : i32
        %add3A_362 = arith.addi %mul3A_360, %add3A_361 : i32
        %add3A_363 = vector.broadcast %add3A_362 : i32 to vector<16xi32>
        %add3A_364 = arith.addi %add3A_363, %iota3A : vector<16xi32>
        %and3A_365 = arith.constant 127 : i32
        %and3A_366 = vector.broadcast %and3A_365 : i32 to vector<16xi32>
        %and3A_367 = arith.andi %add3A_364, %and3A_366 : vector<16xi32>
        %gather3A_368 = tpu.vector_load_idx %arg24[%add3A_254, %and3A_367] : memref<128x128xf32, #tpu.memory_space<vmem>>[vector<16xi32>, vector<16xi32>], vector<16xf32>,
        %gather3A_369 = tpu.vector_load_idx %arg22[%add3A_254, %and3A_367] : memref<128x128xf32, #tpu.memory_space<vmem>>[vector<16xi32>, vector<16xi32>], vector<16xf32>,
        %sub3A_370 = arith.subf %gather3A_368, %gather3A_369 : vector<16xf32>
        %mul3A_371 = arith.mulf %sub3A_370, %sub3A_370 : vector<16xf32>
        %add3A_372 = arith.addf %add3A_358, %mul3A_371 : vector<16xf32>
        %mul3A_373 = arith.constant 16 : i32
        %mul3A_374 = arith.muli %scan3A_303, %mul3A_373 : i32
        %add3A_375 = arith.constant 5 : i32
        %add3A_376 = arith.addi %mul3A_374, %add3A_375 : i32
        %add3A_377 = vector.broadcast %add3A_376 : i32 to vector<16xi32>
        %add3A_378 = arith.addi %add3A_377, %iota3A : vector<16xi32>
        %and3A_379 = arith.constant 127 : i32
        %and3A_380 = vector.broadcast %and3A_379 : i32 to vector<16xi32>
        %and3A_381 = arith.andi %add3A_378, %and3A_380 : vector<16xi32>
        %gather3A_382 = tpu.vector_load_idx %arg24[%add3A_254, %and3A_381] : memref<128x128xf32, #tpu.memory_space<vmem>>[vector<16xi32>, vector<16xi32>], vector<16xf32>,
        %gather3A_383 = tpu.vector_load_idx %arg22[%add3A_254, %and3A_381] : memref<128x128xf32, #tpu.memory_space<vmem>>[vector<16xi32>, vector<16xi32>], vector<16xf32>,
        %sub3A_384 = arith.subf %gather3A_382, %gather3A_383 : vector<16xf32>
        %mul3A_385 = arith.mulf %sub3A_384, %sub3A_384 : vector<16xf32>
        %add3A_386 = arith.addf %add3A_372, %mul3A_385 : vector<16xf32>
        %mul3A_387 = arith.constant 16 : i32
        %mul3A_388 = arith.muli %scan3A_303, %mul3A_387 : i32
        %add3A_389 = arith.constant 6 : i32
        %add3A_390 = arith.addi %mul3A_388, %add3A_389 : i32
        %add3A_391 = vector.broadcast %add3A_390 : i32 to vector<16xi32>
        %add3A_392 = arith.addi %add3A_391, %iota3A : vector<16xi32>
        %and3A_393 = arith.constant 127 : i32
        %and3A_394 = vector.broadcast %and3A_393 : i32 to vector<16xi32>
        %and3A_395 = arith.andi %add3A_392, %and3A_394 : vector<16xi32>
        %gather3A_396 = tpu.vector_load_idx %arg24[%add3A_254, %and3A_395] : memref<128x128xf32, #tpu.memory_space<vmem>>[vector<16xi32>, vector<16xi32>], vector<16xf32>,
        %gather3A_397 = tpu.vector_load_idx %arg22[%add3A_254, %and3A_395] : memref<128x128xf32, #tpu.memory_space<vmem>>[vector<16xi32>, vector<16xi32>], vector<16xf32>,
        %sub3A_398 = arith.subf %gather3A_396, %gather3A_397 : vector<16xf32>
        %mul3A_399 = arith.mulf %sub3A_398, %sub3A_398 : vector<16xf32>
        %add3A_400 = arith.addf %add3A_386, %mul3A_399 : vector<16xf32>
        %mul3A_401 = arith.constant 16 : i32
        %mul3A_402 = arith.muli %scan3A_303, %mul3A_401 : i32
        %add3A_403 = arith.constant 7 : i32
        %add3A_404 = arith.addi %mul3A_402, %add3A_403 : i32
        %add3A_405 = vector.broadcast %add3A_404 : i32 to vector<16xi32>
        %add3A_406 = arith.addi %add3A_405, %iota3A : vector<16xi32>
        %and3A_407 = arith.constant 127 : i32
        %and3A_408 = vector.broadcast %and3A_407 : i32 to vector<16xi32>
        %and3A_409 = arith.andi %add3A_406, %and3A_408 : vector<16xi32>
        %gather3A_410 = tpu.vector_load_idx %arg24[%add3A_254, %and3A_409] : memref<128x128xf32, #tpu.memory_space<vmem>>[vector<16xi32>, vector<16xi32>], vector<16xf32>,
        %gather3A_411 = tpu.vector_load_idx %arg22[%add3A_254, %and3A_409] : memref<128x128xf32, #tpu.memory_space<vmem>>[vector<16xi32>, vector<16xi32>], vector<16xf32>,
        %sub3A_412 = arith.subf %gather3A_410, %gather3A_411 : vector<16xf32>
        %mul3A_413 = arith.mulf %sub3A_412, %sub3A_412 : vector<16xf32>
        %add3A_414 = arith.addf %add3A_400, %mul3A_413 : vector<16xf32>
        %mul3A_415 = arith.constant 16 : i32
        %mul3A_416 = arith.muli %scan3A_303, %mul3A_415 : i32
        %add3A_417 = arith.constant 8 : i32
        %add3A_418 = arith.addi %mul3A_416, %add3A_417 : i32
        %add3A_419 = vector.broadcast %add3A_418 : i32 to vector<16xi32>
        %add3A_420 = arith.addi %add3A_419, %iota3A : vector<16xi32>
        %and3A_421 = arith.constant 127 : i32
        %and3A_422 = vector.broadcast %and3A_421 : i32 to vector<16xi32>
        %and3A_423 = arith.andi %add3A_420, %and3A_422 : vector<16xi32>
        %gather3A_424 = tpu.vector_load_idx %arg24[%add3A_254, %and3A_423] : memref<128x128xf32, #tpu.memory_space<vmem>>[vector<16xi32>, vector<16xi32>], vector<16xf32>,
        %gather3A_425 = tpu.vector_load_idx %arg22[%add3A_254, %and3A_423] : memref<128x128xf32, #tpu.memory_space<vmem>>[vector<16xi32>, vector<16xi32>], vector<16xf32>,
        %sub3A_426 = arith.subf %gather3A_424, %gather3A_425 : vector<16xf32>
        %mul3A_427 = arith.mulf %sub3A_426, %sub3A_426 : vector<16xf32>
        %add3A_428 = arith.addf %add3A_414, %mul3A_427 : vector<16xf32>
        %mul3A_429 = arith.constant 16 : i32
        %mul3A_430 = arith.muli %scan3A_303, %mul3A_429 : i32
        %add3A_431 = arith.constant 9 : i32
        %add3A_432 = arith.addi %mul3A_430, %add3A_431 : i32
        %add3A_433 = vector.broadcast %add3A_432 : i32 to vector<16xi32>
        %add3A_434 = arith.addi %add3A_433, %iota3A : vector<16xi32>
        %and3A_435 = arith.constant 127 : i32
        %and3A_436 = vector.broadcast %and3A_435 : i32 to vector<16xi32>
        %and3A_437 = arith.andi %add3A_434, %and3A_436 : vector<16xi32>
        %gather3A_438 = tpu.vector_load_idx %arg24[%add3A_254, %and3A_437] : memref<128x128xf32, #tpu.memory_space<vmem>>[vector<16xi32>, vector<16xi32>], vector<16xf32>,
        %gather3A_439 = tpu.vector_load_idx %arg22[%add3A_254, %and3A_437] : memref<128x128xf32, #tpu.memory_space<vmem>>[vector<16xi32>, vector<16xi32>], vector<16xf32>,
        %sub3A_440 = arith.subf %gather3A_438, %gather3A_439 : vector<16xf32>
        %mul3A_441 = arith.mulf %sub3A_440, %sub3A_440 : vector<16xf32>
        %add3A_442 = arith.addf %add3A_428, %mul3A_441 : vector<16xf32>
        %mul3A_443 = arith.constant 16 : i32
        %mul3A_444 = arith.muli %scan3A_303, %mul3A_443 : i32
        %add3A_445 = arith.constant 10 : i32
        %add3A_446 = arith.addi %mul3A_444, %add3A_445 : i32
        %add3A_447 = vector.broadcast %add3A_446 : i32 to vector<16xi32>
        %add3A_448 = arith.addi %add3A_447, %iota3A : vector<16xi32>
        %and3A_449 = arith.constant 127 : i32
        %and3A_450 = vector.broadcast %and3A_449 : i32 to vector<16xi32>
        %and3A_451 = arith.andi %add3A_448, %and3A_450 : vector<16xi32>
        %gather3A_452 = tpu.vector_load_idx %arg24[%add3A_254, %and3A_451] : memref<128x128xf32, #tpu.memory_space<vmem>>[vector<16xi32>, vector<16xi32>], vector<16xf32>,
        %gather3A_453 = tpu.vector_load_idx %arg22[%add3A_254, %and3A_451] : memref<128x128xf32, #tpu.memory_space<vmem>>[vector<16xi32>, vector<16xi32>], vector<16xf32>,
        %sub3A_454 = arith.subf %gather3A_452, %gather3A_453 : vector<16xf32>
        %mul3A_455 = arith.mulf %sub3A_454, %sub3A_454 : vector<16xf32>
        %add3A_456 = arith.addf %add3A_442, %mul3A_455 : vector<16xf32>
        %mul3A_457 = arith.constant 16 : i32
        %mul3A_458 = arith.muli %scan3A_303, %mul3A_457 : i32
        %add3A_459 = arith.constant 11 : i32
        %add3A_460 = arith.addi %mul3A_458, %add3A_459 : i32
        %add3A_461 = vector.broadcast %add3A_460 : i32 to vector<16xi32>
        %add3A_462 = arith.addi %add3A_461, %iota3A : vector<16xi32>
        %and3A_463 = arith.constant 127 : i32
        %and3A_464 = vector.broadcast %and3A_463 : i32 to vector<16xi32>
        %and3A_465 = arith.andi %add3A_462, %and3A_464 : vector<16xi32>
        %gather3A_466 = tpu.vector_load_idx %arg24[%add3A_254, %and3A_465] : memref<128x128xf32, #tpu.memory_space<vmem>>[vector<16xi32>, vector<16xi32>], vector<16xf32>,
        %gather3A_467 = tpu.vector_load_idx %arg22[%add3A_254, %and3A_465] : memref<128x128xf32, #tpu.memory_space<vmem>>[vector<16xi32>, vector<16xi32>], vector<16xf32>,
        %sub3A_468 = arith.subf %gather3A_466, %gather3A_467 : vector<16xf32>
        %mul3A_469 = arith.mulf %sub3A_468, %sub3A_468 : vector<16xf32>
        %add3A_470 = arith.addf %add3A_456, %mul3A_469 : vector<16xf32>
        %mul3A_471 = arith.constant 16 : i32
        %mul3A_472 = arith.muli %scan3A_303, %mul3A_471 : i32
        %add3A_473 = arith.constant 12 : i32
        %add3A_474 = arith.addi %mul3A_472, %add3A_473 : i32
        %add3A_475 = vector.broadcast %add3A_474 : i32 to vector<16xi32>
        %add3A_476 = arith.addi %add3A_475, %iota3A : vector<16xi32>
        %and3A_477 = arith.constant 127 : i32
        %and3A_478 = vector.broadcast %and3A_477 : i32 to vector<16xi32>
        %and3A_479 = arith.andi %add3A_476, %and3A_478 : vector<16xi32>
        %gather3A_480 = tpu.vector_load_idx %arg24[%add3A_254, %and3A_479] : memref<128x128xf32, #tpu.memory_space<vmem>>[vector<16xi32>, vector<16xi32>], vector<16xf32>,
        %gather3A_481 = tpu.vector_load_idx %arg22[%add3A_254, %and3A_479] : memref<128x128xf32, #tpu.memory_space<vmem>>[vector<16xi32>, vector<16xi32>], vector<16xf32>,
        %sub3A_482 = arith.subf %gather3A_480, %gather3A_481 : vector<16xf32>
        %mul3A_483 = arith.mulf %sub3A_482, %sub3A_482 : vector<16xf32>
        %add3A_484 = arith.addf %add3A_470, %mul3A_483 : vector<16xf32>
        %mul3A_485 = arith.constant 16 : i32
        %mul3A_486 = arith.muli %scan3A_303, %mul3A_485 : i32
        %add3A_487 = arith.constant 13 : i32
        %add3A_488 = arith.addi %mul3A_486, %add3A_487 : i32
        %add3A_489 = vector.broadcast %add3A_488 : i32 to vector<16xi32>
        %add3A_490 = arith.addi %add3A_489, %iota3A : vector<16xi32>
        %and3A_491 = arith.constant 127 : i32
        %and3A_492 = vector.broadcast %and3A_491 : i32 to vector<16xi32>
        %and3A_493 = arith.andi %add3A_490, %and3A_492 : vector<16xi32>
        %gather3A_494 = tpu.vector_load_idx %arg24[%add3A_254, %and3A_493] : memref<128x128xf32, #tpu.memory_space<vmem>>[vector<16xi32>, vector<16xi32>], vector<16xf32>,
        %gather3A_495 = tpu.vector_load_idx %arg22[%add3A_254, %and3A_493] : memref<128x128xf32, #tpu.memory_space<vmem>>[vector<16xi32>, vector<16xi32>], vector<16xf32>,
        %sub3A_496 = arith.subf %gather3A_494, %gather3A_495 : vector<16xf32>
        %mul3A_497 = arith.mulf %sub3A_496, %sub3A_496 : vector<16xf32>
        %add3A_498 = arith.addf %add3A_484, %mul3A_497 : vector<16xf32>
        %mul3A_499 = arith.constant 16 : i32
        %mul3A_500 = arith.muli %scan3A_303, %mul3A_499 : i32
        %add3A_501 = arith.constant 14 : i32
        %add3A_502 = arith.addi %mul3A_500, %add3A_501 : i32
        %add3A_503 = vector.broadcast %add3A_502 : i32 to vector<16xi32>
        %add3A_504 = arith.addi %add3A_503, %iota3A : vector<16xi32>
        %and3A_505 = arith.constant 127 : i32
        %and3A_506 = vector.broadcast %and3A_505 : i32 to vector<16xi32>
        %and3A_507 = arith.andi %add3A_504, %and3A_506 : vector<16xi32>
        %gather3A_508 = tpu.vector_load_idx %arg24[%add3A_254, %and3A_507] : memref<128x128xf32, #tpu.memory_space<vmem>>[vector<16xi32>, vector<16xi32>], vector<16xf32>,
        %gather3A_509 = tpu.vector_load_idx %arg22[%add3A_254, %and3A_507] : memref<128x128xf32, #tpu.memory_space<vmem>>[vector<16xi32>, vector<16xi32>], vector<16xf32>,
        %sub3A_510 = arith.subf %gather3A_508, %gather3A_509 : vector<16xf32>
        %mul3A_511 = arith.mulf %sub3A_510, %sub3A_510 : vector<16xf32>
        %add3A_512 = arith.addf %add3A_498, %mul3A_511 : vector<16xf32>
        %mul3A_513 = arith.constant 16 : i32
        %mul3A_514 = arith.muli %scan3A_303, %mul3A_513 : i32
        %add3A_515 = arith.constant 15 : i32
        %add3A_516 = arith.addi %mul3A_514, %add3A_515 : i32
        %add3A_517 = vector.broadcast %add3A_516 : i32 to vector<16xi32>
        %add3A_518 = arith.addi %add3A_517, %iota3A : vector<16xi32>
        %and3A_519 = arith.constant 127 : i32
        %and3A_520 = vector.broadcast %and3A_519 : i32 to vector<16xi32>
        %and3A_521 = arith.andi %add3A_518, %and3A_520 : vector<16xi32>
        %gather3A_522 = tpu.vector_load_idx %arg24[%add3A_254, %and3A_521] : memref<128x128xf32, #tpu.memory_space<vmem>>[vector<16xi32>, vector<16xi32>], vector<16xf32>,
        %gather3A_523 = tpu.vector_load_idx %arg22[%add3A_254, %and3A_521] : memref<128x128xf32, #tpu.memory_space<vmem>>[vector<16xi32>, vector<16xi32>], vector<16xf32>,
        %sub3A_524 = arith.subf %gather3A_522, %gather3A_523 : vector<16xf32>
        %mul3A_525 = arith.mulf %sub3A_524, %sub3A_524 : vector<16xf32>
        %add3A_526 = arith.addf %add3A_512, %mul3A_525 : vector<16xf32>
        scf.yield %add3A_526 : vector<16xf32>
      }
      %scan3A_262 = arith.constant 8 : i32
      %max3A = arith.constant 1.000000e-30 : f32
      %max3A_263 = vector.broadcast %max3A : f32 to vector<16xf32>
      %max3A_264 = arith.maximumf %scan3A_261, %max3A_263 : vector<16xf32>
      %bitcast3A = vector.bitcast %max3A_264 : vector<16xf32> to vector<16xi32>
      %broadcast_in_dim3A_265 = arith.constant 1597463007 : i32
      %broadcast_in_dim3A_266 = vector.broadcast %broadcast_in_dim3A_265 : i32 to vector<16xi32>
      %shift_right_arithmetic3A = arith.constant 1 : i32
      %shift_right_arithmetic3A_267 = vector.broadcast %shift_right_arithmetic3A : i32 to vector<16xi32>
      %shift_right_arithmetic3A_268 = arith.shrsi %bitcast3A, %shift_right_arithmetic3A_267 : vector<16xi32>
      %sub3A = arith.subi %broadcast_in_dim3A_266, %shift_right_arithmetic3A_268 : vector<16xi32>
      %bitcast3A_269 = vector.bitcast %sub3A : vector<16xi32> to vector<16xf32>
      %mul3A_270 = arith.constant 5.000000e-01 : f32
      %mul3A_271 = vector.broadcast %mul3A_270 : f32 to vector<16xf32>
      %mul3A_272 = arith.mulf %mul3A_271, %max3A_264 : vector<16xf32>
      %mul3A_273 = arith.mulf %mul3A_272, %bitcast3A_269 : vector<16xf32>
      %mul3A_274 = arith.mulf %mul3A_273, %bitcast3A_269 : vector<16xf32>
      %sub3A_275 = arith.constant 1.500000e+00 : f32
      %sub3A_276 = vector.broadcast %sub3A_275 : f32 to vector<16xf32>
      %sub3A_277 = arith.subf %sub3A_276, %mul3A_274 : vector<16xf32>
      %mul3A_278 = arith.mulf %bitcast3A_269, %sub3A_277 : vector<16xf32>
      %mul3A_279 = arith.constant 5.000000e-01 : f32
      %mul3A_280 = vector.broadcast %mul3A_279 : f32 to vector<16xf32>
      %mul3A_281 = arith.mulf %mul3A_280, %max3A_264 : vector<16xf32>
      %mul3A_282 = arith.mulf %mul3A_281, %mul3A_278 : vector<16xf32>
      %mul3A_283 = arith.mulf %mul3A_282, %mul3A_278 : vector<16xf32>
      %sub3A_284 = arith.constant 1.500000e+00 : f32
      %sub3A_285 = vector.broadcast %sub3A_284 : f32 to vector<16xf32>
      %sub3A_286 = arith.subf %sub3A_285, %mul3A_283 : vector<16xf32>
      %mul3A_287 = arith.mulf %mul3A_278, %sub3A_286 : vector<16xf32>
      %mul3A_288 = arith.constant 5.000000e-01 : f32
      %mul3A_289 = vector.broadcast %mul3A_288 : f32 to vector<16xf32>
      %mul3A_290 = arith.mulf %mul3A_289, %max3A_264 : vector<16xf32>
      %mul3A_291 = arith.mulf %mul3A_290, %mul3A_287 : vector<16xf32>
      %mul3A_292 = arith.mulf %mul3A_291, %mul3A_287 : vector<16xf32>
      %sub3A_293 = arith.constant 1.500000e+00 : f32
      %sub3A_294 = vector.broadcast %sub3A_293 : f32 to vector<16xf32>
      %sub3A_295 = arith.subf %sub3A_294, %mul3A_292 : vector<16xf32>
      %mul3A_296 = arith.mulf %mul3A_287, %sub3A_295 : vector<16xf32>
      %mul3A_297 = arith.mulf %max3A_264, %mul3A_296 : vector<16xf32>
      %mul3A_298 = arith.constant 16 : i32
      %mul3A_299 = arith.muli %scan3A_249, %mul3A_298 : i32
      %swap3A_300 = arith.index_cast %mul3A_299 : i32 to index
      %swap3A_301 = tpu.vector_load %arg26[%swap3A_300] {strides = array<i32>} : memref<512xf32, #tpu.memory_space<vmem>>, vector<16xf32>,
      tpu.vector_store %arg26[%swap3A_300], %mul3A_297 {strides = array<i32>} : memref<512xf32, #tpu.memory_space<vmem>>, vector<16xf32>,
      %scan3A_302 = arith.constant 0 : i32
      scf.yield %scan3A_302 : i32
    }
    %scan3A_145 = arith.constant 8 : i32
    %dma_wait3A_146 = arith.constant 0 : i32
    %dma_wait3A_147 = tpu.memref_slice %arg29[%dma_wait3A_146] : memref<100096xf32, #tpu.memory_space<vmem_shared>> -> memref<100096xf32, #tpu.memory_space<vmem_shared>>
    tpu.wait_indirect_dma semaphore(%arg37 : memref<!tpu.dma_semaphore, #tpu.memory_space<semaphore_mem>>) src(%dma_wait3A_147 : memref<100096xf32, #tpu.memory_space<vmem_shared>>) dst(%arg18 : memref<128xf32, #tpu.memory_space<vmem>>)
    %scan3A_148 = arith.constant 0 : i32
    %scan3A_149 = arith.constant 8 : i32
    %scan3A_150 = arith.addi %scan3A_148, %scan3A_149 : i32
    %scan3A_151 = arith.constant 1 : i32
    %scan3A_152 = scf.for %scan3A_249 = %scan3A_148 to %scan3A_150 step %scan3A_151 iter_args(%scan3A_250 = %broadcast_in_dim3A_120) -> (vector<16xf32>)  : i32 {
      %mul3A_251 = arith.constant 16 : i32
      %mul3A_252 = arith.muli %scan3A_249, %mul3A_251 : i32
      %get3A = arith.index_cast %mul3A_252 : i32 to index
      %get3A_253 = tpu.vector_load %arg26[%get3A] {strides = array<i32>} : memref<512xf32, #tpu.memory_space<vmem>>, vector<16xf32>,
      %mul3A_254 = arith.constant 16 : i32
      %mul3A_255 = arith.muli %scan3A_249, %mul3A_254 : i32
      %get3A_256 = arith.index_cast %mul3A_255 : i32 to index
      %get3A_257 = tpu.vector_load %arg18[%get3A_256] {strides = array<i32>} : memref<128xf32, #tpu.memory_space<vmem>>, vector<16xf32>,
      %div3A = arith.divf %get3A_253, %get3A_257 : vector<16xf32>
      %add3A_258 = arith.addf %scan3A_250, %div3A : vector<16xf32>
      scf.yield %add3A_258 : vector<16xf32>
    }
    %scan3A_153 = arith.constant 8 : i32
    %add3A_154 = arith.constant 256 : i32
    %add3A_155 = arith.addi %mul3A_2, %add3A_154 : i32
    "tpu.region"() ({
      %run_scoped3A = tpu.sem_alloc : memref<!tpu.dma_semaphore, #tpu.memory_space<semaphore_mem>>
      %dma_start3A_249 = tpu.memref_slice %arg3[%add3A_155] : memref<16384xi32, #tpu.memory_space<hbm>> -> memref<128xi32, #tpu.memory_space<hbm>>
      %dma_start3A_250 = tpu.memref_slice %arg3[%add3A_155] : memref<16384xi32, #tpu.memory_space<hbm>> -> memref<128xi32, #tpu.memory_space<hbm>>
      tpu.enqueue_dma source(%dma_start3A_250 : memref<128xi32, #tpu.memory_space<hbm>>) target(%arg16 : memref<128xi32, #tpu.memory_space<vmem>>) target_semaphore(%run_scoped3A : memref<!tpu.dma_semaphore, #tpu.memory_space<semaphore_mem>>)
      %dma_wait3A_251 = tpu.memref_slice %arg3[%add3A_155] : memref<16384xi32, #tpu.memory_space<hbm>> -> memref<128xi32, #tpu.memory_space<hbm>>
      %dma_wait3A_252 = tpu.memref_slice %arg3[%add3A_155] : memref<16384xi32, #tpu.memory_space<hbm>> -> memref<128xi32, #tpu.memory_space<hbm>>
      tpu.wait_dma2 semaphore(%run_scoped3A : memref<!tpu.dma_semaphore, #tpu.memory_space<semaphore_mem>>) src(%dma_wait3A_252 : memref<128xi32, #tpu.memory_space<hbm>>) dst(%arg16 : memref<128xi32, #tpu.memory_space<vmem>>)
      tpu.yield
    }) : () -> ()
    %dma_start3A_156 = arith.constant 0 : i32
    %dma_start3A_157 = tpu.memref_slice %arg29[%dma_start3A_156] : memref<100096xf32, #tpu.memory_space<vmem_shared>> -> memref<100096xf32, #tpu.memory_space<vmem_shared>>
    tpu.enqueue_indirect_dma source(%dma_start3A_157 : memref<100096xf32, #tpu.memory_space<vmem_shared>>) target(%arg18 : memref<128xf32, #tpu.memory_space<vmem>>) offsets(%arg16 : memref<128xi32, #tpu.memory_space<vmem>>) semaphore(%arg37 : memref<!tpu.dma_semaphore, #tpu.memory_space<semaphore_mem>>)
    %dma_start3A_158 = arith.constant 0 : i32
    %dma_start3A_159 = arith.constant 0 : i32
    %dma_start3A_160 = tpu.memref_slice %arg4[%dma_start3A_158, %dma_start3A_159] : memref<100000x128xf32, #tpu.memory_space<hbm>> -> memref<100000x128xf32, #tpu.memory_space<hbm>>
    tpu.enqueue_indirect_dma source(%dma_start3A_160 : memref<100000x128xf32, #tpu.memory_space<hbm>>) target(%arg22 : memref<128x128xf32, #tpu.memory_space<vmem>>) offsets(%arg16 : memref<128xi32, #tpu.memory_space<vmem>>) semaphore(%arg33 : memref<!tpu.dma_semaphore, #tpu.memory_space<semaphore_mem>>)
    %dma_start3A_161 = arith.constant 0 : i32
    %dma_start3A_162 = tpu.memref_slice %arg2[%add3A_155, %dma_start3A_161] : memref<16384x128xf32, #tpu.memory_space<hbm>> -> memref<128x128xf32, #tpu.memory_space<hbm>>
    %dma_start3A_163 = arith.constant 0 : i32
    %dma_start3A_164 = tpu.memref_slice %arg2[%add3A_155, %dma_start3A_163] : memref<16384x128xf32, #tpu.memory_space<hbm>> -> memref<128x128xf32, #tpu.memory_space<hbm>>
    tpu.enqueue_dma source(%dma_start3A_164 : memref<128x128xf32, #tpu.memory_space<hbm>>) target(%arg24 : memref<128x128xf32, #tpu.memory_space<vmem>>) target_semaphore(%arg35 : memref<!tpu.dma_semaphore, #tpu.memory_space<semaphore_mem>>)
    %dma_wait3A_165 = arith.constant 0 : i32
    %dma_wait3A_166 = arith.constant 0 : i32
    %dma_wait3A_167 = tpu.memref_slice %arg4[%dma_wait3A_165, %dma_wait3A_166] : memref<100000x128xf32, #tpu.memory_space<hbm>> -> memref<100000x128xf32, #tpu.memory_space<hbm>>
    tpu.wait_indirect_dma semaphore(%arg34 : memref<!tpu.dma_semaphore, #tpu.memory_space<semaphore_mem>>) src(%dma_wait3A_167 : memref<100000x128xf32, #tpu.memory_space<hbm>>) dst(%arg23 : memref<128x128xf32, #tpu.memory_space<vmem>>)
    %dma_wait3A_168 = arith.constant 0 : i32
    %dma_wait3A_169 = tpu.memref_slice %arg2[%add3A_122, %dma_wait3A_168] : memref<16384x128xf32, #tpu.memory_space<hbm>> -> memref<128x128xf32, #tpu.memory_space<hbm>>
    %dma_wait3A_170 = arith.constant 0 : i32
    %dma_wait3A_171 = tpu.memref_slice %arg2[%add3A_122, %dma_wait3A_170] : memref<16384x128xf32, #tpu.memory_space<hbm>> -> memref<128x128xf32, #tpu.memory_space<hbm>>
    tpu.wait_dma2 semaphore(%arg36 : memref<!tpu.dma_semaphore, #tpu.memory_space<semaphore_mem>>) src(%dma_wait3A_171 : memref<128x128xf32, #tpu.memory_space<hbm>>) dst(%arg25 : memref<128x128xf32, #tpu.memory_space<vmem>>)
    %scan3A_172 = arith.constant 0 : i32
    %scan3A_173 = arith.constant 0 : i32
    %scan3A_174 = arith.constant 8 : i32
    %scan3A_175 = arith.addi %scan3A_173, %scan3A_174 : i32
    %scan3A_176 = arith.constant 1 : i32
    %scan3A_177 = scf.for %scan3A_249 = %scan3A_173 to %scan3A_175 step %scan3A_176 iter_args(%scan3A_250 = %scan3A_172) -> (i32)  : i32 {
      %mul3A_251 = arith.constant 16 : i32
      %mul3A_252 = arith.muli %scan3A_249, %mul3A_251 : i32
      %add3A_253 = vector.broadcast %mul3A_252 : i32 to vector<16xi32>
      %add3A_254 = arith.addi %add3A_253, %iota3A : vector<16xi32>
      %broadcast_in_dim3A_255 = arith.constant 0.000000e+00 : f32
      %broadcast_in_dim3A_256 = vector.broadcast %broadcast_in_dim3A_255 : f32 to vector<16xf32>
      %scan3A_257 = arith.constant 0 : i32
      %scan3A_258 = arith.constant 8 : i32
      %scan3A_259 = arith.addi %scan3A_257, %scan3A_258 : i32
      %scan3A_260 = arith.constant 1 : i32
      %scan3A_261 = scf.for %scan3A_303 = %scan3A_257 to %scan3A_259 step %scan3A_260 iter_args(%scan3A_304 = %broadcast_in_dim3A_256) -> (vector<16xf32>)  : i32 {
        %mul3A_305 = arith.constant 16 : i32
        %mul3A_306 = arith.muli %scan3A_303, %mul3A_305 : i32
        %add3A_307 = arith.constant 0 : i32
        %add3A_308 = arith.addi %mul3A_306, %add3A_307 : i32
        %add3A_309 = vector.broadcast %add3A_308 : i32 to vector<16xi32>
        %add3A_310 = arith.addi %add3A_309, %iota3A : vector<16xi32>
        %and3A = arith.constant 127 : i32
        %and3A_311 = vector.broadcast %and3A : i32 to vector<16xi32>
        %and3A_312 = arith.andi %add3A_310, %and3A_311 : vector<16xi32>
        %gather3A = tpu.vector_load_idx %arg25[%add3A_254, %and3A_312] : memref<128x128xf32, #tpu.memory_space<vmem>>[vector<16xi32>, vector<16xi32>], vector<16xf32>,
        %gather3A_313 = tpu.vector_load_idx %arg23[%add3A_254, %and3A_312] : memref<128x128xf32, #tpu.memory_space<vmem>>[vector<16xi32>, vector<16xi32>], vector<16xf32>,
        %sub3A_314 = arith.subf %gather3A, %gather3A_313 : vector<16xf32>
        %mul3A_315 = arith.mulf %sub3A_314, %sub3A_314 : vector<16xf32>
        %add3A_316 = arith.addf %scan3A_304, %mul3A_315 : vector<16xf32>
        %mul3A_317 = arith.constant 16 : i32
        %mul3A_318 = arith.muli %scan3A_303, %mul3A_317 : i32
        %add3A_319 = arith.constant 1 : i32
        %add3A_320 = arith.addi %mul3A_318, %add3A_319 : i32
        %add3A_321 = vector.broadcast %add3A_320 : i32 to vector<16xi32>
        %add3A_322 = arith.addi %add3A_321, %iota3A : vector<16xi32>
        %and3A_323 = arith.constant 127 : i32
        %and3A_324 = vector.broadcast %and3A_323 : i32 to vector<16xi32>
        %and3A_325 = arith.andi %add3A_322, %and3A_324 : vector<16xi32>
        %gather3A_326 = tpu.vector_load_idx %arg25[%add3A_254, %and3A_325] : memref<128x128xf32, #tpu.memory_space<vmem>>[vector<16xi32>, vector<16xi32>], vector<16xf32>,
        %gather3A_327 = tpu.vector_load_idx %arg23[%add3A_254, %and3A_325] : memref<128x128xf32, #tpu.memory_space<vmem>>[vector<16xi32>, vector<16xi32>], vector<16xf32>,
        %sub3A_328 = arith.subf %gather3A_326, %gather3A_327 : vector<16xf32>
        %mul3A_329 = arith.mulf %sub3A_328, %sub3A_328 : vector<16xf32>
        %add3A_330 = arith.addf %add3A_316, %mul3A_329 : vector<16xf32>
        %mul3A_331 = arith.constant 16 : i32
        %mul3A_332 = arith.muli %scan3A_303, %mul3A_331 : i32
        %add3A_333 = arith.constant 2 : i32
        %add3A_334 = arith.addi %mul3A_332, %add3A_333 : i32
        %add3A_335 = vector.broadcast %add3A_334 : i32 to vector<16xi32>
        %add3A_336 = arith.addi %add3A_335, %iota3A : vector<16xi32>
        %and3A_337 = arith.constant 127 : i32
        %and3A_338 = vector.broadcast %and3A_337 : i32 to vector<16xi32>
        %and3A_339 = arith.andi %add3A_336, %and3A_338 : vector<16xi32>
        %gather3A_340 = tpu.vector_load_idx %arg25[%add3A_254, %and3A_339] : memref<128x128xf32, #tpu.memory_space<vmem>>[vector<16xi32>, vector<16xi32>], vector<16xf32>,
        %gather3A_341 = tpu.vector_load_idx %arg23[%add3A_254, %and3A_339] : memref<128x128xf32, #tpu.memory_space<vmem>>[vector<16xi32>, vector<16xi32>], vector<16xf32>,
        %sub3A_342 = arith.subf %gather3A_340, %gather3A_341 : vector<16xf32>
        %mul3A_343 = arith.mulf %sub3A_342, %sub3A_342 : vector<16xf32>
        %add3A_344 = arith.addf %add3A_330, %mul3A_343 : vector<16xf32>
        %mul3A_345 = arith.constant 16 : i32
        %mul3A_346 = arith.muli %scan3A_303, %mul3A_345 : i32
        %add3A_347 = arith.constant 3 : i32
        %add3A_348 = arith.addi %mul3A_346, %add3A_347 : i32
        %add3A_349 = vector.broadcast %add3A_348 : i32 to vector<16xi32>
        %add3A_350 = arith.addi %add3A_349, %iota3A : vector<16xi32>
        %and3A_351 = arith.constant 127 : i32
        %and3A_352 = vector.broadcast %and3A_351 : i32 to vector<16xi32>
        %and3A_353 = arith.andi %add3A_350, %and3A_352 : vector<16xi32>
        %gather3A_354 = tpu.vector_load_idx %arg25[%add3A_254, %and3A_353] : memref<128x128xf32, #tpu.memory_space<vmem>>[vector<16xi32>, vector<16xi32>], vector<16xf32>,
        %gather3A_355 = tpu.vector_load_idx %arg23[%add3A_254, %and3A_353] : memref<128x128xf32, #tpu.memory_space<vmem>>[vector<16xi32>, vector<16xi32>], vector<16xf32>,
        %sub3A_356 = arith.subf %gather3A_354, %gather3A_355 : vector<16xf32>
        %mul3A_357 = arith.mulf %sub3A_356, %sub3A_356 : vector<16xf32>
        %add3A_358 = arith.addf %add3A_344, %mul3A_357 : vector<16xf32>
        %mul3A_359 = arith.constant 16 : i32
        %mul3A_360 = arith.muli %scan3A_303, %mul3A_359 : i32
        %add3A_361 = arith.constant 4 : i32
        %add3A_362 = arith.addi %mul3A_360, %add3A_361 : i32
        %add3A_363 = vector.broadcast %add3A_362 : i32 to vector<16xi32>
        %add3A_364 = arith.addi %add3A_363, %iota3A : vector<16xi32>
        %and3A_365 = arith.constant 127 : i32
        %and3A_366 = vector.broadcast %and3A_365 : i32 to vector<16xi32>
        %and3A_367 = arith.andi %add3A_364, %and3A_366 : vector<16xi32>
        %gather3A_368 = tpu.vector_load_idx %arg25[%add3A_254, %and3A_367] : memref<128x128xf32, #tpu.memory_space<vmem>>[vector<16xi32>, vector<16xi32>], vector<16xf32>,
        %gather3A_369 = tpu.vector_load_idx %arg23[%add3A_254, %and3A_367] : memref<128x128xf32, #tpu.memory_space<vmem>>[vector<16xi32>, vector<16xi32>], vector<16xf32>,
        %sub3A_370 = arith.subf %gather3A_368, %gather3A_369 : vector<16xf32>
        %mul3A_371 = arith.mulf %sub3A_370, %sub3A_370 : vector<16xf32>
        %add3A_372 = arith.addf %add3A_358, %mul3A_371 : vector<16xf32>
        %mul3A_373 = arith.constant 16 : i32
        %mul3A_374 = arith.muli %scan3A_303, %mul3A_373 : i32
        %add3A_375 = arith.constant 5 : i32
        %add3A_376 = arith.addi %mul3A_374, %add3A_375 : i32
        %add3A_377 = vector.broadcast %add3A_376 : i32 to vector<16xi32>
        %add3A_378 = arith.addi %add3A_377, %iota3A : vector<16xi32>
        %and3A_379 = arith.constant 127 : i32
        %and3A_380 = vector.broadcast %and3A_379 : i32 to vector<16xi32>
        %and3A_381 = arith.andi %add3A_378, %and3A_380 : vector<16xi32>
        %gather3A_382 = tpu.vector_load_idx %arg25[%add3A_254, %and3A_381] : memref<128x128xf32, #tpu.memory_space<vmem>>[vector<16xi32>, vector<16xi32>], vector<16xf32>,
        %gather3A_383 = tpu.vector_load_idx %arg23[%add3A_254, %and3A_381] : memref<128x128xf32, #tpu.memory_space<vmem>>[vector<16xi32>, vector<16xi32>], vector<16xf32>,
        %sub3A_384 = arith.subf %gather3A_382, %gather3A_383 : vector<16xf32>
        %mul3A_385 = arith.mulf %sub3A_384, %sub3A_384 : vector<16xf32>
        %add3A_386 = arith.addf %add3A_372, %mul3A_385 : vector<16xf32>
        %mul3A_387 = arith.constant 16 : i32
        %mul3A_388 = arith.muli %scan3A_303, %mul3A_387 : i32
        %add3A_389 = arith.constant 6 : i32
        %add3A_390 = arith.addi %mul3A_388, %add3A_389 : i32
        %add3A_391 = vector.broadcast %add3A_390 : i32 to vector<16xi32>
        %add3A_392 = arith.addi %add3A_391, %iota3A : vector<16xi32>
        %and3A_393 = arith.constant 127 : i32
        %and3A_394 = vector.broadcast %and3A_393 : i32 to vector<16xi32>
        %and3A_395 = arith.andi %add3A_392, %and3A_394 : vector<16xi32>
        %gather3A_396 = tpu.vector_load_idx %arg25[%add3A_254, %and3A_395] : memref<128x128xf32, #tpu.memory_space<vmem>>[vector<16xi32>, vector<16xi32>], vector<16xf32>,
        %gather3A_397 = tpu.vector_load_idx %arg23[%add3A_254, %and3A_395] : memref<128x128xf32, #tpu.memory_space<vmem>>[vector<16xi32>, vector<16xi32>], vector<16xf32>,
        %sub3A_398 = arith.subf %gather3A_396, %gather3A_397 : vector<16xf32>
        %mul3A_399 = arith.mulf %sub3A_398, %sub3A_398 : vector<16xf32>
        %add3A_400 = arith.addf %add3A_386, %mul3A_399 : vector<16xf32>
        %mul3A_401 = arith.constant 16 : i32
        %mul3A_402 = arith.muli %scan3A_303, %mul3A_401 : i32
        %add3A_403 = arith.constant 7 : i32
        %add3A_404 = arith.addi %mul3A_402, %add3A_403 : i32
        %add3A_405 = vector.broadcast %add3A_404 : i32 to vector<16xi32>
        %add3A_406 = arith.addi %add3A_405, %iota3A : vector<16xi32>
        %and3A_407 = arith.constant 127 : i32
        %and3A_408 = vector.broadcast %and3A_407 : i32 to vector<16xi32>
        %and3A_409 = arith.andi %add3A_406, %and3A_408 : vector<16xi32>
        %gather3A_410 = tpu.vector_load_idx %arg25[%add3A_254, %and3A_409] : memref<128x128xf32, #tpu.memory_space<vmem>>[vector<16xi32>, vector<16xi32>], vector<16xf32>,
        %gather3A_411 = tpu.vector_load_idx %arg23[%add3A_254, %and3A_409] : memref<128x128xf32, #tpu.memory_space<vmem>>[vector<16xi32>, vector<16xi32>], vector<16xf32>,
        %sub3A_412 = arith.subf %gather3A_410, %gather3A_411 : vector<16xf32>
        %mul3A_413 = arith.mulf %sub3A_412, %sub3A_412 : vector<16xf32>
        %add3A_414 = arith.addf %add3A_400, %mul3A_413 : vector<16xf32>
        %mul3A_415 = arith.constant 16 : i32
        %mul3A_416 = arith.muli %scan3A_303, %mul3A_415 : i32
        %add3A_417 = arith.constant 8 : i32
        %add3A_418 = arith.addi %mul3A_416, %add3A_417 : i32
        %add3A_419 = vector.broadcast %add3A_418 : i32 to vector<16xi32>
        %add3A_420 = arith.addi %add3A_419, %iota3A : vector<16xi32>
        %and3A_421 = arith.constant 127 : i32
        %and3A_422 = vector.broadcast %and3A_421 : i32 to vector<16xi32>
        %and3A_423 = arith.andi %add3A_420, %and3A_422 : vector<16xi32>
        %gather3A_424 = tpu.vector_load_idx %arg25[%add3A_254, %and3A_423] : memref<128x128xf32, #tpu.memory_space<vmem>>[vector<16xi32>, vector<16xi32>], vector<16xf32>,
        %gather3A_425 = tpu.vector_load_idx %arg23[%add3A_254, %and3A_423] : memref<128x128xf32, #tpu.memory_space<vmem>>[vector<16xi32>, vector<16xi32>], vector<16xf32>,
        %sub3A_426 = arith.subf %gather3A_424, %gather3A_425 : vector<16xf32>
        %mul3A_427 = arith.mulf %sub3A_426, %sub3A_426 : vector<16xf32>
        %add3A_428 = arith.addf %add3A_414, %mul3A_427 : vector<16xf32>
        %mul3A_429 = arith.constant 16 : i32
        %mul3A_430 = arith.muli %scan3A_303, %mul3A_429 : i32
        %add3A_431 = arith.constant 9 : i32
        %add3A_432 = arith.addi %mul3A_430, %add3A_431 : i32
        %add3A_433 = vector.broadcast %add3A_432 : i32 to vector<16xi32>
        %add3A_434 = arith.addi %add3A_433, %iota3A : vector<16xi32>
        %and3A_435 = arith.constant 127 : i32
        %and3A_436 = vector.broadcast %and3A_435 : i32 to vector<16xi32>
        %and3A_437 = arith.andi %add3A_434, %and3A_436 : vector<16xi32>
        %gather3A_438 = tpu.vector_load_idx %arg25[%add3A_254, %and3A_437] : memref<128x128xf32, #tpu.memory_space<vmem>>[vector<16xi32>, vector<16xi32>], vector<16xf32>,
        %gather3A_439 = tpu.vector_load_idx %arg23[%add3A_254, %and3A_437] : memref<128x128xf32, #tpu.memory_space<vmem>>[vector<16xi32>, vector<16xi32>], vector<16xf32>,
        %sub3A_440 = arith.subf %gather3A_438, %gather3A_439 : vector<16xf32>
        %mul3A_441 = arith.mulf %sub3A_440, %sub3A_440 : vector<16xf32>
        %add3A_442 = arith.addf %add3A_428, %mul3A_441 : vector<16xf32>
        %mul3A_443 = arith.constant 16 : i32
        %mul3A_444 = arith.muli %scan3A_303, %mul3A_443 : i32
        %add3A_445 = arith.constant 10 : i32
        %add3A_446 = arith.addi %mul3A_444, %add3A_445 : i32
        %add3A_447 = vector.broadcast %add3A_446 : i32 to vector<16xi32>
        %add3A_448 = arith.addi %add3A_447, %iota3A : vector<16xi32>
        %and3A_449 = arith.constant 127 : i32
        %and3A_450 = vector.broadcast %and3A_449 : i32 to vector<16xi32>
        %and3A_451 = arith.andi %add3A_448, %and3A_450 : vector<16xi32>
        %gather3A_452 = tpu.vector_load_idx %arg25[%add3A_254, %and3A_451] : memref<128x128xf32, #tpu.memory_space<vmem>>[vector<16xi32>, vector<16xi32>], vector<16xf32>,
        %gather3A_453 = tpu.vector_load_idx %arg23[%add3A_254, %and3A_451] : memref<128x128xf32, #tpu.memory_space<vmem>>[vector<16xi32>, vector<16xi32>], vector<16xf32>,
        %sub3A_454 = arith.subf %gather3A_452, %gather3A_453 : vector<16xf32>
        %mul3A_455 = arith.mulf %sub3A_454, %sub3A_454 : vector<16xf32>
        %add3A_456 = arith.addf %add3A_442, %mul3A_455 : vector<16xf32>
        %mul3A_457 = arith.constant 16 : i32
        %mul3A_458 = arith.muli %scan3A_303, %mul3A_457 : i32
        %add3A_459 = arith.constant 11 : i32
        %add3A_460 = arith.addi %mul3A_458, %add3A_459 : i32
        %add3A_461 = vector.broadcast %add3A_460 : i32 to vector<16xi32>
        %add3A_462 = arith.addi %add3A_461, %iota3A : vector<16xi32>
        %and3A_463 = arith.constant 127 : i32
        %and3A_464 = vector.broadcast %and3A_463 : i32 to vector<16xi32>
        %and3A_465 = arith.andi %add3A_462, %and3A_464 : vector<16xi32>
        %gather3A_466 = tpu.vector_load_idx %arg25[%add3A_254, %and3A_465] : memref<128x128xf32, #tpu.memory_space<vmem>>[vector<16xi32>, vector<16xi32>], vector<16xf32>,
        %gather3A_467 = tpu.vector_load_idx %arg23[%add3A_254, %and3A_465] : memref<128x128xf32, #tpu.memory_space<vmem>>[vector<16xi32>, vector<16xi32>], vector<16xf32>,
        %sub3A_468 = arith.subf %gather3A_466, %gather3A_467 : vector<16xf32>
        %mul3A_469 = arith.mulf %sub3A_468, %sub3A_468 : vector<16xf32>
        %add3A_470 = arith.addf %add3A_456, %mul3A_469 : vector<16xf32>
        %mul3A_471 = arith.constant 16 : i32
        %mul3A_472 = arith.muli %scan3A_303, %mul3A_471 : i32
        %add3A_473 = arith.constant 12 : i32
        %add3A_474 = arith.addi %mul3A_472, %add3A_473 : i32
        %add3A_475 = vector.broadcast %add3A_474 : i32 to vector<16xi32>
        %add3A_476 = arith.addi %add3A_475, %iota3A : vector<16xi32>
        %and3A_477 = arith.constant 127 : i32
        %and3A_478 = vector.broadcast %and3A_477 : i32 to vector<16xi32>
        %and3A_479 = arith.andi %add3A_476, %and3A_478 : vector<16xi32>
        %gather3A_480 = tpu.vector_load_idx %arg25[%add3A_254, %and3A_479] : memref<128x128xf32, #tpu.memory_space<vmem>>[vector<16xi32>, vector<16xi32>], vector<16xf32>,
        %gather3A_481 = tpu.vector_load_idx %arg23[%add3A_254, %and3A_479] : memref<128x128xf32, #tpu.memory_space<vmem>>[vector<16xi32>, vector<16xi32>], vector<16xf32>,
        %sub3A_482 = arith.subf %gather3A_480, %gather3A_481 : vector<16xf32>
        %mul3A_483 = arith.mulf %sub3A_482, %sub3A_482 : vector<16xf32>
        %add3A_484 = arith.addf %add3A_470, %mul3A_483 : vector<16xf32>
        %mul3A_485 = arith.constant 16 : i32
        %mul3A_486 = arith.muli %scan3A_303, %mul3A_485 : i32
        %add3A_487 = arith.constant 13 : i32
        %add3A_488 = arith.addi %mul3A_486, %add3A_487 : i32
        %add3A_489 = vector.broadcast %add3A_488 : i32 to vector<16xi32>
        %add3A_490 = arith.addi %add3A_489, %iota3A : vector<16xi32>
        %and3A_491 = arith.constant 127 : i32
        %and3A_492 = vector.broadcast %and3A_491 : i32 to vector<16xi32>
        %and3A_493 = arith.andi %add3A_490, %and3A_492 : vector<16xi32>
        %gather3A_494 = tpu.vector_load_idx %arg25[%add3A_254, %and3A_493] : memref<128x128xf32, #tpu.memory_space<vmem>>[vector<16xi32>, vector<16xi32>], vector<16xf32>,
        %gather3A_495 = tpu.vector_load_idx %arg23[%add3A_254, %and3A_493] : memref<128x128xf32, #tpu.memory_space<vmem>>[vector<16xi32>, vector<16xi32>], vector<16xf32>,
        %sub3A_496 = arith.subf %gather3A_494, %gather3A_495 : vector<16xf32>
        %mul3A_497 = arith.mulf %sub3A_496, %sub3A_496 : vector<16xf32>
        %add3A_498 = arith.addf %add3A_484, %mul3A_497 : vector<16xf32>
        %mul3A_499 = arith.constant 16 : i32
        %mul3A_500 = arith.muli %scan3A_303, %mul3A_499 : i32
        %add3A_501 = arith.constant 14 : i32
        %add3A_502 = arith.addi %mul3A_500, %add3A_501 : i32
        %add3A_503 = vector.broadcast %add3A_502 : i32 to vector<16xi32>
        %add3A_504 = arith.addi %add3A_503, %iota3A : vector<16xi32>
        %and3A_505 = arith.constant 127 : i32
        %and3A_506 = vector.broadcast %and3A_505 : i32 to vector<16xi32>
        %and3A_507 = arith.andi %add3A_504, %and3A_506 : vector<16xi32>
        %gather3A_508 = tpu.vector_load_idx %arg25[%add3A_254, %and3A_507] : memref<128x128xf32, #tpu.memory_space<vmem>>[vector<16xi32>, vector<16xi32>], vector<16xf32>,
        %gather3A_509 = tpu.vector_load_idx %arg23[%add3A_254, %and3A_507] : memref<128x128xf32, #tpu.memory_space<vmem>>[vector<16xi32>, vector<16xi32>], vector<16xf32>,
        %sub3A_510 = arith.subf %gather3A_508, %gather3A_509 : vector<16xf32>
        %mul3A_511 = arith.mulf %sub3A_510, %sub3A_510 : vector<16xf32>
        %add3A_512 = arith.addf %add3A_498, %mul3A_511 : vector<16xf32>
        %mul3A_513 = arith.constant 16 : i32
        %mul3A_514 = arith.muli %scan3A_303, %mul3A_513 : i32
        %add3A_515 = arith.constant 15 : i32
        %add3A_516 = arith.addi %mul3A_514, %add3A_515 : i32
        %add3A_517 = vector.broadcast %add3A_516 : i32 to vector<16xi32>
        %add3A_518 = arith.addi %add3A_517, %iota3A : vector<16xi32>
        %and3A_519 = arith.constant 127 : i32
        %and3A_520 = vector.broadcast %and3A_519 : i32 to vector<16xi32>
        %and3A_521 = arith.andi %add3A_518, %and3A_520 : vector<16xi32>
        %gather3A_522 = tpu.vector_load_idx %arg25[%add3A_254, %and3A_521] : memref<128x128xf32, #tpu.memory_space<vmem>>[vector<16xi32>, vector<16xi32>], vector<16xf32>,
        %gather3A_523 = tpu.vector_load_idx %arg23[%add3A_254, %and3A_521] : memref<128x128xf32, #tpu.memory_space<vmem>>[vector<16xi32>, vector<16xi32>], vector<16xf32>,
        %sub3A_524 = arith.subf %gather3A_522, %gather3A_523 : vector<16xf32>
        %mul3A_525 = arith.mulf %sub3A_524, %sub3A_524 : vector<16xf32>
        %add3A_526 = arith.addf %add3A_512, %mul3A_525 : vector<16xf32>
        scf.yield %add3A_526 : vector<16xf32>
      }
      %scan3A_262 = arith.constant 8 : i32
      %max3A = arith.constant 1.000000e-30 : f32
      %max3A_263 = vector.broadcast %max3A : f32 to vector<16xf32>
      %max3A_264 = arith.maximumf %scan3A_261, %max3A_263 : vector<16xf32>
      %bitcast3A = vector.bitcast %max3A_264 : vector<16xf32> to vector<16xi32>
      %broadcast_in_dim3A_265 = arith.constant 1597463007 : i32
      %broadcast_in_dim3A_266 = vector.broadcast %broadcast_in_dim3A_265 : i32 to vector<16xi32>
      %shift_right_arithmetic3A = arith.constant 1 : i32
      %shift_right_arithmetic3A_267 = vector.broadcast %shift_right_arithmetic3A : i32 to vector<16xi32>
      %shift_right_arithmetic3A_268 = arith.shrsi %bitcast3A, %shift_right_arithmetic3A_267 : vector<16xi32>
      %sub3A = arith.subi %broadcast_in_dim3A_266, %shift_right_arithmetic3A_268 : vector<16xi32>
      %bitcast3A_269 = vector.bitcast %sub3A : vector<16xi32> to vector<16xf32>
      %mul3A_270 = arith.constant 5.000000e-01 : f32
      %mul3A_271 = vector.broadcast %mul3A_270 : f32 to vector<16xf32>
      %mul3A_272 = arith.mulf %mul3A_271, %max3A_264 : vector<16xf32>
      %mul3A_273 = arith.mulf %mul3A_272, %bitcast3A_269 : vector<16xf32>
      %mul3A_274 = arith.mulf %mul3A_273, %bitcast3A_269 : vector<16xf32>
      %sub3A_275 = arith.constant 1.500000e+00 : f32
      %sub3A_276 = vector.broadcast %sub3A_275 : f32 to vector<16xf32>
      %sub3A_277 = arith.subf %sub3A_276, %mul3A_274 : vector<16xf32>
      %mul3A_278 = arith.mulf %bitcast3A_269, %sub3A_277 : vector<16xf32>
      %mul3A_279 = arith.constant 5.000000e-01 : f32
      %mul3A_280 = vector.broadcast %mul3A_279 : f32 to vector<16xf32>
      %mul3A_281 = arith.mulf %mul3A_280, %max3A_264 : vector<16xf32>
      %mul3A_282 = arith.mulf %mul3A_281, %mul3A_278 : vector<16xf32>
      %mul3A_283 = arith.mulf %mul3A_282, %mul3A_278 : vector<16xf32>
      %sub3A_284 = arith.constant 1.500000e+00 : f32
      %sub3A_285 = vector.broadcast %sub3A_284 : f32 to vector<16xf32>
      %sub3A_286 = arith.subf %sub3A_285, %mul3A_283 : vector<16xf32>
      %mul3A_287 = arith.mulf %mul3A_278, %sub3A_286 : vector<16xf32>
      %mul3A_288 = arith.constant 5.000000e-01 : f32
      %mul3A_289 = vector.broadcast %mul3A_288 : f32 to vector<16xf32>
      %mul3A_290 = arith.mulf %mul3A_289, %max3A_264 : vector<16xf32>
      %mul3A_291 = arith.mulf %mul3A_290, %mul3A_287 : vector<16xf32>
      %mul3A_292 = arith.mulf %mul3A_291, %mul3A_287 : vector<16xf32>
      %sub3A_293 = arith.constant 1.500000e+00 : f32
      %sub3A_294 = vector.broadcast %sub3A_293 : f32 to vector<16xf32>
      %sub3A_295 = arith.subf %sub3A_294, %mul3A_292 : vector<16xf32>
      %mul3A_296 = arith.mulf %mul3A_287, %sub3A_295 : vector<16xf32>
      %mul3A_297 = arith.mulf %max3A_264, %mul3A_296 : vector<16xf32>
      %mul3A_298 = arith.constant 16 : i32
      %mul3A_299 = arith.muli %scan3A_249, %mul3A_298 : i32
      %swap3A_300 = arith.index_cast %mul3A_299 : i32 to index
      %swap3A_301 = tpu.vector_load %arg26[%swap3A_300] {strides = array<i32>} : memref<512xf32, #tpu.memory_space<vmem>>, vector<16xf32>,
      tpu.vector_store %arg26[%swap3A_300], %mul3A_297 {strides = array<i32>} : memref<512xf32, #tpu.memory_space<vmem>>, vector<16xf32>,
      %scan3A_302 = arith.constant 0 : i32
      scf.yield %scan3A_302 : i32
    }
    %scan3A_178 = arith.constant 8 : i32
    %dma_wait3A_179 = arith.constant 0 : i32
    %dma_wait3A_180 = tpu.memref_slice %arg29[%dma_wait3A_179] : memref<100096xf32, #tpu.memory_space<vmem_shared>> -> memref<100096xf32, #tpu.memory_space<vmem_shared>>
    tpu.wait_indirect_dma semaphore(%arg38 : memref<!tpu.dma_semaphore, #tpu.memory_space<semaphore_mem>>) src(%dma_wait3A_180 : memref<100096xf32, #tpu.memory_space<vmem_shared>>) dst(%arg19 : memref<128xf32, #tpu.memory_space<vmem>>)
    %scan3A_181 = arith.constant 0 : i32
    %scan3A_182 = arith.constant 8 : i32
    %scan3A_183 = arith.addi %scan3A_181, %scan3A_182 : i32
    %scan3A_184 = arith.constant 1 : i32
    %scan3A_185 = scf.for %scan3A_249 = %scan3A_181 to %scan3A_183 step %scan3A_184 iter_args(%scan3A_250 = %scan3A_152) -> (vector<16xf32>)  : i32 {
      %mul3A_251 = arith.constant 16 : i32
      %mul3A_252 = arith.muli %scan3A_249, %mul3A_251 : i32
      %get3A = arith.index_cast %mul3A_252 : i32 to index
      %get3A_253 = tpu.vector_load %arg26[%get3A] {strides = array<i32>} : memref<512xf32, #tpu.memory_space<vmem>>, vector<16xf32>,
      %mul3A_254 = arith.constant 16 : i32
      %mul3A_255 = arith.muli %scan3A_249, %mul3A_254 : i32
      %get3A_256 = arith.index_cast %mul3A_255 : i32 to index
      %get3A_257 = tpu.vector_load %arg19[%get3A_256] {strides = array<i32>} : memref<128xf32, #tpu.memory_space<vmem>>, vector<16xf32>,
      %div3A = arith.divf %get3A_253, %get3A_257 : vector<16xf32>
      %add3A_258 = arith.addf %scan3A_250, %div3A : vector<16xf32>
      scf.yield %add3A_258 : vector<16xf32>
    }
    %scan3A_186 = arith.constant 8 : i32
    %add3A_187 = arith.constant 384 : i32
    %add3A_188 = arith.addi %mul3A_2, %add3A_187 : i32
    "tpu.region"() ({
      %run_scoped3A = tpu.sem_alloc : memref<!tpu.dma_semaphore, #tpu.memory_space<semaphore_mem>>
      %dma_start3A_249 = tpu.memref_slice %arg3[%add3A_188] : memref<16384xi32, #tpu.memory_space<hbm>> -> memref<128xi32, #tpu.memory_space<hbm>>
      %dma_start3A_250 = tpu.memref_slice %arg3[%add3A_188] : memref<16384xi32, #tpu.memory_space<hbm>> -> memref<128xi32, #tpu.memory_space<hbm>>
      tpu.enqueue_dma source(%dma_start3A_250 : memref<128xi32, #tpu.memory_space<hbm>>) target(%arg17 : memref<128xi32, #tpu.memory_space<vmem>>) target_semaphore(%run_scoped3A : memref<!tpu.dma_semaphore, #tpu.memory_space<semaphore_mem>>)
      %dma_wait3A_251 = tpu.memref_slice %arg3[%add3A_188] : memref<16384xi32, #tpu.memory_space<hbm>> -> memref<128xi32, #tpu.memory_space<hbm>>
      %dma_wait3A_252 = tpu.memref_slice %arg3[%add3A_188] : memref<16384xi32, #tpu.memory_space<hbm>> -> memref<128xi32, #tpu.memory_space<hbm>>
      tpu.wait_dma2 semaphore(%run_scoped3A : memref<!tpu.dma_semaphore, #tpu.memory_space<semaphore_mem>>) src(%dma_wait3A_252 : memref<128xi32, #tpu.memory_space<hbm>>) dst(%arg17 : memref<128xi32, #tpu.memory_space<vmem>>)
      tpu.yield
    }) : () -> ()
    %dma_start3A_189 = arith.constant 0 : i32
    %dma_start3A_190 = tpu.memref_slice %arg29[%dma_start3A_189] : memref<100096xf32, #tpu.memory_space<vmem_shared>> -> memref<100096xf32, #tpu.memory_space<vmem_shared>>
    tpu.enqueue_indirect_dma source(%dma_start3A_190 : memref<100096xf32, #tpu.memory_space<vmem_shared>>) target(%arg19 : memref<128xf32, #tpu.memory_space<vmem>>) offsets(%arg17 : memref<128xi32, #tpu.memory_space<vmem>>) semaphore(%arg38 : memref<!tpu.dma_semaphore, #tpu.memory_space<semaphore_mem>>)
    %dma_start3A_191 = arith.constant 0 : i32
    %dma_start3A_192 = arith.constant 0 : i32
    %dma_start3A_193 = tpu.memref_slice %arg4[%dma_start3A_191, %dma_start3A_192] : memref<100000x128xf32, #tpu.memory_space<hbm>> -> memref<100000x128xf32, #tpu.memory_space<hbm>>
    tpu.enqueue_indirect_dma source(%dma_start3A_193 : memref<100000x128xf32, #tpu.memory_space<hbm>>) target(%arg23 : memref<128x128xf32, #tpu.memory_space<vmem>>) offsets(%arg17 : memref<128xi32, #tpu.memory_space<vmem>>) semaphore(%arg34 : memref<!tpu.dma_semaphore, #tpu.memory_space<semaphore_mem>>)
    %dma_start3A_194 = arith.constant 0 : i32
    %dma_start3A_195 = tpu.memref_slice %arg2[%add3A_188, %dma_start3A_194] : memref<16384x128xf32, #tpu.memory_space<hbm>> -> memref<128x128xf32, #tpu.memory_space<hbm>>
    %dma_start3A_196 = arith.constant 0 : i32
    %dma_start3A_197 = tpu.memref_slice %arg2[%add3A_188, %dma_start3A_196] : memref<16384x128xf32, #tpu.memory_space<hbm>> -> memref<128x128xf32, #tpu.memory_space<hbm>>
    tpu.enqueue_dma source(%dma_start3A_197 : memref<128x128xf32, #tpu.memory_space<hbm>>) target(%arg25 : memref<128x128xf32, #tpu.memory_space<vmem>>) target_semaphore(%arg36 : memref<!tpu.dma_semaphore, #tpu.memory_space<semaphore_mem>>)
    %dma_wait3A_198 = arith.constant 0 : i32
    %dma_wait3A_199 = arith.constant 0 : i32
    %dma_wait3A_200 = tpu.memref_slice %arg4[%dma_wait3A_198, %dma_wait3A_199] : memref<100000x128xf32, #tpu.memory_space<hbm>> -> memref<100000x128xf32, #tpu.memory_space<hbm>>
    tpu.wait_indirect_dma semaphore(%arg33 : memref<!tpu.dma_semaphore, #tpu.memory_space<semaphore_mem>>) src(%dma_wait3A_200 : memref<100000x128xf32, #tpu.memory_space<hbm>>) dst(%arg22 : memref<128x128xf32, #tpu.memory_space<vmem>>)
    %dma_wait3A_201 = arith.constant 0 : i32
    %dma_wait3A_202 = tpu.memref_slice %arg2[%add3A_155, %dma_wait3A_201] : memref<16384x128xf32, #tpu.memory_space<hbm>> -> memref<128x128xf32, #tpu.memory_space<hbm>>
    %dma_wait3A_203 = arith.constant 0 : i32
    %dma_wait3A_204 = tpu.memref_slice %arg2[%add3A_155, %dma_wait3A_203] : memref<16384x128xf32, #tpu.memory_space<hbm>> -> memref<128x128xf32, #tpu.memory_space<hbm>>
    tpu.wait_dma2 semaphore(%arg35 : memref<!tpu.dma_semaphore, #tpu.memory_space<semaphore_mem>>) src(%dma_wait3A_204 : memref<128x128xf32, #tpu.memory_space<hbm>>) dst(%arg24 : memref<128x128xf32, #tpu.memory_space<vmem>>)
    %scan3A_205 = arith.constant 0 : i32
    %scan3A_206 = arith.constant 0 : i32
    %scan3A_207 = arith.constant 8 : i32
    %scan3A_208 = arith.addi %scan3A_206, %scan3A_207 : i32
    %scan3A_209 = arith.constant 1 : i32
    %scan3A_210 = scf.for %scan3A_249 = %scan3A_206 to %scan3A_208 step %scan3A_209 iter_args(%scan3A_250 = %scan3A_205) -> (i32)  : i32 {
      %mul3A_251 = arith.constant 16 : i32
      %mul3A_252 = arith.muli %scan3A_249, %mul3A_251 : i32
      %add3A_253 = vector.broadcast %mul3A_252 : i32 to vector<16xi32>
      %add3A_254 = arith.addi %add3A_253, %iota3A : vector<16xi32>
      %broadcast_in_dim3A_255 = arith.constant 0.000000e+00 : f32
      %broadcast_in_dim3A_256 = vector.broadcast %broadcast_in_dim3A_255 : f32 to vector<16xf32>
      %scan3A_257 = arith.constant 0 : i32
      %scan3A_258 = arith.constant 8 : i32
      %scan3A_259 = arith.addi %scan3A_257, %scan3A_258 : i32
      %scan3A_260 = arith.constant 1 : i32
      %scan3A_261 = scf.for %scan3A_303 = %scan3A_257 to %scan3A_259 step %scan3A_260 iter_args(%scan3A_304 = %broadcast_in_dim3A_256) -> (vector<16xf32>)  : i32 {
        %mul3A_305 = arith.constant 16 : i32
        %mul3A_306 = arith.muli %scan3A_303, %mul3A_305 : i32
        %add3A_307 = arith.constant 0 : i32
        %add3A_308 = arith.addi %mul3A_306, %add3A_307 : i32
        %add3A_309 = vector.broadcast %add3A_308 : i32 to vector<16xi32>
        %add3A_310 = arith.addi %add3A_309, %iota3A : vector<16xi32>
        %and3A = arith.constant 127 : i32
        %and3A_311 = vector.broadcast %and3A : i32 to vector<16xi32>
        %and3A_312 = arith.andi %add3A_310, %and3A_311 : vector<16xi32>
        %gather3A = tpu.vector_load_idx %arg24[%add3A_254, %and3A_312] : memref<128x128xf32, #tpu.memory_space<vmem>>[vector<16xi32>, vector<16xi32>], vector<16xf32>,
        %gather3A_313 = tpu.vector_load_idx %arg22[%add3A_254, %and3A_312] : memref<128x128xf32, #tpu.memory_space<vmem>>[vector<16xi32>, vector<16xi32>], vector<16xf32>,
        %sub3A_314 = arith.subf %gather3A, %gather3A_313 : vector<16xf32>
        %mul3A_315 = arith.mulf %sub3A_314, %sub3A_314 : vector<16xf32>
        %add3A_316 = arith.addf %scan3A_304, %mul3A_315 : vector<16xf32>
        %mul3A_317 = arith.constant 16 : i32
        %mul3A_318 = arith.muli %scan3A_303, %mul3A_317 : i32
        %add3A_319 = arith.constant 1 : i32
        %add3A_320 = arith.addi %mul3A_318, %add3A_319 : i32
        %add3A_321 = vector.broadcast %add3A_320 : i32 to vector<16xi32>
        %add3A_322 = arith.addi %add3A_321, %iota3A : vector<16xi32>
        %and3A_323 = arith.constant 127 : i32
        %and3A_324 = vector.broadcast %and3A_323 : i32 to vector<16xi32>
        %and3A_325 = arith.andi %add3A_322, %and3A_324 : vector<16xi32>
        %gather3A_326 = tpu.vector_load_idx %arg24[%add3A_254, %and3A_325] : memref<128x128xf32, #tpu.memory_space<vmem>>[vector<16xi32>, vector<16xi32>], vector<16xf32>,
        %gather3A_327 = tpu.vector_load_idx %arg22[%add3A_254, %and3A_325] : memref<128x128xf32, #tpu.memory_space<vmem>>[vector<16xi32>, vector<16xi32>], vector<16xf32>,
        %sub3A_328 = arith.subf %gather3A_326, %gather3A_327 : vector<16xf32>
        %mul3A_329 = arith.mulf %sub3A_328, %sub3A_328 : vector<16xf32>
        %add3A_330 = arith.addf %add3A_316, %mul3A_329 : vector<16xf32>
        %mul3A_331 = arith.constant 16 : i32
        %mul3A_332 = arith.muli %scan3A_303, %mul3A_331 : i32
        %add3A_333 = arith.constant 2 : i32
        %add3A_334 = arith.addi %mul3A_332, %add3A_333 : i32
        %add3A_335 = vector.broadcast %add3A_334 : i32 to vector<16xi32>
        %add3A_336 = arith.addi %add3A_335, %iota3A : vector<16xi32>
        %and3A_337 = arith.constant 127 : i32
        %and3A_338 = vector.broadcast %and3A_337 : i32 to vector<16xi32>
        %and3A_339 = arith.andi %add3A_336, %and3A_338 : vector<16xi32>
        %gather3A_340 = tpu.vector_load_idx %arg24[%add3A_254, %and3A_339] : memref<128x128xf32, #tpu.memory_space<vmem>>[vector<16xi32>, vector<16xi32>], vector<16xf32>,
        %gather3A_341 = tpu.vector_load_idx %arg22[%add3A_254, %and3A_339] : memref<128x128xf32, #tpu.memory_space<vmem>>[vector<16xi32>, vector<16xi32>], vector<16xf32>,
        %sub3A_342 = arith.subf %gather3A_340, %gather3A_341 : vector<16xf32>
        %mul3A_343 = arith.mulf %sub3A_342, %sub3A_342 : vector<16xf32>
        %add3A_344 = arith.addf %add3A_330, %mul3A_343 : vector<16xf32>
        %mul3A_345 = arith.constant 16 : i32
        %mul3A_346 = arith.muli %scan3A_303, %mul3A_345 : i32
        %add3A_347 = arith.constant 3 : i32
        %add3A_348 = arith.addi %mul3A_346, %add3A_347 : i32
        %add3A_349 = vector.broadcast %add3A_348 : i32 to vector<16xi32>
        %add3A_350 = arith.addi %add3A_349, %iota3A : vector<16xi32>
        %and3A_351 = arith.constant 127 : i32
        %and3A_352 = vector.broadcast %and3A_351 : i32 to vector<16xi32>
        %and3A_353 = arith.andi %add3A_350, %and3A_352 : vector<16xi32>
        %gather3A_354 = tpu.vector_load_idx %arg24[%add3A_254, %and3A_353] : memref<128x128xf32, #tpu.memory_space<vmem>>[vector<16xi32>, vector<16xi32>], vector<16xf32>,
        %gather3A_355 = tpu.vector_load_idx %arg22[%add3A_254, %and3A_353] : memref<128x128xf32, #tpu.memory_space<vmem>>[vector<16xi32>, vector<16xi32>], vector<16xf32>,
        %sub3A_356 = arith.subf %gather3A_354, %gather3A_355 : vector<16xf32>
        %mul3A_357 = arith.mulf %sub3A_356, %sub3A_356 : vector<16xf32>
        %add3A_358 = arith.addf %add3A_344, %mul3A_357 : vector<16xf32>
        %mul3A_359 = arith.constant 16 : i32
        %mul3A_360 = arith.muli %scan3A_303, %mul3A_359 : i32
        %add3A_361 = arith.constant 4 : i32
        %add3A_362 = arith.addi %mul3A_360, %add3A_361 : i32
        %add3A_363 = vector.broadcast %add3A_362 : i32 to vector<16xi32>
        %add3A_364 = arith.addi %add3A_363, %iota3A : vector<16xi32>
        %and3A_365 = arith.constant 127 : i32
        %and3A_366 = vector.broadcast %and3A_365 : i32 to vector<16xi32>
        %and3A_367 = arith.andi %add3A_364, %and3A_366 : vector<16xi32>
        %gather3A_368 = tpu.vector_load_idx %arg24[%add3A_254, %and3A_367] : memref<128x128xf32, #tpu.memory_space<vmem>>[vector<16xi32>, vector<16xi32>], vector<16xf32>,
        %gather3A_369 = tpu.vector_load_idx %arg22[%add3A_254, %and3A_367] : memref<128x128xf32, #tpu.memory_space<vmem>>[vector<16xi32>, vector<16xi32>], vector<16xf32>,
        %sub3A_370 = arith.subf %gather3A_368, %gather3A_369 : vector<16xf32>
        %mul3A_371 = arith.mulf %sub3A_370, %sub3A_370 : vector<16xf32>
        %add3A_372 = arith.addf %add3A_358, %mul3A_371 : vector<16xf32>
        %mul3A_373 = arith.constant 16 : i32
        %mul3A_374 = arith.muli %scan3A_303, %mul3A_373 : i32
        %add3A_375 = arith.constant 5 : i32
        %add3A_376 = arith.addi %mul3A_374, %add3A_375 : i32
        %add3A_377 = vector.broadcast %add3A_376 : i32 to vector<16xi32>
        %add3A_378 = arith.addi %add3A_377, %iota3A : vector<16xi32>
        %and3A_379 = arith.constant 127 : i32
        %and3A_380 = vector.broadcast %and3A_379 : i32 to vector<16xi32>
        %and3A_381 = arith.andi %add3A_378, %and3A_380 : vector<16xi32>
        %gather3A_382 = tpu.vector_load_idx %arg24[%add3A_254, %and3A_381] : memref<128x128xf32, #tpu.memory_space<vmem>>[vector<16xi32>, vector<16xi32>], vector<16xf32>,
        %gather3A_383 = tpu.vector_load_idx %arg22[%add3A_254, %and3A_381] : memref<128x128xf32, #tpu.memory_space<vmem>>[vector<16xi32>, vector<16xi32>], vector<16xf32>,
        %sub3A_384 = arith.subf %gather3A_382, %gather3A_383 : vector<16xf32>
        %mul3A_385 = arith.mulf %sub3A_384, %sub3A_384 : vector<16xf32>
        %add3A_386 = arith.addf %add3A_372, %mul3A_385 : vector<16xf32>
        %mul3A_387 = arith.constant 16 : i32
        %mul3A_388 = arith.muli %scan3A_303, %mul3A_387 : i32
        %add3A_389 = arith.constant 6 : i32
        %add3A_390 = arith.addi %mul3A_388, %add3A_389 : i32
        %add3A_391 = vector.broadcast %add3A_390 : i32 to vector<16xi32>
        %add3A_392 = arith.addi %add3A_391, %iota3A : vector<16xi32>
        %and3A_393 = arith.constant 127 : i32
        %and3A_394 = vector.broadcast %and3A_393 : i32 to vector<16xi32>
        %and3A_395 = arith.andi %add3A_392, %and3A_394 : vector<16xi32>
        %gather3A_396 = tpu.vector_load_idx %arg24[%add3A_254, %and3A_395] : memref<128x128xf32, #tpu.memory_space<vmem>>[vector<16xi32>, vector<16xi32>], vector<16xf32>,
        %gather3A_397 = tpu.vector_load_idx %arg22[%add3A_254, %and3A_395] : memref<128x128xf32, #tpu.memory_space<vmem>>[vector<16xi32>, vector<16xi32>], vector<16xf32>,
        %sub3A_398 = arith.subf %gather3A_396, %gather3A_397 : vector<16xf32>
        %mul3A_399 = arith.mulf %sub3A_398, %sub3A_398 : vector<16xf32>
        %add3A_400 = arith.addf %add3A_386, %mul3A_399 : vector<16xf32>
        %mul3A_401 = arith.constant 16 : i32
        %mul3A_402 = arith.muli %scan3A_303, %mul3A_401 : i32
        %add3A_403 = arith.constant 7 : i32
        %add3A_404 = arith.addi %mul3A_402, %add3A_403 : i32
        %add3A_405 = vector.broadcast %add3A_404 : i32 to vector<16xi32>
        %add3A_406 = arith.addi %add3A_405, %iota3A : vector<16xi32>
        %and3A_407 = arith.constant 127 : i32
        %and3A_408 = vector.broadcast %and3A_407 : i32 to vector<16xi32>
        %and3A_409 = arith.andi %add3A_406, %and3A_408 : vector<16xi32>
        %gather3A_410 = tpu.vector_load_idx %arg24[%add3A_254, %and3A_409] : memref<128x128xf32, #tpu.memory_space<vmem>>[vector<16xi32>, vector<16xi32>], vector<16xf32>,
        %gather3A_411 = tpu.vector_load_idx %arg22[%add3A_254, %and3A_409] : memref<128x128xf32, #tpu.memory_space<vmem>>[vector<16xi32>, vector<16xi32>], vector<16xf32>,
        %sub3A_412 = arith.subf %gather3A_410, %gather3A_411 : vector<16xf32>
        %mul3A_413 = arith.mulf %sub3A_412, %sub3A_412 : vector<16xf32>
        %add3A_414 = arith.addf %add3A_400, %mul3A_413 : vector<16xf32>
        %mul3A_415 = arith.constant 16 : i32
        %mul3A_416 = arith.muli %scan3A_303, %mul3A_415 : i32
        %add3A_417 = arith.constant 8 : i32
        %add3A_418 = arith.addi %mul3A_416, %add3A_417 : i32
        %add3A_419 = vector.broadcast %add3A_418 : i32 to vector<16xi32>
        %add3A_420 = arith.addi %add3A_419, %iota3A : vector<16xi32>
        %and3A_421 = arith.constant 127 : i32
        %and3A_422 = vector.broadcast %and3A_421 : i32 to vector<16xi32>
        %and3A_423 = arith.andi %add3A_420, %and3A_422 : vector<16xi32>
        %gather3A_424 = tpu.vector_load_idx %arg24[%add3A_254, %and3A_423] : memref<128x128xf32, #tpu.memory_space<vmem>>[vector<16xi32>, vector<16xi32>], vector<16xf32>,
        %gather3A_425 = tpu.vector_load_idx %arg22[%add3A_254, %and3A_423] : memref<128x128xf32, #tpu.memory_space<vmem>>[vector<16xi32>, vector<16xi32>], vector<16xf32>,
        %sub3A_426 = arith.subf %gather3A_424, %gather3A_425 : vector<16xf32>
        %mul3A_427 = arith.mulf %sub3A_426, %sub3A_426 : vector<16xf32>
        %add3A_428 = arith.addf %add3A_414, %mul3A_427 : vector<16xf32>
        %mul3A_429 = arith.constant 16 : i32
        %mul3A_430 = arith.muli %scan3A_303, %mul3A_429 : i32
        %add3A_431 = arith.constant 9 : i32
        %add3A_432 = arith.addi %mul3A_430, %add3A_431 : i32
        %add3A_433 = vector.broadcast %add3A_432 : i32 to vector<16xi32>
        %add3A_434 = arith.addi %add3A_433, %iota3A : vector<16xi32>
        %and3A_435 = arith.constant 127 : i32
        %and3A_436 = vector.broadcast %and3A_435 : i32 to vector<16xi32>
        %and3A_437 = arith.andi %add3A_434, %and3A_436 : vector<16xi32>
        %gather3A_438 = tpu.vector_load_idx %arg24[%add3A_254, %and3A_437] : memref<128x128xf32, #tpu.memory_space<vmem>>[vector<16xi32>, vector<16xi32>], vector<16xf32>,
        %gather3A_439 = tpu.vector_load_idx %arg22[%add3A_254, %and3A_437] : memref<128x128xf32, #tpu.memory_space<vmem>>[vector<16xi32>, vector<16xi32>], vector<16xf32>,
        %sub3A_440 = arith.subf %gather3A_438, %gather3A_439 : vector<16xf32>
        %mul3A_441 = arith.mulf %sub3A_440, %sub3A_440 : vector<16xf32>
        %add3A_442 = arith.addf %add3A_428, %mul3A_441 : vector<16xf32>
        %mul3A_443 = arith.constant 16 : i32
        %mul3A_444 = arith.muli %scan3A_303, %mul3A_443 : i32
        %add3A_445 = arith.constant 10 : i32
        %add3A_446 = arith.addi %mul3A_444, %add3A_445 : i32
        %add3A_447 = vector.broadcast %add3A_446 : i32 to vector<16xi32>
        %add3A_448 = arith.addi %add3A_447, %iota3A : vector<16xi32>
        %and3A_449 = arith.constant 127 : i32
        %and3A_450 = vector.broadcast %and3A_449 : i32 to vector<16xi32>
        %and3A_451 = arith.andi %add3A_448, %and3A_450 : vector<16xi32>
        %gather3A_452 = tpu.vector_load_idx %arg24[%add3A_254, %and3A_451] : memref<128x128xf32, #tpu.memory_space<vmem>>[vector<16xi32>, vector<16xi32>], vector<16xf32>,
        %gather3A_453 = tpu.vector_load_idx %arg22[%add3A_254, %and3A_451] : memref<128x128xf32, #tpu.memory_space<vmem>>[vector<16xi32>, vector<16xi32>], vector<16xf32>,
        %sub3A_454 = arith.subf %gather3A_452, %gather3A_453 : vector<16xf32>
        %mul3A_455 = arith.mulf %sub3A_454, %sub3A_454 : vector<16xf32>
        %add3A_456 = arith.addf %add3A_442, %mul3A_455 : vector<16xf32>
        %mul3A_457 = arith.constant 16 : i32
        %mul3A_458 = arith.muli %scan3A_303, %mul3A_457 : i32
        %add3A_459 = arith.constant 11 : i32
        %add3A_460 = arith.addi %mul3A_458, %add3A_459 : i32
        %add3A_461 = vector.broadcast %add3A_460 : i32 to vector<16xi32>
        %add3A_462 = arith.addi %add3A_461, %iota3A : vector<16xi32>
        %and3A_463 = arith.constant 127 : i32
        %and3A_464 = vector.broadcast %and3A_463 : i32 to vector<16xi32>
        %and3A_465 = arith.andi %add3A_462, %and3A_464 : vector<16xi32>
        %gather3A_466 = tpu.vector_load_idx %arg24[%add3A_254, %and3A_465] : memref<128x128xf32, #tpu.memory_space<vmem>>[vector<16xi32>, vector<16xi32>], vector<16xf32>,
        %gather3A_467 = tpu.vector_load_idx %arg22[%add3A_254, %and3A_465] : memref<128x128xf32, #tpu.memory_space<vmem>>[vector<16xi32>, vector<16xi32>], vector<16xf32>,
        %sub3A_468 = arith.subf %gather3A_466, %gather3A_467 : vector<16xf32>
        %mul3A_469 = arith.mulf %sub3A_468, %sub3A_468 : vector<16xf32>
        %add3A_470 = arith.addf %add3A_456, %mul3A_469 : vector<16xf32>
        %mul3A_471 = arith.constant 16 : i32
        %mul3A_472 = arith.muli %scan3A_303, %mul3A_471 : i32
        %add3A_473 = arith.constant 12 : i32
        %add3A_474 = arith.addi %mul3A_472, %add3A_473 : i32
        %add3A_475 = vector.broadcast %add3A_474 : i32 to vector<16xi32>
        %add3A_476 = arith.addi %add3A_475, %iota3A : vector<16xi32>
        %and3A_477 = arith.constant 127 : i32
        %and3A_478 = vector.broadcast %and3A_477 : i32 to vector<16xi32>
        %and3A_479 = arith.andi %add3A_476, %and3A_478 : vector<16xi32>
        %gather3A_480 = tpu.vector_load_idx %arg24[%add3A_254, %and3A_479] : memref<128x128xf32, #tpu.memory_space<vmem>>[vector<16xi32>, vector<16xi32>], vector<16xf32>,
        %gather3A_481 = tpu.vector_load_idx %arg22[%add3A_254, %and3A_479] : memref<128x128xf32, #tpu.memory_space<vmem>>[vector<16xi32>, vector<16xi32>], vector<16xf32>,
        %sub3A_482 = arith.subf %gather3A_480, %gather3A_481 : vector<16xf32>
        %mul3A_483 = arith.mulf %sub3A_482, %sub3A_482 : vector<16xf32>
        %add3A_484 = arith.addf %add3A_470, %mul3A_483 : vector<16xf32>
        %mul3A_485 = arith.constant 16 : i32
        %mul3A_486 = arith.muli %scan3A_303, %mul3A_485 : i32
        %add3A_487 = arith.constant 13 : i32
        %add3A_488 = arith.addi %mul3A_486, %add3A_487 : i32
        %add3A_489 = vector.broadcast %add3A_488 : i32 to vector<16xi32>
        %add3A_490 = arith.addi %add3A_489, %iota3A : vector<16xi32>
        %and3A_491 = arith.constant 127 : i32
        %and3A_492 = vector.broadcast %and3A_491 : i32 to vector<16xi32>
        %and3A_493 = arith.andi %add3A_490, %and3A_492 : vector<16xi32>
        %gather3A_494 = tpu.vector_load_idx %arg24[%add3A_254, %and3A_493] : memref<128x128xf32, #tpu.memory_space<vmem>>[vector<16xi32>, vector<16xi32>], vector<16xf32>,
        %gather3A_495 = tpu.vector_load_idx %arg22[%add3A_254, %and3A_493] : memref<128x128xf32, #tpu.memory_space<vmem>>[vector<16xi32>, vector<16xi32>], vector<16xf32>,
        %sub3A_496 = arith.subf %gather3A_494, %gather3A_495 : vector<16xf32>
        %mul3A_497 = arith.mulf %sub3A_496, %sub3A_496 : vector<16xf32>
        %add3A_498 = arith.addf %add3A_484, %mul3A_497 : vector<16xf32>
        %mul3A_499 = arith.constant 16 : i32
        %mul3A_500 = arith.muli %scan3A_303, %mul3A_499 : i32
        %add3A_501 = arith.constant 14 : i32
        %add3A_502 = arith.addi %mul3A_500, %add3A_501 : i32
        %add3A_503 = vector.broadcast %add3A_502 : i32 to vector<16xi32>
        %add3A_504 = arith.addi %add3A_503, %iota3A : vector<16xi32>
        %and3A_505 = arith.constant 127 : i32
        %and3A_506 = vector.broadcast %and3A_505 : i32 to vector<16xi32>
        %and3A_507 = arith.andi %add3A_504, %and3A_506 : vector<16xi32>
        %gather3A_508 = tpu.vector_load_idx %arg24[%add3A_254, %and3A_507] : memref<128x128xf32, #tpu.memory_space<vmem>>[vector<16xi32>, vector<16xi32>], vector<16xf32>,
        %gather3A_509 = tpu.vector_load_idx %arg22[%add3A_254, %and3A_507] : memref<128x128xf32, #tpu.memory_space<vmem>>[vector<16xi32>, vector<16xi32>], vector<16xf32>,
        %sub3A_510 = arith.subf %gather3A_508, %gather3A_509 : vector<16xf32>
        %mul3A_511 = arith.mulf %sub3A_510, %sub3A_510 : vector<16xf32>
        %add3A_512 = arith.addf %add3A_498, %mul3A_511 : vector<16xf32>
        %mul3A_513 = arith.constant 16 : i32
        %mul3A_514 = arith.muli %scan3A_303, %mul3A_513 : i32
        %add3A_515 = arith.constant 15 : i32
        %add3A_516 = arith.addi %mul3A_514, %add3A_515 : i32
        %add3A_517 = vector.broadcast %add3A_516 : i32 to vector<16xi32>
        %add3A_518 = arith.addi %add3A_517, %iota3A : vector<16xi32>
        %and3A_519 = arith.constant 127 : i32
        %and3A_520 = vector.broadcast %and3A_519 : i32 to vector<16xi32>
        %and3A_521 = arith.andi %add3A_518, %and3A_520 : vector<16xi32>
        %gather3A_522 = tpu.vector_load_idx %arg24[%add3A_254, %and3A_521] : memref<128x128xf32, #tpu.memory_space<vmem>>[vector<16xi32>, vector<16xi32>], vector<16xf32>,
        %gather3A_523 = tpu.vector_load_idx %arg22[%add3A_254, %and3A_521] : memref<128x128xf32, #tpu.memory_space<vmem>>[vector<16xi32>, vector<16xi32>], vector<16xf32>,
        %sub3A_524 = arith.subf %gather3A_522, %gather3A_523 : vector<16xf32>
        %mul3A_525 = arith.mulf %sub3A_524, %sub3A_524 : vector<16xf32>
        %add3A_526 = arith.addf %add3A_512, %mul3A_525 : vector<16xf32>
        scf.yield %add3A_526 : vector<16xf32>
      }
      %scan3A_262 = arith.constant 8 : i32
      %max3A = arith.constant 1.000000e-30 : f32
      %max3A_263 = vector.broadcast %max3A : f32 to vector<16xf32>
      %max3A_264 = arith.maximumf %scan3A_261, %max3A_263 : vector<16xf32>
      %bitcast3A = vector.bitcast %max3A_264 : vector<16xf32> to vector<16xi32>
      %broadcast_in_dim3A_265 = arith.constant 1597463007 : i32
      %broadcast_in_dim3A_266 = vector.broadcast %broadcast_in_dim3A_265 : i32 to vector<16xi32>
      %shift_right_arithmetic3A = arith.constant 1 : i32
      %shift_right_arithmetic3A_267 = vector.broadcast %shift_right_arithmetic3A : i32 to vector<16xi32>
      %shift_right_arithmetic3A_268 = arith.shrsi %bitcast3A, %shift_right_arithmetic3A_267 : vector<16xi32>
      %sub3A = arith.subi %broadcast_in_dim3A_266, %shift_right_arithmetic3A_268 : vector<16xi32>
      %bitcast3A_269 = vector.bitcast %sub3A : vector<16xi32> to vector<16xf32>
      %mul3A_270 = arith.constant 5.000000e-01 : f32
      %mul3A_271 = vector.broadcast %mul3A_270 : f32 to vector<16xf32>
      %mul3A_272 = arith.mulf %mul3A_271, %max3A_264 : vector<16xf32>
      %mul3A_273 = arith.mulf %mul3A_272, %bitcast3A_269 : vector<16xf32>
      %mul3A_274 = arith.mulf %mul3A_273, %bitcast3A_269 : vector<16xf32>
      %sub3A_275 = arith.constant 1.500000e+00 : f32
      %sub3A_276 = vector.broadcast %sub3A_275 : f32 to vector<16xf32>
      %sub3A_277 = arith.subf %sub3A_276, %mul3A_274 : vector<16xf32>
      %mul3A_278 = arith.mulf %bitcast3A_269, %sub3A_277 : vector<16xf32>
      %mul3A_279 = arith.constant 5.000000e-01 : f32
      %mul3A_280 = vector.broadcast %mul3A_279 : f32 to vector<16xf32>
      %mul3A_281 = arith.mulf %mul3A_280, %max3A_264 : vector<16xf32>
      %mul3A_282 = arith.mulf %mul3A_281, %mul3A_278 : vector<16xf32>
      %mul3A_283 = arith.mulf %mul3A_282, %mul3A_278 : vector<16xf32>
      %sub3A_284 = arith.constant 1.500000e+00 : f32
      %sub3A_285 = vector.broadcast %sub3A_284 : f32 to vector<16xf32>
      %sub3A_286 = arith.subf %sub3A_285, %mul3A_283 : vector<16xf32>
      %mul3A_287 = arith.mulf %mul3A_278, %sub3A_286 : vector<16xf32>
      %mul3A_288 = arith.constant 5.000000e-01 : f32
      %mul3A_289 = vector.broadcast %mul3A_288 : f32 to vector<16xf32>
      %mul3A_290 = arith.mulf %mul3A_289, %max3A_264 : vector<16xf32>
      %mul3A_291 = arith.mulf %mul3A_290, %mul3A_287 : vector<16xf32>
      %mul3A_292 = arith.mulf %mul3A_291, %mul3A_287 : vector<16xf32>
      %sub3A_293 = arith.constant 1.500000e+00 : f32
      %sub3A_294 = vector.broadcast %sub3A_293 : f32 to vector<16xf32>
      %sub3A_295 = arith.subf %sub3A_294, %mul3A_292 : vector<16xf32>
      %mul3A_296 = arith.mulf %mul3A_287, %sub3A_295 : vector<16xf32>
      %mul3A_297 = arith.mulf %max3A_264, %mul3A_296 : vector<16xf32>
      %mul3A_298 = arith.constant 16 : i32
      %mul3A_299 = arith.muli %scan3A_249, %mul3A_298 : i32
      %swap3A_300 = arith.index_cast %mul3A_299 : i32 to index
      %swap3A_301 = tpu.vector_load %arg26[%swap3A_300] {strides = array<i32>} : memref<512xf32, #tpu.memory_space<vmem>>, vector<16xf32>,
      tpu.vector_store %arg26[%swap3A_300], %mul3A_297 {strides = array<i32>} : memref<512xf32, #tpu.memory_space<vmem>>, vector<16xf32>,
      %scan3A_302 = arith.constant 0 : i32
      scf.yield %scan3A_302 : i32
    }
    %scan3A_211 = arith.constant 8 : i32
    %dma_wait3A_212 = arith.constant 0 : i32
    %dma_wait3A_213 = tpu.memref_slice %arg29[%dma_wait3A_212] : memref<100096xf32, #tpu.memory_space<vmem_shared>> -> memref<100096xf32, #tpu.memory_space<vmem_shared>>
    tpu.wait_indirect_dma semaphore(%arg37 : memref<!tpu.dma_semaphore, #tpu.memory_space<semaphore_mem>>) src(%dma_wait3A_213 : memref<100096xf32, #tpu.memory_space<vmem_shared>>) dst(%arg18 : memref<128xf32, #tpu.memory_space<vmem>>)
    %scan3A_214 = arith.constant 0 : i32
    %scan3A_215 = arith.constant 8 : i32
    %scan3A_216 = arith.addi %scan3A_214, %scan3A_215 : i32
    %scan3A_217 = arith.constant 1 : i32
    %scan3A_218 = scf.for %scan3A_249 = %scan3A_214 to %scan3A_216 step %scan3A_217 iter_args(%scan3A_250 = %scan3A_185) -> (vector<16xf32>)  : i32 {
      %mul3A_251 = arith.constant 16 : i32
      %mul3A_252 = arith.muli %scan3A_249, %mul3A_251 : i32
      %get3A = arith.index_cast %mul3A_252 : i32 to index
      %get3A_253 = tpu.vector_load %arg26[%get3A] {strides = array<i32>} : memref<512xf32, #tpu.memory_space<vmem>>, vector<16xf32>,
      %mul3A_254 = arith.constant 16 : i32
      %mul3A_255 = arith.muli %scan3A_249, %mul3A_254 : i32
      %get3A_256 = arith.index_cast %mul3A_255 : i32 to index
      %get3A_257 = tpu.vector_load %arg18[%get3A_256] {strides = array<i32>} : memref<128xf32, #tpu.memory_space<vmem>>, vector<16xf32>,
      %div3A = arith.divf %get3A_253, %get3A_257 : vector<16xf32>
      %add3A_258 = arith.addf %scan3A_250, %div3A : vector<16xf32>
      scf.yield %add3A_258 : vector<16xf32>
    }
    %scan3A_219 = arith.constant 8 : i32
    %dma_wait3A_220 = arith.constant 0 : i32
    %dma_wait3A_221 = arith.constant 0 : i32
    %dma_wait3A_222 = tpu.memref_slice %arg4[%dma_wait3A_220, %dma_wait3A_221] : memref<100000x128xf32, #tpu.memory_space<hbm>> -> memref<100000x128xf32, #tpu.memory_space<hbm>>
    tpu.wait_indirect_dma semaphore(%arg34 : memref<!tpu.dma_semaphore, #tpu.memory_space<semaphore_mem>>) src(%dma_wait3A_222 : memref<100000x128xf32, #tpu.memory_space<hbm>>) dst(%arg23 : memref<128x128xf32, #tpu.memory_space<vmem>>)
    %dma_wait3A_223 = arith.constant 0 : i32
    %dma_wait3A_224 = tpu.memref_slice %arg2[%add3A_188, %dma_wait3A_223] : memref<16384x128xf32, #tpu.memory_space<hbm>> -> memref<128x128xf32, #tpu.memory_space<hbm>>
    %dma_wait3A_225 = arith.constant 0 : i32
    %dma_wait3A_226 = tpu.memref_slice %arg2[%add3A_188, %dma_wait3A_225] : memref<16384x128xf32, #tpu.memory_space<hbm>> -> memref<128x128xf32, #tpu.memory_space<hbm>>
    tpu.wait_dma2 semaphore(%arg36 : memref<!tpu.dma_semaphore, #tpu.memory_space<semaphore_mem>>) src(%dma_wait3A_226 : memref<128x128xf32, #tpu.memory_space<hbm>>) dst(%arg25 : memref<128x128xf32, #tpu.memory_space<vmem>>)
    %scan3A_227 = arith.constant 0 : i32
    %scan3A_228 = arith.constant 0 : i32
    %scan3A_229 = arith.constant 8 : i32
    %scan3A_230 = arith.addi %scan3A_228, %scan3A_229 : i32
    %scan3A_231 = arith.constant 1 : i32
    %scan3A_232 = scf.for %scan3A_249 = %scan3A_228 to %scan3A_230 step %scan3A_231 iter_args(%scan3A_250 = %scan3A_227) -> (i32)  : i32 {
      %mul3A_251 = arith.constant 16 : i32
      %mul3A_252 = arith.muli %scan3A_249, %mul3A_251 : i32
      %add3A_253 = vector.broadcast %mul3A_252 : i32 to vector<16xi32>
      %add3A_254 = arith.addi %add3A_253, %iota3A : vector<16xi32>
      %broadcast_in_dim3A_255 = arith.constant 0.000000e+00 : f32
      %broadcast_in_dim3A_256 = vector.broadcast %broadcast_in_dim3A_255 : f32 to vector<16xf32>
      %scan3A_257 = arith.constant 0 : i32
      %scan3A_258 = arith.constant 8 : i32
      %scan3A_259 = arith.addi %scan3A_257, %scan3A_258 : i32
      %scan3A_260 = arith.constant 1 : i32
      %scan3A_261 = scf.for %scan3A_303 = %scan3A_257 to %scan3A_259 step %scan3A_260 iter_args(%scan3A_304 = %broadcast_in_dim3A_256) -> (vector<16xf32>)  : i32 {
        %mul3A_305 = arith.constant 16 : i32
        %mul3A_306 = arith.muli %scan3A_303, %mul3A_305 : i32
        %add3A_307 = arith.constant 0 : i32
        %add3A_308 = arith.addi %mul3A_306, %add3A_307 : i32
        %add3A_309 = vector.broadcast %add3A_308 : i32 to vector<16xi32>
        %add3A_310 = arith.addi %add3A_309, %iota3A : vector<16xi32>
        %and3A = arith.constant 127 : i32
        %and3A_311 = vector.broadcast %and3A : i32 to vector<16xi32>
        %and3A_312 = arith.andi %add3A_310, %and3A_311 : vector<16xi32>
        %gather3A = tpu.vector_load_idx %arg25[%add3A_254, %and3A_312] : memref<128x128xf32, #tpu.memory_space<vmem>>[vector<16xi32>, vector<16xi32>], vector<16xf32>,
        %gather3A_313 = tpu.vector_load_idx %arg23[%add3A_254, %and3A_312] : memref<128x128xf32, #tpu.memory_space<vmem>>[vector<16xi32>, vector<16xi32>], vector<16xf32>,
        %sub3A_314 = arith.subf %gather3A, %gather3A_313 : vector<16xf32>
        %mul3A_315 = arith.mulf %sub3A_314, %sub3A_314 : vector<16xf32>
        %add3A_316 = arith.addf %scan3A_304, %mul3A_315 : vector<16xf32>
        %mul3A_317 = arith.constant 16 : i32
        %mul3A_318 = arith.muli %scan3A_303, %mul3A_317 : i32
        %add3A_319 = arith.constant 1 : i32
        %add3A_320 = arith.addi %mul3A_318, %add3A_319 : i32
        %add3A_321 = vector.broadcast %add3A_320 : i32 to vector<16xi32>
        %add3A_322 = arith.addi %add3A_321, %iota3A : vector<16xi32>
        %and3A_323 = arith.constant 127 : i32
        %and3A_324 = vector.broadcast %and3A_323 : i32 to vector<16xi32>
        %and3A_325 = arith.andi %add3A_322, %and3A_324 : vector<16xi32>
        %gather3A_326 = tpu.vector_load_idx %arg25[%add3A_254, %and3A_325] : memref<128x128xf32, #tpu.memory_space<vmem>>[vector<16xi32>, vector<16xi32>], vector<16xf32>,
        %gather3A_327 = tpu.vector_load_idx %arg23[%add3A_254, %and3A_325] : memref<128x128xf32, #tpu.memory_space<vmem>>[vector<16xi32>, vector<16xi32>], vector<16xf32>,
        %sub3A_328 = arith.subf %gather3A_326, %gather3A_327 : vector<16xf32>
        %mul3A_329 = arith.mulf %sub3A_328, %sub3A_328 : vector<16xf32>
        %add3A_330 = arith.addf %add3A_316, %mul3A_329 : vector<16xf32>
        %mul3A_331 = arith.constant 16 : i32
        %mul3A_332 = arith.muli %scan3A_303, %mul3A_331 : i32
        %add3A_333 = arith.constant 2 : i32
        %add3A_334 = arith.addi %mul3A_332, %add3A_333 : i32
        %add3A_335 = vector.broadcast %add3A_334 : i32 to vector<16xi32>
        %add3A_336 = arith.addi %add3A_335, %iota3A : vector<16xi32>
        %and3A_337 = arith.constant 127 : i32
        %and3A_338 = vector.broadcast %and3A_337 : i32 to vector<16xi32>
        %and3A_339 = arith.andi %add3A_336, %and3A_338 : vector<16xi32>
        %gather3A_340 = tpu.vector_load_idx %arg25[%add3A_254, %and3A_339] : memref<128x128xf32, #tpu.memory_space<vmem>>[vector<16xi32>, vector<16xi32>], vector<16xf32>,
        %gather3A_341 = tpu.vector_load_idx %arg23[%add3A_254, %and3A_339] : memref<128x128xf32, #tpu.memory_space<vmem>>[vector<16xi32>, vector<16xi32>], vector<16xf32>,
        %sub3A_342 = arith.subf %gather3A_340, %gather3A_341 : vector<16xf32>
        %mul3A_343 = arith.mulf %sub3A_342, %sub3A_342 : vector<16xf32>
        %add3A_344 = arith.addf %add3A_330, %mul3A_343 : vector<16xf32>
        %mul3A_345 = arith.constant 16 : i32
        %mul3A_346 = arith.muli %scan3A_303, %mul3A_345 : i32
        %add3A_347 = arith.constant 3 : i32
        %add3A_348 = arith.addi %mul3A_346, %add3A_347 : i32
        %add3A_349 = vector.broadcast %add3A_348 : i32 to vector<16xi32>
        %add3A_350 = arith.addi %add3A_349, %iota3A : vector<16xi32>
        %and3A_351 = arith.constant 127 : i32
        %and3A_352 = vector.broadcast %and3A_351 : i32 to vector<16xi32>
        %and3A_353 = arith.andi %add3A_350, %and3A_352 : vector<16xi32>
        %gather3A_354 = tpu.vector_load_idx %arg25[%add3A_254, %and3A_353] : memref<128x128xf32, #tpu.memory_space<vmem>>[vector<16xi32>, vector<16xi32>], vector<16xf32>,
        %gather3A_355 = tpu.vector_load_idx %arg23[%add3A_254, %and3A_353] : memref<128x128xf32, #tpu.memory_space<vmem>>[vector<16xi32>, vector<16xi32>], vector<16xf32>,
        %sub3A_356 = arith.subf %gather3A_354, %gather3A_355 : vector<16xf32>
        %mul3A_357 = arith.mulf %sub3A_356, %sub3A_356 : vector<16xf32>
        %add3A_358 = arith.addf %add3A_344, %mul3A_357 : vector<16xf32>
        %mul3A_359 = arith.constant 16 : i32
        %mul3A_360 = arith.muli %scan3A_303, %mul3A_359 : i32
        %add3A_361 = arith.constant 4 : i32
        %add3A_362 = arith.addi %mul3A_360, %add3A_361 : i32
        %add3A_363 = vector.broadcast %add3A_362 : i32 to vector<16xi32>
        %add3A_364 = arith.addi %add3A_363, %iota3A : vector<16xi32>
        %and3A_365 = arith.constant 127 : i32
        %and3A_366 = vector.broadcast %and3A_365 : i32 to vector<16xi32>
        %and3A_367 = arith.andi %add3A_364, %and3A_366 : vector<16xi32>
        %gather3A_368 = tpu.vector_load_idx %arg25[%add3A_254, %and3A_367] : memref<128x128xf32, #tpu.memory_space<vmem>>[vector<16xi32>, vector<16xi32>], vector<16xf32>,
        %gather3A_369 = tpu.vector_load_idx %arg23[%add3A_254, %and3A_367] : memref<128x128xf32, #tpu.memory_space<vmem>>[vector<16xi32>, vector<16xi32>], vector<16xf32>,
        %sub3A_370 = arith.subf %gather3A_368, %gather3A_369 : vector<16xf32>
        %mul3A_371 = arith.mulf %sub3A_370, %sub3A_370 : vector<16xf32>
        %add3A_372 = arith.addf %add3A_358, %mul3A_371 : vector<16xf32>
        %mul3A_373 = arith.constant 16 : i32
        %mul3A_374 = arith.muli %scan3A_303, %mul3A_373 : i32
        %add3A_375 = arith.constant 5 : i32
        %add3A_376 = arith.addi %mul3A_374, %add3A_375 : i32
        %add3A_377 = vector.broadcast %add3A_376 : i32 to vector<16xi32>
        %add3A_378 = arith.addi %add3A_377, %iota3A : vector<16xi32>
        %and3A_379 = arith.constant 127 : i32
        %and3A_380 = vector.broadcast %and3A_379 : i32 to vector<16xi32>
        %and3A_381 = arith.andi %add3A_378, %and3A_380 : vector<16xi32>
        %gather3A_382 = tpu.vector_load_idx %arg25[%add3A_254, %and3A_381] : memref<128x128xf32, #tpu.memory_space<vmem>>[vector<16xi32>, vector<16xi32>], vector<16xf32>,
        %gather3A_383 = tpu.vector_load_idx %arg23[%add3A_254, %and3A_381] : memref<128x128xf32, #tpu.memory_space<vmem>>[vector<16xi32>, vector<16xi32>], vector<16xf32>,
        %sub3A_384 = arith.subf %gather3A_382, %gather3A_383 : vector<16xf32>
        %mul3A_385 = arith.mulf %sub3A_384, %sub3A_384 : vector<16xf32>
        %add3A_386 = arith.addf %add3A_372, %mul3A_385 : vector<16xf32>
        %mul3A_387 = arith.constant 16 : i32
        %mul3A_388 = arith.muli %scan3A_303, %mul3A_387 : i32
        %add3A_389 = arith.constant 6 : i32
        %add3A_390 = arith.addi %mul3A_388, %add3A_389 : i32
        %add3A_391 = vector.broadcast %add3A_390 : i32 to vector<16xi32>
        %add3A_392 = arith.addi %add3A_391, %iota3A : vector<16xi32>
        %and3A_393 = arith.constant 127 : i32
        %and3A_394 = vector.broadcast %and3A_393 : i32 to vector<16xi32>
        %and3A_395 = arith.andi %add3A_392, %and3A_394 : vector<16xi32>
        %gather3A_396 = tpu.vector_load_idx %arg25[%add3A_254, %and3A_395] : memref<128x128xf32, #tpu.memory_space<vmem>>[vector<16xi32>, vector<16xi32>], vector<16xf32>,
        %gather3A_397 = tpu.vector_load_idx %arg23[%add3A_254, %and3A_395] : memref<128x128xf32, #tpu.memory_space<vmem>>[vector<16xi32>, vector<16xi32>], vector<16xf32>,
        %sub3A_398 = arith.subf %gather3A_396, %gather3A_397 : vector<16xf32>
        %mul3A_399 = arith.mulf %sub3A_398, %sub3A_398 : vector<16xf32>
        %add3A_400 = arith.addf %add3A_386, %mul3A_399 : vector<16xf32>
        %mul3A_401 = arith.constant 16 : i32
        %mul3A_402 = arith.muli %scan3A_303, %mul3A_401 : i32
        %add3A_403 = arith.constant 7 : i32
        %add3A_404 = arith.addi %mul3A_402, %add3A_403 : i32
        %add3A_405 = vector.broadcast %add3A_404 : i32 to vector<16xi32>
        %add3A_406 = arith.addi %add3A_405, %iota3A : vector<16xi32>
        %and3A_407 = arith.constant 127 : i32
        %and3A_408 = vector.broadcast %and3A_407 : i32 to vector<16xi32>
        %and3A_409 = arith.andi %add3A_406, %and3A_408 : vector<16xi32>
        %gather3A_410 = tpu.vector_load_idx %arg25[%add3A_254, %and3A_409] : memref<128x128xf32, #tpu.memory_space<vmem>>[vector<16xi32>, vector<16xi32>], vector<16xf32>,
        %gather3A_411 = tpu.vector_load_idx %arg23[%add3A_254, %and3A_409] : memref<128x128xf32, #tpu.memory_space<vmem>>[vector<16xi32>, vector<16xi32>], vector<16xf32>,
        %sub3A_412 = arith.subf %gather3A_410, %gather3A_411 : vector<16xf32>
        %mul3A_413 = arith.mulf %sub3A_412, %sub3A_412 : vector<16xf32>
        %add3A_414 = arith.addf %add3A_400, %mul3A_413 : vector<16xf32>
        %mul3A_415 = arith.constant 16 : i32
        %mul3A_416 = arith.muli %scan3A_303, %mul3A_415 : i32
        %add3A_417 = arith.constant 8 : i32
        %add3A_418 = arith.addi %mul3A_416, %add3A_417 : i32
        %add3A_419 = vector.broadcast %add3A_418 : i32 to vector<16xi32>
        %add3A_420 = arith.addi %add3A_419, %iota3A : vector<16xi32>
        %and3A_421 = arith.constant 127 : i32
        %and3A_422 = vector.broadcast %and3A_421 : i32 to vector<16xi32>
        %and3A_423 = arith.andi %add3A_420, %and3A_422 : vector<16xi32>
        %gather3A_424 = tpu.vector_load_idx %arg25[%add3A_254, %and3A_423] : memref<128x128xf32, #tpu.memory_space<vmem>>[vector<16xi32>, vector<16xi32>], vector<16xf32>,
        %gather3A_425 = tpu.vector_load_idx %arg23[%add3A_254, %and3A_423] : memref<128x128xf32, #tpu.memory_space<vmem>>[vector<16xi32>, vector<16xi32>], vector<16xf32>,
        %sub3A_426 = arith.subf %gather3A_424, %gather3A_425 : vector<16xf32>
        %mul3A_427 = arith.mulf %sub3A_426, %sub3A_426 : vector<16xf32>
        %add3A_428 = arith.addf %add3A_414, %mul3A_427 : vector<16xf32>
        %mul3A_429 = arith.constant 16 : i32
        %mul3A_430 = arith.muli %scan3A_303, %mul3A_429 : i32
        %add3A_431 = arith.constant 9 : i32
        %add3A_432 = arith.addi %mul3A_430, %add3A_431 : i32
        %add3A_433 = vector.broadcast %add3A_432 : i32 to vector<16xi32>
        %add3A_434 = arith.addi %add3A_433, %iota3A : vector<16xi32>
        %and3A_435 = arith.constant 127 : i32
        %and3A_436 = vector.broadcast %and3A_435 : i32 to vector<16xi32>
        %and3A_437 = arith.andi %add3A_434, %and3A_436 : vector<16xi32>
        %gather3A_438 = tpu.vector_load_idx %arg25[%add3A_254, %and3A_437] : memref<128x128xf32, #tpu.memory_space<vmem>>[vector<16xi32>, vector<16xi32>], vector<16xf32>,
        %gather3A_439 = tpu.vector_load_idx %arg23[%add3A_254, %and3A_437] : memref<128x128xf32, #tpu.memory_space<vmem>>[vector<16xi32>, vector<16xi32>], vector<16xf32>,
        %sub3A_440 = arith.subf %gather3A_438, %gather3A_439 : vector<16xf32>
        %mul3A_441 = arith.mulf %sub3A_440, %sub3A_440 : vector<16xf32>
        %add3A_442 = arith.addf %add3A_428, %mul3A_441 : vector<16xf32>
        %mul3A_443 = arith.constant 16 : i32
        %mul3A_444 = arith.muli %scan3A_303, %mul3A_443 : i32
        %add3A_445 = arith.constant 10 : i32
        %add3A_446 = arith.addi %mul3A_444, %add3A_445 : i32
        %add3A_447 = vector.broadcast %add3A_446 : i32 to vector<16xi32>
        %add3A_448 = arith.addi %add3A_447, %iota3A : vector<16xi32>
        %and3A_449 = arith.constant 127 : i32
        %and3A_450 = vector.broadcast %and3A_449 : i32 to vector<16xi32>
        %and3A_451 = arith.andi %add3A_448, %and3A_450 : vector<16xi32>
        %gather3A_452 = tpu.vector_load_idx %arg25[%add3A_254, %and3A_451] : memref<128x128xf32, #tpu.memory_space<vmem>>[vector<16xi32>, vector<16xi32>], vector<16xf32>,
        %gather3A_453 = tpu.vector_load_idx %arg23[%add3A_254, %and3A_451] : memref<128x128xf32, #tpu.memory_space<vmem>>[vector<16xi32>, vector<16xi32>], vector<16xf32>,
        %sub3A_454 = arith.subf %gather3A_452, %gather3A_453 : vector<16xf32>
        %mul3A_455 = arith.mulf %sub3A_454, %sub3A_454 : vector<16xf32>
        %add3A_456 = arith.addf %add3A_442, %mul3A_455 : vector<16xf32>
        %mul3A_457 = arith.constant 16 : i32
        %mul3A_458 = arith.muli %scan3A_303, %mul3A_457 : i32
        %add3A_459 = arith.constant 11 : i32
        %add3A_460 = arith.addi %mul3A_458, %add3A_459 : i32
        %add3A_461 = vector.broadcast %add3A_460 : i32 to vector<16xi32>
        %add3A_462 = arith.addi %add3A_461, %iota3A : vector<16xi32>
        %and3A_463 = arith.constant 127 : i32
        %and3A_464 = vector.broadcast %and3A_463 : i32 to vector<16xi32>
        %and3A_465 = arith.andi %add3A_462, %and3A_464 : vector<16xi32>
        %gather3A_466 = tpu.vector_load_idx %arg25[%add3A_254, %and3A_465] : memref<128x128xf32, #tpu.memory_space<vmem>>[vector<16xi32>, vector<16xi32>], vector<16xf32>,
        %gather3A_467 = tpu.vector_load_idx %arg23[%add3A_254, %and3A_465] : memref<128x128xf32, #tpu.memory_space<vmem>>[vector<16xi32>, vector<16xi32>], vector<16xf32>,
        %sub3A_468 = arith.subf %gather3A_466, %gather3A_467 : vector<16xf32>
        %mul3A_469 = arith.mulf %sub3A_468, %sub3A_468 : vector<16xf32>
        %add3A_470 = arith.addf %add3A_456, %mul3A_469 : vector<16xf32>
        %mul3A_471 = arith.constant 16 : i32
        %mul3A_472 = arith.muli %scan3A_303, %mul3A_471 : i32
        %add3A_473 = arith.constant 12 : i32
        %add3A_474 = arith.addi %mul3A_472, %add3A_473 : i32
        %add3A_475 = vector.broadcast %add3A_474 : i32 to vector<16xi32>
        %add3A_476 = arith.addi %add3A_475, %iota3A : vector<16xi32>
        %and3A_477 = arith.constant 127 : i32
        %and3A_478 = vector.broadcast %and3A_477 : i32 to vector<16xi32>
        %and3A_479 = arith.andi %add3A_476, %and3A_478 : vector<16xi32>
        %gather3A_480 = tpu.vector_load_idx %arg25[%add3A_254, %and3A_479] : memref<128x128xf32, #tpu.memory_space<vmem>>[vector<16xi32>, vector<16xi32>], vector<16xf32>,
        %gather3A_481 = tpu.vector_load_idx %arg23[%add3A_254, %and3A_479] : memref<128x128xf32, #tpu.memory_space<vmem>>[vector<16xi32>, vector<16xi32>], vector<16xf32>,
        %sub3A_482 = arith.subf %gather3A_480, %gather3A_481 : vector<16xf32>
        %mul3A_483 = arith.mulf %sub3A_482, %sub3A_482 : vector<16xf32>
        %add3A_484 = arith.addf %add3A_470, %mul3A_483 : vector<16xf32>
        %mul3A_485 = arith.constant 16 : i32
        %mul3A_486 = arith.muli %scan3A_303, %mul3A_485 : i32
        %add3A_487 = arith.constant 13 : i32
        %add3A_488 = arith.addi %mul3A_486, %add3A_487 : i32
        %add3A_489 = vector.broadcast %add3A_488 : i32 to vector<16xi32>
        %add3A_490 = arith.addi %add3A_489, %iota3A : vector<16xi32>
        %and3A_491 = arith.constant 127 : i32
        %and3A_492 = vector.broadcast %and3A_491 : i32 to vector<16xi32>
        %and3A_493 = arith.andi %add3A_490, %and3A_492 : vector<16xi32>
        %gather3A_494 = tpu.vector_load_idx %arg25[%add3A_254, %and3A_493] : memref<128x128xf32, #tpu.memory_space<vmem>>[vector<16xi32>, vector<16xi32>], vector<16xf32>,
        %gather3A_495 = tpu.vector_load_idx %arg23[%add3A_254, %and3A_493] : memref<128x128xf32, #tpu.memory_space<vmem>>[vector<16xi32>, vector<16xi32>], vector<16xf32>,
        %sub3A_496 = arith.subf %gather3A_494, %gather3A_495 : vector<16xf32>
        %mul3A_497 = arith.mulf %sub3A_496, %sub3A_496 : vector<16xf32>
        %add3A_498 = arith.addf %add3A_484, %mul3A_497 : vector<16xf32>
        %mul3A_499 = arith.constant 16 : i32
        %mul3A_500 = arith.muli %scan3A_303, %mul3A_499 : i32
        %add3A_501 = arith.constant 14 : i32
        %add3A_502 = arith.addi %mul3A_500, %add3A_501 : i32
        %add3A_503 = vector.broadcast %add3A_502 : i32 to vector<16xi32>
        %add3A_504 = arith.addi %add3A_503, %iota3A : vector<16xi32>
        %and3A_505 = arith.constant 127 : i32
        %and3A_506 = vector.broadcast %and3A_505 : i32 to vector<16xi32>
        %and3A_507 = arith.andi %add3A_504, %and3A_506 : vector<16xi32>
        %gather3A_508 = tpu.vector_load_idx %arg25[%add3A_254, %and3A_507] : memref<128x128xf32, #tpu.memory_space<vmem>>[vector<16xi32>, vector<16xi32>], vector<16xf32>,
        %gather3A_509 = tpu.vector_load_idx %arg23[%add3A_254, %and3A_507] : memref<128x128xf32, #tpu.memory_space<vmem>>[vector<16xi32>, vector<16xi32>], vector<16xf32>,
        %sub3A_510 = arith.subf %gather3A_508, %gather3A_509 : vector<16xf32>
        %mul3A_511 = arith.mulf %sub3A_510, %sub3A_510 : vector<16xf32>
        %add3A_512 = arith.addf %add3A_498, %mul3A_511 : vector<16xf32>
        %mul3A_513 = arith.constant 16 : i32
        %mul3A_514 = arith.muli %scan3A_303, %mul3A_513 : i32
        %add3A_515 = arith.constant 15 : i32
        %add3A_516 = arith.addi %mul3A_514, %add3A_515 : i32
        %add3A_517 = vector.broadcast %add3A_516 : i32 to vector<16xi32>
        %add3A_518 = arith.addi %add3A_517, %iota3A : vector<16xi32>
        %and3A_519 = arith.constant 127 : i32
        %and3A_520 = vector.broadcast %and3A_519 : i32 to vector<16xi32>
        %and3A_521 = arith.andi %add3A_518, %and3A_520 : vector<16xi32>
        %gather3A_522 = tpu.vector_load_idx %arg25[%add3A_254, %and3A_521] : memref<128x128xf32, #tpu.memory_space<vmem>>[vector<16xi32>, vector<16xi32>], vector<16xf32>,
        %gather3A_523 = tpu.vector_load_idx %arg23[%add3A_254, %and3A_521] : memref<128x128xf32, #tpu.memory_space<vmem>>[vector<16xi32>, vector<16xi32>], vector<16xf32>,
        %sub3A_524 = arith.subf %gather3A_522, %gather3A_523 : vector<16xf32>
        %mul3A_525 = arith.mulf %sub3A_524, %sub3A_524 : vector<16xf32>
        %add3A_526 = arith.addf %add3A_512, %mul3A_525 : vector<16xf32>
        scf.yield %add3A_526 : vector<16xf32>
      }
      %scan3A_262 = arith.constant 8 : i32
      %max3A = arith.constant 1.000000e-30 : f32
      %max3A_263 = vector.broadcast %max3A : f32 to vector<16xf32>
      %max3A_264 = arith.maximumf %scan3A_261, %max3A_263 : vector<16xf32>
      %bitcast3A = vector.bitcast %max3A_264 : vector<16xf32> to vector<16xi32>
      %broadcast_in_dim3A_265 = arith.constant 1597463007 : i32
      %broadcast_in_dim3A_266 = vector.broadcast %broadcast_in_dim3A_265 : i32 to vector<16xi32>
      %shift_right_arithmetic3A = arith.constant 1 : i32
      %shift_right_arithmetic3A_267 = vector.broadcast %shift_right_arithmetic3A : i32 to vector<16xi32>
      %shift_right_arithmetic3A_268 = arith.shrsi %bitcast3A, %shift_right_arithmetic3A_267 : vector<16xi32>
      %sub3A = arith.subi %broadcast_in_dim3A_266, %shift_right_arithmetic3A_268 : vector<16xi32>
      %bitcast3A_269 = vector.bitcast %sub3A : vector<16xi32> to vector<16xf32>
      %mul3A_270 = arith.constant 5.000000e-01 : f32
      %mul3A_271 = vector.broadcast %mul3A_270 : f32 to vector<16xf32>
      %mul3A_272 = arith.mulf %mul3A_271, %max3A_264 : vector<16xf32>
      %mul3A_273 = arith.mulf %mul3A_272, %bitcast3A_269 : vector<16xf32>
      %mul3A_274 = arith.mulf %mul3A_273, %bitcast3A_269 : vector<16xf32>
      %sub3A_275 = arith.constant 1.500000e+00 : f32
      %sub3A_276 = vector.broadcast %sub3A_275 : f32 to vector<16xf32>
      %sub3A_277 = arith.subf %sub3A_276, %mul3A_274 : vector<16xf32>
      %mul3A_278 = arith.mulf %bitcast3A_269, %sub3A_277 : vector<16xf32>
      %mul3A_279 = arith.constant 5.000000e-01 : f32
      %mul3A_280 = vector.broadcast %mul3A_279 : f32 to vector<16xf32>
      %mul3A_281 = arith.mulf %mul3A_280, %max3A_264 : vector<16xf32>
      %mul3A_282 = arith.mulf %mul3A_281, %mul3A_278 : vector<16xf32>
      %mul3A_283 = arith.mulf %mul3A_282, %mul3A_278 : vector<16xf32>
      %sub3A_284 = arith.constant 1.500000e+00 : f32
      %sub3A_285 = vector.broadcast %sub3A_284 : f32 to vector<16xf32>
      %sub3A_286 = arith.subf %sub3A_285, %mul3A_283 : vector<16xf32>
      %mul3A_287 = arith.mulf %mul3A_278, %sub3A_286 : vector<16xf32>
      %mul3A_288 = arith.constant 5.000000e-01 : f32
      %mul3A_289 = vector.broadcast %mul3A_288 : f32 to vector<16xf32>
      %mul3A_290 = arith.mulf %mul3A_289, %max3A_264 : vector<16xf32>
      %mul3A_291 = arith.mulf %mul3A_290, %mul3A_287 : vector<16xf32>
      %mul3A_292 = arith.mulf %mul3A_291, %mul3A_287 : vector<16xf32>
      %sub3A_293 = arith.constant 1.500000e+00 : f32
      %sub3A_294 = vector.broadcast %sub3A_293 : f32 to vector<16xf32>
      %sub3A_295 = arith.subf %sub3A_294, %mul3A_292 : vector<16xf32>
      %mul3A_296 = arith.mulf %mul3A_287, %sub3A_295 : vector<16xf32>
      %mul3A_297 = arith.mulf %max3A_264, %mul3A_296 : vector<16xf32>
      %mul3A_298 = arith.constant 16 : i32
      %mul3A_299 = arith.muli %scan3A_249, %mul3A_298 : i32
      %swap3A_300 = arith.index_cast %mul3A_299 : i32 to index
      %swap3A_301 = tpu.vector_load %arg26[%swap3A_300] {strides = array<i32>} : memref<512xf32, #tpu.memory_space<vmem>>, vector<16xf32>,
      tpu.vector_store %arg26[%swap3A_300], %mul3A_297 {strides = array<i32>} : memref<512xf32, #tpu.memory_space<vmem>>, vector<16xf32>,
      %scan3A_302 = arith.constant 0 : i32
      scf.yield %scan3A_302 : i32
    }
    %scan3A_233 = arith.constant 8 : i32
    %dma_wait3A_234 = arith.constant 0 : i32
    %dma_wait3A_235 = tpu.memref_slice %arg29[%dma_wait3A_234] : memref<100096xf32, #tpu.memory_space<vmem_shared>> -> memref<100096xf32, #tpu.memory_space<vmem_shared>>
    tpu.wait_indirect_dma semaphore(%arg38 : memref<!tpu.dma_semaphore, #tpu.memory_space<semaphore_mem>>) src(%dma_wait3A_235 : memref<100096xf32, #tpu.memory_space<vmem_shared>>) dst(%arg19 : memref<128xf32, #tpu.memory_space<vmem>>)
    %scan3A_236 = arith.constant 0 : i32
    %scan3A_237 = arith.constant 8 : i32
    %scan3A_238 = arith.addi %scan3A_236, %scan3A_237 : i32
    %scan3A_239 = arith.constant 1 : i32
    %scan3A_240 = scf.for %scan3A_249 = %scan3A_236 to %scan3A_238 step %scan3A_239 iter_args(%scan3A_250 = %scan3A_218) -> (vector<16xf32>)  : i32 {
      %mul3A_251 = arith.constant 16 : i32
      %mul3A_252 = arith.muli %scan3A_249, %mul3A_251 : i32
      %get3A = arith.index_cast %mul3A_252 : i32 to index
      %get3A_253 = tpu.vector_load %arg26[%get3A] {strides = array<i32>} : memref<512xf32, #tpu.memory_space<vmem>>, vector<16xf32>,
      %mul3A_254 = arith.constant 16 : i32
      %mul3A_255 = arith.muli %scan3A_249, %mul3A_254 : i32
      %get3A_256 = arith.index_cast %mul3A_255 : i32 to index
      %get3A_257 = tpu.vector_load %arg19[%get3A_256] {strides = array<i32>} : memref<128xf32, #tpu.memory_space<vmem>>, vector<16xf32>,
      %div3A = arith.divf %get3A_253, %get3A_257 : vector<16xf32>
      %add3A_258 = arith.addf %scan3A_250, %div3A : vector<16xf32>
      scf.yield %add3A_258 : vector<16xf32>
    }
    %scan3A_241 = arith.constant 8 : i32
    %swap3A_242 = arith.constant 0 : index
    %swap3A_243 = tpu.vector_load %arg27[%swap3A_242] {strides = array<i32>} : memref<16xf32, #tpu.memory_space<vmem>>, vector<16xf32>,
    tpu.vector_store %arg27[%swap3A_242], %scan3A_240 {strides = array<i32>} : memref<16xf32, #tpu.memory_space<vmem>>, vector<16xf32>,
    %mul3A_244 = arith.constant 16 : i32
    %mul3A_245 = arith.muli %arg1, %mul3A_244 : i32
    "tpu.region"() ({
      %run_scoped3A = tpu.sem_alloc : memref<!tpu.dma_semaphore, #tpu.memory_space<semaphore_mem>>
      %dma_start3A_249 = tpu.memref_slice %arg30[%mul3A_245] : memref<256xf32, #tpu.memory_space<vmem_shared>> -> memref<16xf32, #tpu.memory_space<vmem_shared>>
      %dma_start3A_250 = tpu.memref_slice %arg30[%mul3A_245] : memref<256xf32, #tpu.memory_space<vmem_shared>> -> memref<16xf32, #tpu.memory_space<vmem_shared>>
      tpu.enqueue_dma source(%arg27 : memref<16xf32, #tpu.memory_space<vmem>>) target(%dma_start3A_250 : memref<16xf32, #tpu.memory_space<vmem_shared>>) target_semaphore(%run_scoped3A : memref<!tpu.dma_semaphore, #tpu.memory_space<semaphore_mem>>)
      %dma_wait3A_251 = tpu.memref_slice %arg30[%mul3A_245] : memref<256xf32, #tpu.memory_space<vmem_shared>> -> memref<16xf32, #tpu.memory_space<vmem_shared>>
      %dma_wait3A_252 = tpu.memref_slice %arg30[%mul3A_245] : memref<256xf32, #tpu.memory_space<vmem_shared>> -> memref<16xf32, #tpu.memory_space<vmem_shared>>
      tpu.wait_dma2 semaphore(%run_scoped3A : memref<!tpu.dma_semaphore, #tpu.memory_space<semaphore_mem>>) src(%arg27 : memref<16xf32, #tpu.memory_space<vmem>>) dst(%dma_wait3A_252 : memref<16xf32, #tpu.memory_space<vmem_shared>>)
      tpu.yield
    }) : () -> ()
    %barrier3A_246 = arith.constant 0 : index
    tpu.barrier barrier_id(%barrier3A_246)
    %eq3A = arith.constant 0 : i32
    %eq3A_247 = arith.cmpi eq, %arg1, %eq3A : i32
    %convert_element_type3A = arith.extui %eq3A_247 : i1 to i32
    %cond3A = arith.constant 0 : i32
    %cond3A_248 = arith.cmpi ne, %convert_element_type3A, %cond3A : i32
    scf.if %cond3A_248 {
      "tpu.region"() ({
        %run_scoped3A = tpu.sem_alloc : memref<!tpu.dma_semaphore, #tpu.memory_space<semaphore_mem>>
        tpu.enqueue_dma source(%arg30 : memref<256xf32, #tpu.memory_space<vmem_shared>>) target(%arg28 : memref<256xf32, #tpu.memory_space<vmem>>) target_semaphore(%run_scoped3A : memref<!tpu.dma_semaphore, #tpu.memory_space<semaphore_mem>>)
        tpu.wait_dma2 semaphore(%run_scoped3A : memref<!tpu.dma_semaphore, #tpu.memory_space<semaphore_mem>>) src(%arg30 : memref<256xf32, #tpu.memory_space<vmem_shared>>) dst(%arg28 : memref<256xf32, #tpu.memory_space<vmem>>)
        tpu.yield
      }) : () -> ()
      %broadcast_in_dim3A_249 = arith.constant 0.000000e+00 : f32
      %broadcast_in_dim3A_250 = vector.broadcast %broadcast_in_dim3A_249 : f32 to vector<16xf32>
      %get3A = arith.constant 0 : index
      %get3A_251 = tpu.vector_load %arg28[%get3A] {strides = array<i32>} : memref<256xf32, #tpu.memory_space<vmem>>, vector<16xf32>,
      %add3A_252 = arith.addf %broadcast_in_dim3A_250, %get3A_251 : vector<16xf32>
      %get3A_253 = arith.constant 16 : index
      %get3A_254 = tpu.vector_load %arg28[%get3A_253] {strides = array<i32>} : memref<256xf32, #tpu.memory_space<vmem>>, vector<16xf32>,
      %add3A_255 = arith.addf %add3A_252, %get3A_254 : vector<16xf32>
      %get3A_256 = arith.constant 32 : index
      %get3A_257 = tpu.vector_load %arg28[%get3A_256] {strides = array<i32>} : memref<256xf32, #tpu.memory_space<vmem>>, vector<16xf32>,
      %add3A_258 = arith.addf %add3A_255, %get3A_257 : vector<16xf32>
      %get3A_259 = arith.constant 48 : index
      %get3A_260 = tpu.vector_load %arg28[%get3A_259] {strides = array<i32>} : memref<256xf32, #tpu.memory_space<vmem>>, vector<16xf32>,
      %add3A_261 = arith.addf %add3A_258, %get3A_260 : vector<16xf32>
      %get3A_262 = arith.constant 64 : index
      %get3A_263 = tpu.vector_load %arg28[%get3A_262] {strides = array<i32>} : memref<256xf32, #tpu.memory_space<vmem>>, vector<16xf32>,
      %add3A_264 = arith.addf %add3A_261, %get3A_263 : vector<16xf32>
      %get3A_265 = arith.constant 80 : index
      %get3A_266 = tpu.vector_load %arg28[%get3A_265] {strides = array<i32>} : memref<256xf32, #tpu.memory_space<vmem>>, vector<16xf32>,
      %add3A_267 = arith.addf %add3A_264, %get3A_266 : vector<16xf32>
      %get3A_268 = arith.constant 96 : index
      %get3A_269 = tpu.vector_load %arg28[%get3A_268] {strides = array<i32>} : memref<256xf32, #tpu.memory_space<vmem>>, vector<16xf32>,
      %add3A_270 = arith.addf %add3A_267, %get3A_269 : vector<16xf32>
      %get3A_271 = arith.constant 112 : index
      %get3A_272 = tpu.vector_load %arg28[%get3A_271] {strides = array<i32>} : memref<256xf32, #tpu.memory_space<vmem>>, vector<16xf32>,
      %add3A_273 = arith.addf %add3A_270, %get3A_272 : vector<16xf32>
      %get3A_274 = arith.constant 128 : index
      %get3A_275 = tpu.vector_load %arg28[%get3A_274] {strides = array<i32>} : memref<256xf32, #tpu.memory_space<vmem>>, vector<16xf32>,
      %add3A_276 = arith.addf %add3A_273, %get3A_275 : vector<16xf32>
      %get3A_277 = arith.constant 144 : index
      %get3A_278 = tpu.vector_load %arg28[%get3A_277] {strides = array<i32>} : memref<256xf32, #tpu.memory_space<vmem>>, vector<16xf32>,
      %add3A_279 = arith.addf %add3A_276, %get3A_278 : vector<16xf32>
      %get3A_280 = arith.constant 160 : index
      %get3A_281 = tpu.vector_load %arg28[%get3A_280] {strides = array<i32>} : memref<256xf32, #tpu.memory_space<vmem>>, vector<16xf32>,
      %add3A_282 = arith.addf %add3A_279, %get3A_281 : vector<16xf32>
      %get3A_283 = arith.constant 176 : index
      %get3A_284 = tpu.vector_load %arg28[%get3A_283] {strides = array<i32>} : memref<256xf32, #tpu.memory_space<vmem>>, vector<16xf32>,
      %add3A_285 = arith.addf %add3A_282, %get3A_284 : vector<16xf32>
      %get3A_286 = arith.constant 192 : index
      %get3A_287 = tpu.vector_load %arg28[%get3A_286] {strides = array<i32>} : memref<256xf32, #tpu.memory_space<vmem>>, vector<16xf32>,
      %add3A_288 = arith.addf %add3A_285, %get3A_287 : vector<16xf32>
      %get3A_289 = arith.constant 208 : index
      %get3A_290 = tpu.vector_load %arg28[%get3A_289] {strides = array<i32>} : memref<256xf32, #tpu.memory_space<vmem>>, vector<16xf32>,
      %add3A_291 = arith.addf %add3A_288, %get3A_290 : vector<16xf32>
      %get3A_292 = arith.constant 224 : index
      %get3A_293 = tpu.vector_load %arg28[%get3A_292] {strides = array<i32>} : memref<256xf32, #tpu.memory_space<vmem>>, vector<16xf32>,
      %add3A_294 = arith.addf %add3A_291, %get3A_293 : vector<16xf32>
      %get3A_295 = arith.constant 240 : index
      %get3A_296 = tpu.vector_load %arg28[%get3A_295] {strides = array<i32>} : memref<256xf32, #tpu.memory_space<vmem>>, vector<16xf32>,
      %add3A_297 = arith.addf %add3A_294, %get3A_296 : vector<16xf32>
      %reduce_sum3A = arith.constant true
      %reduce_sum3A_298 = vector.broadcast %reduce_sum3A : i1 to vector<16xi1>
      %reduce_sum3A_299 = tpu.scan <sum>, %add3A_297 masked %reduce_sum3A_298 : vector<16xf32>, vector<16xi1> -> vector<16xf32>
      %reduce_sum3A_300 = vector.extract %reduce_sum3A_299[15] : f32 from vector<16xf32>
      %broadcast_in_dim3A_301 = vector.broadcast %reduce_sum3A_300 : f32 to vector<16xf32>
      %swap3A_302 = arith.constant 0 : index
      %swap3A_303 = tpu.vector_load %arg27[%swap3A_302] {strides = array<i32>} : memref<16xf32, #tpu.memory_space<vmem>>, vector<16xf32>,
      tpu.vector_store %arg27[%swap3A_302], %broadcast_in_dim3A_301 {strides = array<i32>} : memref<16xf32, #tpu.memory_space<vmem>>, vector<16xf32>,
      "tpu.region"() ({
        %run_scoped3A = tpu.sem_alloc : memref<!tpu.dma_semaphore, #tpu.memory_space<semaphore_mem>>
        %dma_start3A_304 = arith.constant 0 : i32
        %dma_start3A_305 = tpu.memref_slice %arg5[%arg0, %dma_start3A_304] : memref<2x16xf32, #tpu.memory_space<hbm>> -> memref<1x16xf32, #tpu.memory_space<hbm>>
        %dma_start3A_306 = tpu.memref_squeeze %dma_start3A_305 : memref<1x16xf32, #tpu.memory_space<hbm>> -> memref<16xf32, #tpu.memory_space<hbm>>
        %dma_start3A_307 = arith.constant 0 : i32
        %dma_start3A_308 = tpu.memref_slice %arg5[%arg0, %dma_start3A_307] : memref<2x16xf32, #tpu.memory_space<hbm>> -> memref<1x16xf32, #tpu.memory_space<hbm>>
        %dma_start3A_309 = tpu.memref_squeeze %dma_start3A_308 : memref<1x16xf32, #tpu.memory_space<hbm>> -> memref<16xf32, #tpu.memory_space<hbm>>
        tpu.enqueue_dma source(%arg27 : memref<16xf32, #tpu.memory_space<vmem>>) target(%dma_start3A_309 : memref<16xf32, #tpu.memory_space<hbm>>) target_semaphore(%run_scoped3A : memref<!tpu.dma_semaphore, #tpu.memory_space<semaphore_mem>>)
        %dma_wait3A_310 = arith.constant 0 : i32
        %dma_wait3A_311 = tpu.memref_slice %arg5[%arg0, %dma_wait3A_310] : memref<2x16xf32, #tpu.memory_space<hbm>> -> memref<1x16xf32, #tpu.memory_space<hbm>>
        %dma_wait3A_312 = tpu.memref_squeeze %dma_wait3A_311 : memref<1x16xf32, #tpu.memory_space<hbm>> -> memref<16xf32, #tpu.memory_space<hbm>>
        %dma_wait3A_313 = arith.constant 0 : i32
        %dma_wait3A_314 = tpu.memref_slice %arg5[%arg0, %dma_wait3A_313] : memref<2x16xf32, #tpu.memory_space<hbm>> -> memref<1x16xf32, #tpu.memory_space<hbm>>
        %dma_wait3A_315 = tpu.memref_squeeze %dma_wait3A_314 : memref<1x16xf32, #tpu.memory_space<hbm>> -> memref<16xf32, #tpu.memory_space<hbm>>
        tpu.wait_dma2 semaphore(%run_scoped3A : memref<!tpu.dma_semaphore, #tpu.memory_space<semaphore_mem>>) src(%arg27 : memref<16xf32, #tpu.memory_space<vmem>>) dst(%dma_wait3A_315 : memref<16xf32, #tpu.memory_space<hbm>>)
        tpu.yield
      }) : () -> ()
    } else {
    }
    return
  }
}

</mosaic_0001>

<sc_bundles>
// kernel: kernel.3.cloned.1.call-start
scs
__scs_entry_jumppad:
0x0: {  	(pc) =	sbr.rel $0x88, $3  }
0x1: {  	(tag) =	ssettag $0x0;
	lr =	simm.s32 $0x1  }
0x2: {  	[smem:$0x3F9E] =	sst lr;
	_ =	strace $0xD0000000  }
0x3: {  	_ = 	snop  }
0x4: {  	_ = 	snop  }
0x5: {  	_ = 	snop  }
0x6: {  	_ = 	snop  }
0x7: {  	_ = 	snop  }
__scs_overlays_trampoline_lowered:
0x8: {  	[smem:$0x3FAD] =	sst s0  }
0x9: {  	[smem:$0x3FAE] =	sst s1  }
0xa: {  	[smem:$0x3FAF] =	sst s2  }
0xb: {  	[smem:$0x3FB0] =	sst s3  }
0xc: {  	[smem:$0x3FB1] =	sst s4  }
0xd: {  	[smem:$0x3FB2] =	sst s5  }
0xe: {  	[smem:$0x3FB3] =	sst s6  }
0xf: {  	[smem:$0x3FB4] =	sst s7  }
0x10: {  	[smem:$0x3FB5] =	sst s8  }
0x11: {  	[smem:$0x3FB6] =	sst s9;
	s0 =	simm.s32 @!p0 $0x0  }
0x12: {  	s1 =	sld [smem:$0x3F9C];
	s0 =	simm.s32 @p0 $0x1  }
0x13: {  	[smem:$0x3FB7] =	sst s0;
	s0 =	simm.s32 @!p1 $0x0  }
0x14: {  	s2 =	sld [smem:$0x3F9B];
	s0 =	simm.s32 @p1 $0x1  }
0x15: {  	[smem:$0x3FB8] =	sst s0;
	s0 =	simm.s32 @!p2 $0x0  }
0x16: {  	s3 =	sld [smem:$0x3FDB];
	s0 =	simm.s32 @p2 $0x1  }
0x17: {  	s4 =	simm.s32 $0x1BF5;
	[smem:$0x3FBA] =	sst s0  }
0x18: {  	s0 =	sld [smem:$0x3F9D];
	_ =	swait.ge [sflag:s4], $0x0  }
0x19: {  	s7 =	sld [smem:$0x3F9E]  }
0x1a: {  	s8 =	sadd.s32 $0xFFFFE003, lr  }
0x1b: {  	s9 =	sadd.s32 $0xFFFFFEF7, lr;
	s5 =	simm.s32 $0xFFFFFFFF;
	p2 =	slt.u32 s8, $0xFFFFF086  }
0x1c: {  	p1 =	slt.u32 s9, $0xF7A;
	s5 =	simm.s32 @!p2 $0x0  }
0x1d: {  	s5 =	simm.s32 @p1 $0x1;
	p0 =	seq.s32 s7, s2  }
0x1e: {  	s7 =	smul.u32 @!p0 $0xF7A, s2;
	p2 =	seq.s32 @!p0 s5, $0x0  }
0x1f: {  	s9 =	smul.u32 $0xF7A, s1;
	s8 =	simm.s32 @!p0 $0x1BF5;
	p2 =	por !p2, p0  }
0x20: {  	[sflag:s8] =	ssyncset.s32 @!p0 $0xFFFFF086;
	s6 =	sadd.s32 @!p0 s3, s7;
	s7 =	simm.s32 @!p0 $0x108  }
0x21: {  	s3 =	sadd.s32 s3, s9;
	s6 =	sadd.s32 @!p0 $0x88, s6;
	s7 =	simm.s32 @p2 $0x1082  }
0x22: {  	[simem:s7], [sflag:s8] =	dma.local @!p0 [hbm:s6], $0xF7A  }
0x23: {  	s9 =	sor.u32 $0xD0000000, s2;
	s6 =	simm.s32 $0x108;
	_ =	swait.ge @!p0 [sflag:s8], $0x0  }
0x24: {  	s3 =	sadd.s32 $0x88, s3;
	s6 =	simm.s32 @!p1 $0x1082;
	[sflag:s4] =	ssyncset.s32 $0xFFFFF086  }
0x25: {  	[simem:s6], [sflag:s4] =	dma.local [hbm:s3], $0xF7A  }
0x26: {  	[smem:$0x3F9E] =	sst s1;
	(tag) =	ssettag s2;
	_ =	strace s9  }
0x27: {  	s1 =	sld [smem:$0x3FAE]  }
0x28: {  	s2 =	sld [smem:$0x3FAF]  }
0x29: {  	s4 =	sld [smem:$0x3FB1]  }
0x2a: {  	p0 =	seq.s32 s5, $0x0;
	s5 =	sld [smem:$0x3FB2]  }
0x2b: {  	s6 =	sld [smem:$0x3FB3]  }
0x2c: {  	s7 =	sld [smem:$0x3FB4]  }
0x2d: {  	s3 =	simm.s32 $0x108;
	s8 =	sld [smem:$0x3FB5]  }
0x2e: {  	s3 =	simm.s32 @!p0 $0x1082;
	s9 =	sld [smem:$0x3FB6]  }
0x2f: {  	lr =	sadd.s32 s0, s3;
	s0 =	sld [smem:$0x3FAD]  }
0x30: {  	s3 =	sld [smem:$0x3FB0]  }
0x31: {  	[smem:$0x3FB9] =	sst s10  }
0x32: {  	s10 =	sld [smem:$0x3FB7];
	_ =	sdelay $0x3  }
0x33: {  	p0 =	seq.s32 s10, $0x1;
	s10 =	sld [smem:$0x3FB9];
	_ =	sdelay $0x3  }
0x34: {  	[smem:$0x3FB9] =	sst s10  }
0x35: {  	s10 =	sld [smem:$0x3FB8];
	_ =	sdelay $0x3  }
0x36: {  	p1 =	seq.s32 s10, $0x1;
	s10 =	sld [smem:$0x3FB9];
	_ =	sdelay $0x3  }
0x37: {  	[smem:$0x3FB9] =	sst s10  }
0x38: {  	s10 =	sld [smem:$0x3FBA]  }
0x39: {  	_ = 	snop;
	(pc) =	sbr.ind lr, $3  }
0x3a: {  	_ = 	snop  }
0x3b: {  	_ = 	snop  }
0x3c: {  	p2 =	seq.s32 s10, $0x1;
	s10 =	sld [smem:$0x3FB9]  }
0x3d: {  	_ =	shalt  }
0x3e: {  	_ =	shalt  }
0x3f: {  	_ =	shalt  }
0x40: {  	_ =	shalt  }
0x41: {  	_ =	shalt  }
0x42: {  	_ =	shalt  }
0x43: {  	_ =	shalt  }
0x44: {  	_ =	shalt  }
0x45: {  	_ =	shalt  }
0x46: {  	_ =	shalt  }
0x47: {  	_ =	shalt  }
0x48: {  	_ =	shalt  }
0x49: {  	_ =	shalt  }
0x4a: {  	_ =	shalt  }
0x4b: {  	_ =	shalt  }
0x4c: {  	_ =	shalt  }
0x4d: {  	_ =	shalt  }
0x4e: {  	_ =	shalt  }
0x4f: {  	_ =	shalt  }
0x50: {  	_ =	shalt  }
0x51: {  	_ =	shalt  }
0x52: {  	_ =	shalt  }
0x53: {  	_ =	shalt  }
0x54: {  	_ =	shalt  }
0x55: {  	_ =	shalt  }
0x56: {  	_ =	shalt  }
0x57: {  	_ =	shalt  }
0x58: {  	_ =	shalt  }
0x59: {  	_ =	shalt  }
0x5a: {  	_ =	shalt  }
0x5b: {  	_ =	shalt  }
0x5c: {  	_ =	shalt  }
0x5d: {  	_ =	shalt  }
0x5e: {  	_ =	shalt  }
0x5f: {  	_ =	shalt  }
0x60: {  	_ =	shalt  }
0x61: {  	_ =	shalt  }
0x62: {  	_ =	shalt  }
0x63: {  	_ =	shalt  }
0x64: {  	_ =	shalt  }
0x65: {  	_ =	shalt  }
0x66: {  	_ =	shalt  }
0x67: {  	_ =	shalt  }
0x68: {  	_ =	shalt  }
0x69: {  	_ =	shalt  }
0x6a: {  	_ =	shalt  }
0x6b: {  	_ =	shalt  }
0x6c: {  	_ =	shalt  }
0x6d: {  	_ =	shalt  }
0x6e: {  	_ =	shalt  }
0x6f: {  	_ =	shalt  }
0x70: {  	_ =	shalt  }
0x71: {  	_ =	shalt  }
0x72: {  	_ =	shalt  }
0x73: {  	_ =	shalt  }
0x74: {  	_ =	shalt  }
0x75: {  	_ =	shalt  }
0x76: {  	_ =	shalt  }
0x77: {  	_ =	shalt  }
0x78: {  	_ =	shalt  }
0x79: {  	_ =	shalt  }
0x7a: {  	_ =	shalt  }
0x7b: {  	_ =	shalt  }
0x7c: {  	_ =	shalt  }
0x7d: {  	_ =	shalt  }
0x7e: {  	_ =	shalt  }
0x7f: {  	_ =	shalt  }
0x80: {  	_ =	shalt  }
0x81: {  	_ =	shalt  }
0x82: {  	_ =	shalt  }
0x83: {  	_ =	shalt  }
0x84: {  	_ =	shalt  }
0x85: {  	_ =	shalt  }
0x86: {  	_ =	shalt  }
0x87: {  	_ =	shalt  }
.Lfunc_end0:
.L_simem_size_0:
called_computation_lowered:
.L_overlay_start_0:
0x88: {  	s2 =	sld [smem:$0x3FD9]  }
0x89: {  	s3 =	sld [smem:$0x3FFE];
	_ =	sdelay $0x1  }
0x8a: {  	s1 =	srdreg.scid  }
0x8b: {  	s0 =	sand.u32 $0x1, s1  }
0x8c: {  	s17 =	sshll.u32 s0, $0xA;
	s2 =	sadd.s32 s3, s2  }
0x8d: {  	s2 =	sadd.s32 s2, s17  }
0x8e: {  	[smem:$0x3FC5] =	sst s2  }
0x8f: {  	_ = 	snop  }
0x90: {  	s2 =	sld [smem:$0x3FC9]  }
0x91: {  	s18 =	sld [smem:$0x3FC8]  }
0x92: {  	s4 =	sld [smem:$0x3FC7];
	(tm) =	ssettm $0x1  }
0x93: {  	s5 =	sld [smem:$0x3FFB];
	_ =	sdelay $0x3  }
0x94: {  	_ =	strace s5  }
0x95: {  	s5 =	sld [smem:$0x3FFC];
	_ =	sdelay $0x3  }
0x96: {  	_ =	strace s5  }
0x97: {  	s5 =	sld [smem:$0x3FFD];
	_ =	sdelay $0x3  }
0x98: {  	_ =	strace s5  }
0x99: {  	_ =	strace $0x8FFFFFFF  }
0x9a: {  	s19 =	sld [smem:$0x3FDB];
	_ =	sdelay $0x1  }
0x9b: {  	s6 =	simm.s32 $_scs_section_size  }
0x9c: {  	s7 =	simm.s32 $_size__tile_overlayer_lowered;
	s8 =	simm.s32 $_tile_overlayer_lowered  }
0x9d: {  	s22 =	simm.s32 $0x1BFF;
	s21 =	sshll.u32 s8, $0x1;
	s5 =	sadd.s32 s6, s19  }
0x9e: {  	s9 =	simm.s32 $0x0;
	s20 =	sshll.u32 s7, $0x1;
	s7 =	sadd.s32 s21, s5  }
0x9f: {  	[timem:s9], [sflag:s22] =	dma.local [hbm:s7], s20  }
0xa0: {  	_ =	swait.ge [sflag:s22], s20  }
0xa1: {  	s6 =	ssub.s32 $0x0, s20;
	[sflag:s22] =	ssyncset.done $0x0  }
0xa2: {  	[sflag:s22] =	ssyncadd.s32 s6;
	_ =	sdelay $0x1  }
0xa3: {  	s23 =	simm.s32 $0x1B8B  }
0xa4: {  	_ =	swait.ge [sflag:s23], $0x1  }
0xa5: {  	[sflag:s23] =	ssyncset.done $0x0  }
0xa6: {  	s25 =	simm.s32 $0x1B8E;
	s24 =	sld [smem:$0x3FFE];
	[sflag:s23] =	ssyncadd.s32 $0xFFFFFFFF  }
0xa7: {  	s26 =	simm.s32 $execute0_lowered;
	[smem:$0x3FD2] =	sst s25  }
0xa8: {  	s7 =	sshll.u32 s26, $0x1;
	_ =	strace $0x80000046;
	[dreg:$0x1] =	wrdreg $0xFFFFFFFF  }
0xa9: {  	s28 =	simm.s32 $_size_execute0_lowered;
	s5 =	sadd.s32 s5, s7;
	[dreg:$0x0] =	wrdreg $0x0  }
0xaa: {  	s7 =	sshll.u32 s28, $0x1;
	[dreg:$0x2] =	wrdreg s5  }
0xab: {  	[dreg:$0x3] =	wrdreg s7  }
0xac: {  	[dreg:$0x4] =	wrdreg $0xC0  }
0xad: {  	_ =	task [dreg:s9], $0x5FFFF  }
0xae: {  	[dreg:$0x1] =	wrdreg $0xFFFFFFFF  }
0xaf: {  	[dreg:$0x0] =	wrdreg $0x60  }
0xb0: {  	[dreg:$0x2] =	wrdreg s2  }
0xb1: {  	[dreg:$0x3] =	wrdreg s18  }
0xb2: {  	[dreg:$0x4] =	wrdreg s4  }
0xb3: {  	[dreg:$0x5] =	wrdreg s24  }
0xb4: {  	[dreg:$0x6] =	wrdreg $0x122800  }
0xb5: {  	[dreg:$0x7] =	wrdreg $0x13AF00  }
0xb6: {  	[dreg:$0x8] =	wrdreg $0x9  }
0xb7: {  	_ =	task.clear_ibuf [dreg:s9], $0x9FFFF;
	_ =	strace $0x90000046  }
0xb8: {  	s29 =	simm.s32 $0x9;
	_ =	strace $0x80000048  }
0xb9: {  	_ =	swait.ge [sflag:s29], $0x1  }
0xba: {  	[sflag:s29] =	ssyncadd.s32 $0xFFFFFFFF  }
0xbb: {  	_ =	strace $0x90000048  }
0xbc: {  	_ =	sfence  }
0xbd: {  	s30 =	sld [smem:$0x0];
	_ =	sdelay $0x2  }
0xbe: {  	s31 =	sshll.u32 s1, $0xD;
	s1 =	sshrl.u32 s1, $0x2  }
0xbf: {  	s3 =	sand.u32 $0x4000, s31;
	s1 =	sadd.s32 s1, s30  }
0xc0: {  	s0 =	sor.u32 s3, s0;
	s1 =	sshll.u32 s1, $0x11  }
0xc1: {  	s0 =	sor.u32 s1, s0  }
0xc2: {  	s0 =	sadd.s32 $0x8F2B, s0  }
0xc3: {  	[sflag:s0] =	ssyncadd.remote.s32 $0x1  }
0xc4: {  	_ =	sfence.sel $0xFFFF  }
0xc5: {  	[dreg:$0x0] =	wrdreg $0xFFFFFFFF;
	(pc) =	sbr.abs _section_cstart, $3  }
0xc6: {  	[dreg:$0x1] =	wrdreg $0xFFFFFFFF  }
0xc7: {  	_ =	task.clear_ibuf [dreg:s9], $0x2FFFF;
	_ =	strace $0x9FFFFFFF  }
0xc8: {  	(tm) =	ssettm $0x7FFFFFFF  }
0xc9: {  	_ =	shalt  }
tec
execute0_lowered:
.L_overlay_start_1:
0x0: {  	(tag) =	ssettag $0x1  }
0x1: {  	s0 =	rddreg [dreg:$0x0]  }
0x2: {  	s3 =	rddreg [dreg:$0x1]  }
0x3: {  	s1 =	rddreg [dreg:$0x2]  }
0x4: {  	s5 =	rddreg [dreg:$0x3]  }
0x5: {  	s2 =	rddreg [dreg:$0x4]  }
0x6: {  	s13 =	rddreg [dreg:$0x5];
	s4 =	simm.s32 $0x0  }
0x7: {  	s6 =	srdreg.scid;
	s7 =	stileid.u32;
	s28 =	simm.s32 $0x80  }
0x8: {  	s29 =	simm.s32 $0x1F00;
	s30 =	simm.s32 $0x9F00;
	[smem:$0x7FF] =	sst s4  }
0x9: {  	s6 =	sand.u32 $0x1, s6;
	s9 =	sshll.u32 s7, $0xA;
	s11 =	smul.u32 $0x61C0, s7  }
0xa: {  	s24 =	sshll.u32 s7, $0x7;
	_ =	strace $0x80000047;
	s8 =	sshll.u32 s6, $0x4  }
0xb: {  	s10 =	sshll.u32 s6, $0x9;
	s6 =	ssub.s32 $0x2, s6;
	s5 =	sadd.s32 s8, s5  }
0xc: {  	s8 =	sor.u32 s10, s9;
	s22 =	sshrl.u32 s6, $0x1;
	s11 =	sshrl.u32 s11, $0x2  }
0xd: {  	s10 =	sshrl.u32 s8, $0x3;
	s9 =	ssub.s32 s6, s22;
	s26 =	sadd.s32 s11, s2  }
0xe: {  	s25 =	sshll.u32 s8, $0x4;
	s23 =	sadd.s32 s3, s10;
	[dreg:$0x9] =	wrdreg s26  }
0xf: {  	s6 =	sadd.s32 s3, s24;
	s10 =	sadd.s32 s0, s25;
	[dreg:$0x7] =	wrdreg s23  }
0x10: {  	s31 =	simm.s32 $0x1880;
	s11 =	sadd.s32 $0x10, s6;
	[dreg:$0x8] =	wrdreg s10  }
0x11: {  	p0 =	sne.s32 s7, $0x0;
	s12 =	sadd.s32 $0x20, s6;
	[dreg:$0xa] =	wrdreg s11  }
0x12: {  	s18 =	sor.u32 $0x80, s8;
	s14 =	sadd.s32 $0x30, s6;
	[dreg:$0xb] =	wrdreg s12  }
0x13: {  	s15 =	sadd.s32 $0x40, s6;
	s16 =	sadd.s32 $0x50, s6;
	[dreg:$0xc] =	wrdreg s14  }
0x14: {  	s17 =	sadd.s32 $0x60, s6;
	s19 =	sshrl.u32 s18, $0x3;
	[dreg:$0xd] =	wrdreg s15  }
0x15: {  	s24 =	sadd.s32 $0x70, s6;
	s25 =	sadd.s32 $0x600, s5;
	[dreg:$0xe] =	wrdreg s16  }
0x16: {  	s26 =	smax.u32 s9, $0x1;
	s9 =	simm.s32 $0x1D80;
	[dreg:$0xf] =	wrdreg s17  }
0x17: {  	s5 =	simm.s32 $0xDF00;
	s10 =	sshll.u32 s18, $0x4;
	[dreg:$0x16] =	wrdreg s24  }
0x18: {  	s12 =	sor.u32 $0x100, s8;
	s11 =	sadd.s32 s3, s19;
	[dreg:$0x18] =	wrdreg s25  }
0x19: {  	s8 =	sor.u32 $0x180, s8;
	s23 =	sshll.u32 s7, $0x4;
	[dreg:$0x19] =	wrdreg s26  }
0x1a: {  	s25 =	simm.s32 $0x1D00;
	s26 =	simm.s32 $0x9;
	s7 =	simm.s32 $0x1  }
0x1b: {  	s14 =	simm.s32 $0x4;
	s24 =	simm.s32 $0x1C80;
	[dreg:$0x10] =	wrdreg s11  }
0x1c: {  	s10 =	sadd.s32 s0, s10;
	s20 =	sshrl.u32 s12, $0x3;
	s21 =	sshll.u32 s12, $0x4  }
0x1d: {  	s22 =	sshrl.u32 s8, $0x3;
	[dreg:$0x11] =	wrdreg s10;
	s10 =	sadd.s32 s3, s20  }
0x1e: {  	s8 =	sshll.u32 s8, $0x4;
	s3 =	sadd.s32 s3, s22;
	[dreg:$0x12] =	wrdreg s10  }
0x1f: {  	s11 =	simm.s32 $0x3;
	s10 =	sadd.s32 s0, s21;
	[dreg:$0x14] =	wrdreg s3  }
0x20: {  	s12 =	simm.s32 $0x5;
	s0 =	sadd.s32 s0, s8;
	[dreg:$0x13] =	wrdreg s10  }
0x21: {  	s8 =	simm.s32 $0x2;
	s3 =	simm.s32 $0x8;
	[dreg:$0x15] =	wrdreg s0  }
0x22: {  	v0 =	vlaneseq.u32;
	s0 =	sadd.s32 s23, s13;
	s10 =	simm.s32 $0x5F00;
	s13 =	simm.s32 $0x7  }
0x23: {  	v1 =	vimm.f32 $0.0e+00;
	v2 =	vimm.f32 $1.000000000e+00;
	v3 =	vmul.u32 $0x80, v0;
	s23 =	simm.s32 $0x1C00;
	[dreg:$0x17] =	wrdreg s0;
	s0 =	simm.s32 $0x6  }
.LBB2_1:
0x24: {  	s15 =	simm.s32 $0x40;
	s16 =	simm.s32 $0x0  }
.LBB2_2:
0x25: {  	p1 =	sne.s32 s15, $0x6180;
	[tilespmem:s16+$0x0] =	vst v1;
	s16 =	smov.u32 s15;
	s15 =	sadd.s32 $0x40, s15  }
.Ltmp0:
0x26: {  	(pc) =	sbr.rel @p1 .LBB2_2-.Ltmp0, $2  }
0x27: {  	_ =	sdelay $0x2  }
0x28: {  	s16 =	sshra.s32 s16, $0x2  }
0x29: {  	[tilespmem:s16+$0x0] =	vst v1  }
0x2a: {  	[tilespmem:$0x1880] =	vst v2  }
0x2b: {  	[tilespmem:$0x1890] =	vst v2  }
0x2c: {  	[tilespmem:$0x18A0] =	vst v2  }
0x2d: {  	[tilespmem:$0x18B0] =	vst v2  }
0x2e: {  	[tilespmem:$0x18C0] =	vst v2  }
0x2f: {  	[tilespmem:$0x18D0] =	vst v2  }
0x30: {  	[tilespmem:$0x18E0] =	vst v2  }
0x31: {  	s15 =	simm.s32 $0x0;
	s22 =	rddreg [dreg:$0x7];
	[tilespmem:$0x18F0] =	vst v2  }
0x32: {  	[tilespmem:s25], [sflag:$0x9] =	stream.linear.gather [hbm4b:s22+s15], $0x80, $0x38;
	[tilespmem:$0x13B00] =	vst v63  }
0x33: {  	_ =	swait.ge [sflag:s26], $0x80  }
0x34: {  	[sflag:s26] =	ssyncset.done $0x0  }
0x35: {  	[sflag:s26] =	ssyncadd.s32 $0xFFFFFF80  }
0x36: {  	[tilespmem:s29], [sflag:$0x3] =	stream.indirect.gather [hbm4b:s1+s28], $0x80, s25, s28, $0xb8;
	[tilespmem:$0x13B00] =	vst v63  }
0x37: {  	s17 =	rddreg [dreg:$0x8]  }
0x38: {  	[tilespmem:s30], [sflag:$0x5] =	stream.linear.gather [hbm4b:s17+s15], $0x4000, $0x38;
	[tilespmem:$0x13B00] =	vst v63  }
0x39: {  	s18 =	rddreg [dreg:$0x9]  }
0x3a: {  	[spmem:s18] =	stream.linear.scatter [tilespmem:s15], [sflag:$0x9], $0x1870, $0x38;
	[tilespmem:$0x13B00] =	vst v63  }
0x3b: {  	_ =	swait.ge [sflag:s26], $0x1870  }
0x3c: {  	[sflag:s26] =	ssyncset.done $0x0  }
0x3d: {  	[sflag:s26] =	ssyncadd.s32 $0xFFFFE790  }
0x3e: {  	s17 =	simm.s32 $0x1900;
	[bflag:$0x0] =	sbarrier.arrive $0xFFFF  }
0x3f: {  	[tilespmem:s17], [sflag:$0x1] =	stream.linear.gather [hbm4b:s6+s15], $0x80, $0x38;
	[tilespmem:$0x13B00] =	vst v63  }
0x40: {  	s18 =	simm.s32 $0x1980;
	s19 =	rddreg [dreg:$0xa]  }
0x41: {  	[tilespmem:s18], [sflag:$0x1] =	stream.linear.gather [hbm4b:s19+s15], $0x80, $0x38;
	[tilespmem:$0x13B00] =	vst v63  }
0x42: {  	s20 =	rddreg [dreg:$0xb];
	s19 =	simm.s32 $0x1A00  }
0x43: {  	[tilespmem:s19], [sflag:$0x1] =	stream.linear.gather [hbm4b:s20+s15], $0x80, $0x38;
	[tilespmem:$0x13B00] =	vst v63  }
0x44: {  	s21 =	rddreg [dreg:$0xc];
	s20 =	simm.s32 $0x1A80  }
0x45: {  	[tilespmem:s20], [sflag:$0x1] =	stream.linear.gather [hbm4b:s21+s15], $0x80, $0x38;
	[tilespmem:$0x13B00] =	vst v63  }
0x46: {  	s22 =	rddreg [dreg:$0xd];
	s21 =	simm.s32 $0x1B00  }
0x47: {  	[tilespmem:s21], [sflag:$0x1] =	stream.linear.gather [hbm4b:s22+s15], $0x80, $0x38;
	[tilespmem:$0x13B00] =	vst v63  }
0x48: {  	s16 =	rddreg [dreg:$0xe];
	s22 =	simm.s32 $0x1B80  }
0x49: {  	[tilespmem:s22], [sflag:$0x1] =	stream.linear.gather [hbm4b:s16+s15], $0x80, $0x38;
	[tilespmem:$0x13B00] =	vst v63  }
0x4a: {  	s16 =	rddreg [dreg:$0xf]  }
0x4b: {  	[tilespmem:s23], [sflag:$0x1] =	stream.linear.gather [hbm4b:s16+s15], $0x80, $0x38;
	[tilespmem:$0x13B00] =	vst v63  }
0x4c: {  	s16 =	rddreg [dreg:$0x16]  }
0x4d: {  	[tilespmem:s24], [sflag:$0x1] =	stream.linear.gather [hbm4b:s16+s15], $0x80, $0x38;
	[tilespmem:$0x13B00] =	vst v63  }
0x4e: {  	_ =	swait.ge [sflag:s7], $0x80  }
0x4f: {  	[sflag:s7] =	ssyncset.done $0x0  }
0x50: {  	[sflag:s7] =	ssyncadd.s32 $0xFFFFFF80  }
0x51: {  	_ =	swait.ge [sflag:s7], $0x80  }
0x52: {  	[sflag:s7] =	ssyncset.done $0x0  }
0x53: {  	[sflag:s7] =	ssyncadd.s32 $0xFFFFFF80  }
0x54: {  	_ =	swait.ge [sflag:s7], $0x80  }
0x55: {  	[sflag:s7] =	ssyncset.done $0x0  }
0x56: {  	[sflag:s7] =	ssyncadd.s32 $0xFFFFFF80  }
0x57: {  	_ =	swait.ge [sflag:s7], $0x80  }
0x58: {  	[sflag:s7] =	ssyncset.done $0x0  }
0x59: {  	[sflag:s7] =	ssyncadd.s32 $0xFFFFFF80  }
0x5a: {  	_ =	swait.ge [sflag:s7], $0x80  }
0x5b: {  	[sflag:s7] =	ssyncset.done $0x0  }
0x5c: {  	[sflag:s7] =	ssyncadd.s32 $0xFFFFFF80  }
0x5d: {  	_ =	swait.ge [sflag:s7], $0x80  }
0x5e: {  	[sflag:s7] =	ssyncset.done $0x0  }
0x5f: {  	[sflag:s7] =	ssyncadd.s32 $0xFFFFFF80  }
0x60: {  	_ =	swait.ge [sflag:s7], $0x80  }
0x61: {  	[sflag:s7] =	ssyncset.done $0x0  }
0x62: {  	[sflag:s7] =	ssyncadd.s32 $0xFFFFFF80  }
0x63: {  	_ =	swait.ge [sflag:s7], $0x80  }
0x64: {  	[sflag:s7] =	ssyncset.done $0x0  }
0x65: {  	[sflag:s7] =	ssyncadd.s32 $0xFFFFFF80  }
0x66: {  	[spmem:s2] =	stream.indirect.scatter.add.f32 [tilespmem:s31], [sflag:$0x2], $0x1, s17, s28, $0xb8;
	[tilespmem:$0x13B00] =	vst v63  }
0x67: {  	_ = 	snop  }
0x68: {  	[spmem:s2] =	stream.indirect.scatter.add.f32 [tilespmem:s31], [sflag:$0x2], $0x1, s18, s28, $0xb8;
	[tilespmem:$0x13B00] =	vst v63  }
0x69: {  	_ = 	snop  }
0x6a: {  	[spmem:s2] =	stream.indirect.scatter.add.f32 [tilespmem:s31], [sflag:$0x2], $0x1, s19, s28, $0xb8;
	[tilespmem:$0x13B00] =	vst v63  }
0x6b: {  	_ = 	snop  }
0x6c: {  	[spmem:s2] =	stream.indirect.scatter.add.f32 [tilespmem:s31], [sflag:$0x2], $0x1, s20, s28, $0xb8;
	[tilespmem:$0x13B00] =	vst v63  }
0x6d: {  	_ = 	snop  }
0x6e: {  	[spmem:s2] =	stream.indirect.scatter.add.f32 [tilespmem:s31], [sflag:$0x2], $0x1, s21, s28, $0xb8;
	[tilespmem:$0x13B00] =	vst v63  }
0x6f: {  	_ = 	snop  }
0x70: {  	[spmem:s2] =	stream.indirect.scatter.add.f32 [tilespmem:s31], [sflag:$0x2], $0x1, s22, s28, $0xb8;
	[tilespmem:$0x13B00] =	vst v63  }
0x71: {  	_ = 	snop  }
0x72: {  	[spmem:s2] =	stream.indirect.scatter.add.f32 [tilespmem:s31], [sflag:$0x2], $0x1, s23, s28, $0xb8;
	[tilespmem:$0x13B00] =	vst v63  }
0x73: {  	_ = 	snop  }
0x74: {  	[spmem:s2] =	stream.indirect.scatter.add.f32 [tilespmem:s31], [sflag:$0x2], $0x1, s24, s28, $0xb8;
	[tilespmem:$0x13B00] =	vst v63  }
0x75: {  	_ =	swait.ge [sflag:s8], $0x80  }
0x76: {  	[sflag:s8] =	ssyncset.done $0x0  }
0x77: {  	[sflag:s8] =	ssyncadd.s32 $0xFFFFFF80  }
0x78: {  	_ =	swait.ge [sflag:s8], $0x80  }
0x79: {  	[sflag:s8] =	ssyncset.done $0x0  }
0x7a: {  	[sflag:s8] =	ssyncadd.s32 $0xFFFFFF80  }
0x7b: {  	_ =	swait.ge [sflag:s8], $0x80  }
0x7c: {  	[sflag:s8] =	ssyncset.done $0x0  }
0x7d: {  	[sflag:s8] =	ssyncadd.s32 $0xFFFFFF80  }
0x7e: {  	_ =	swait.ge [sflag:s8], $0x80  }
0x7f: {  	[sflag:s8] =	ssyncset.done $0x0  }
0x80: {  	[sflag:s8] =	ssyncadd.s32 $0xFFFFFF80  }
0x81: {  	_ =	swait.ge [sflag:s8], $0x80  }
0x82: {  	[sflag:s8] =	ssyncset.done $0x0  }
0x83: {  	[sflag:s8] =	ssyncadd.s32 $0xFFFFFF80  }
0x84: {  	_ =	swait.ge [sflag:s8], $0x80  }
0x85: {  	[sflag:s8] =	ssyncset.done $0x0  }
0x86: {  	[sflag:s8] =	ssyncadd.s32 $0xFFFFFF80  }
0x87: {  	_ =	swait.ge [sflag:s8], $0x80  }
0x88: {  	[sflag:s8] =	ssyncset.done $0x0  }
0x89: {  	[sflag:s8] =	ssyncadd.s32 $0xFFFFFF80  }
0x8a: {  	_ =	swait.ge [sflag:s8], $0x80  }
0x8b: {  	[sflag:s8] =	ssyncset.done $0x0  }
0x8c: {  	[sflag:s8] =	ssyncadd.s32 $0xFFFFFF80  }
0x8d: {  	s21 =	simm.s32 $0x1E00;
	[bflag:$0x0] =	sbarrier.arrive $0xFFFF  }
0x8e: {  	[tilespmem:s21], [sflag:$0x7] =	stream.indirect.gather [spmem:s2], $0x1, s25, s28, $0xb8;
	[tilespmem:$0x13B00] =	vst v63  }
0x8f: {  	s19 =	rddreg [dreg:$0x10]  }
0x90: {  	[tilespmem:s9], [sflag:$0x9] =	stream.linear.gather [hbm4b:s19+s15], $0x80, $0x38;
	[tilespmem:$0x13B00] =	vst v63  }
0x91: {  	_ =	swait.ge [sflag:s26], $0x80  }
0x92: {  	[sflag:s26] =	ssyncset.done $0x0  }
0x93: {  	s22 =	simm.s32 $0x1E80;
	[sflag:s26] =	ssyncadd.s32 $0xFFFFFF80  }
0x94: {  	[tilespmem:s22], [sflag:$0x8] =	stream.indirect.gather [spmem:s2], $0x1, s9, s28, $0xb8;
	[tilespmem:$0x13B00] =	vst v63  }
0x95: {  	_ = 	snop  }
0x96: {  	[tilespmem:s10], [sflag:$0x4] =	stream.indirect.gather [hbm4b:s1+s28], $0x80, s9, s28, $0xb8;
	[tilespmem:$0x13B00] =	vst v63  }
0x97: {  	s20 =	rddreg [dreg:$0x11]  }
0x98: {  	[tilespmem:s5], [sflag:$0x6] =	stream.linear.gather [hbm4b:s20+s15], $0x4000, $0x38;
	[tilespmem:$0x13B00] =	vst v63  }
0x99: {  	_ =	swait.ge [sflag:s11], $0x4000  }
0x9a: {  	[sflag:s11] =	ssyncset.done $0x0  }
0x9b: {  	[sflag:s11] =	ssyncadd.s32 $0xFFFFC000  }
0x9c: {  	_ =	swait.ge [sflag:s12], $0x4000  }
0x9d: {  	[sflag:s12] =	ssyncset.done $0x0  }
0x9e: {  	[sflag:s12] =	ssyncadd.s32 $0xFFFFC000  }
.LBB2_4:
0x9f: {  	s16 =	sshll.u32 s15, $0x4  }
0xa0: {  	s17 =	simm.s32 $0x1;
	v4 =	vmov s16  }
0xa1: {  	v6 =	vadd.s32 s17, v0;
	v4 =	vshll.u32 v4, $0x7  }
0xa2: {  	v6 =	vand.u32 $0x7F, v6;
	v4 =	vor.u32 v3, v4  }
0xa3: {  	s18 =	simm.s32 $0x0;
	v5 =	vor.u32 v0, v4;
	v6 =	vor.u32 v4, v6  }
0xa4: {  	s19 =	simm.s32 $0x2;
	v7 =	vor.u32 s18, v5  }
0xa5: {  	v8 =	vadd.s32 s19, v0  }
0xa6: {  	s20 =	simm.s32 $0x3;
	v8 =	vand.u32 $0x7F, v8  }
0xa7: {  	v9 =	vadd.s32 s20, v0;
	v8 =	vor.u32 v4, v8  }
0xa8: {  	v9 =	vand.u32 $0x7F, v9;
	s18 =	simm.s32 $0x4;
	v12 =	vld.idx.msk [tilespmem:v6+s30+$0x0], $0xffff  }
0xa9: {  	v9 =	vor.u32 v4, v9;
	v11 =	vadd.s32 s18, v0;
	v10 =	vld.idx.msk [tilespmem:v7+s30+$0x0], $0xffff  }
0xaa: {  	s19 =	simm.s32 $0x5;
	v11 =	vand.u32 $0x7F, v11;
	v7 =	vld.idx.msk [tilespmem:v7+s29+$0x0], $0xffff  }
0xab: {  	v13 =	vadd.s32 s19, v0;
	v11 =	vor.u32 v4, v11;
	v6 =	vld.idx.msk [tilespmem:v6+s29+$0x0], $0xffff  }
0xac: {  	s20 =	simm.s32 $0x6;
	v13 =	vand.u32 $0x7F, v13;
	v15 =	vld.idx.msk [tilespmem:v8+s30+$0x0], $0xffff  }
0xad: {  	v14 =	vadd.s32 s20, v0;
	s19 =	simm.s32 $0x8;
	s20 =	simm.s32 $0x9;
	v13 =	vor.u32 v4, v13;
	v8 =	vld.idx.msk [tilespmem:v8+s29+$0x0], $0xffff  }
0xae: {  	v14 =	vand.u32 $0x7F, v14;
	v18 =	vadd.s32 s19, v0;
	v20 =	vadd.s32 s20, v0;
	s18 =	simm.s32 $0x7;
	v17 =	vld.idx.msk [tilespmem:v9+s30+$0x0], $0xffff  }
0xaf: {  	v14 =	vor.u32 v4, v14;
	v16 =	vadd.s32 s18, v0;
	v9 =	vld.idx.msk [tilespmem:v9+s29+$0x0], $0xffff;
	v7 =	vsub.f32 v10, v7  }
0xb0: {  	v18 =	vand.u32 $0x7F, v18;
	v20 =	vand.u32 $0x7F, v20;
	v16 =	vand.u32 $0x7F, v16;
	v19 =	vld.idx.msk [tilespmem:v11+s30+$0x0], $0xffff  }
0xb1: {  	s18 =	simm.s32 $0xA;
	v16 =	vor.u32 v4, v16;
	v11 =	vld.idx.msk [tilespmem:v11+s29+$0x0], $0xffff;
	v6 =	vsub.f32 v12, v6;
	v7 =	vmul.f32 v7, v7  }
0xb2: {  	v18 =	vor.u32 v4, v18;
	v21 =	vadd.s32 s18, v0;
	v12 =	vld.idx.msk [tilespmem:v13+s30+$0x0], $0xffff;
	v10 =	vimm.f32 $0.0e+00  }
0xb3: {  	s19 =	simm.s32 $0xB;
	v8 =	vsub.f32 v15, v8;
	v6 =	vmul.f32 v6, v6;
	v7 =	vadd.f32 v7, v10;
	v10 =	vld.idx.msk [tilespmem:v13+s29+$0x0], $0xffff  }
0xb4: {  	v60 =	vadd.s32 s19, v0;
	v15 =	vor.u32 v4, v20;
	v20 =	vand.u32 $0x7F, v21;
	v13 =	vld.idx.msk [tilespmem:v14+s30+$0x0], $0xffff  }
0xb5: {  	s20 =	simm.s32 $0xC;
	v6 =	vadd.f32 v6, v7;
	v7 =	vmul.f32 v8, v8;
	v8 =	vsub.f32 v17, v9;
	v9 =	vld.idx.msk [tilespmem:v14+s29+$0x0], $0xffff  }
0xb6: {  	v61 =	vadd.s32 s20, v0;
	v14 =	vld.idx.msk [tilespmem:v16+s30+$0x0], $0xffff;
	v17 =	vor.u32 v4, v20;
	v20 =	vand.u32 $0x7F, v60  }
0xb7: {  	s18 =	simm.s32 $0xD;
	v6 =	vadd.f32 v7, v6;
	v7 =	vmul.f32 v8, v8;
	v8 =	vsub.f32 v19, v11;
	v11 =	vld.idx.msk [tilespmem:v16+s29+$0x0], $0xffff  }
0xb8: {  	v62 =	vadd.s32 s18, v0;
	v16 =	vld.idx.msk [tilespmem:v18+s30+$0x0], $0xffff;
	v19 =	vor.u32 v4, v20;
	v20 =	vand.u32 $0x7F, v61  }
0xb9: {  	v6 =	vadd.f32 v7, v6;
	v7 =	vmul.f32 v8, v8;
	v8 =	vsub.f32 v12, v10;
	v10 =	vld.idx.msk [tilespmem:v18+s29+$0x0], $0xffff  }
0xba: {  	v20 =	vor.u32 v4, v20;
	v18 =	vld.idx.msk [tilespmem:v15+s30+$0x0], $0xffff;
	v12 =	vand.u32 $0x7F, v62  }
0xbb: {  	s19 =	simm.s32 $0xF;
	v63 =	vld.idx.msk [tilespmem:v17+s30+$0x0], $0xffff;
	v6 =	vadd.f32 v7, v6;
	v7 =	vmul.f32 v8, v8;
	v8 =	vsub.f32 v13, v9  }
0xbc: {  	s20 =	simm.s32 $0xE;
	v22 =	vor.u32 v4, v12;
	v12 =	vadd.s32 s19, v0;
	v13 =	vld.idx.msk [tilespmem:v15+s29+$0x0], $0xffff;
	v11 =	vsub.f32 v14, v11  }
0xbd: {  	v9 =	vadd.s32 s20, v0;
	v14 =	vld.idx.msk [tilespmem:v17+s29+$0x0], $0xffff;
	v6 =	vadd.f32 v7, v6;
	v7 =	vmul.f32 v8, v8  }
0xbe: {  	v15 =	vand.u32 $0x7F, v12;
	v9 =	vand.u32 $0x7F, v9;
	v12 =	vld.idx.msk [tilespmem:v19+s29+$0x0], $0xffff;
	v11 =	vmul.f32 v11, v11  }
0xbf: {  	s18 =	simm.s32 $0x11;
	v8 =	vld.idx.msk [tilespmem:v19+s30+$0x0], $0xffff;
	v16 =	vsub.f32 v16, v10;
	v10 =	vor.u32 v4, v9;
	v7 =	vadd.f32 v7, v6  }
0xc0: {  	v17 =	vadd.s32 s18, v0;
	v9 =	vld.idx.msk [tilespmem:v20+s30+$0x0], $0xffff;
	v6 =	vor.u32 v4, v15  }
0xc1: {  	s19 =	simm.s32 $0x10;
	s20 =	simm.s32 $0x12;
	v23 =	vmul.f32 v16, v16;
	v18 =	vsub.f32 v18, v13;
	v13 =	vld.idx.msk [tilespmem:v20+s29+$0x0], $0xffff;
	v19 =	vadd.f32 v11, v7  }
0xc2: {  	v15 =	vand.u32 $0x7F, v17;
	v16 =	vadd.s32 s20, v0;
	v7 =	vor.u32 s19, v5;
	v11 =	vld.idx.msk [tilespmem:v22+s30+$0x0], $0xffff  }
0xc3: {  	s17 =	simm.s32 $0x1F;
	s18 =	simm.s32 $0x2F;
	s19 =	simm.s32 $0x13;
	v18 =	vmul.f32 v18, v18;
	v17 =	vadd.f32 v23, v19;
	v19 =	vsub.f32 v63, v14;
	v14 =	vld.idx.msk [tilespmem:v22+s29+$0x0], $0xffff  }
.LBB2_5:
0xc4: {  	p1 =	sne.s32 s18, $0x7F;
	v15 =	vor.u32 v4, v15;
	v16 =	vand.u32 $0x7F, v16;
	v20 =	vadd.s32 s19, v0;
	v21 =	vld.idx.msk [tilespmem:v10+s30+$0x0], $0xffff  }
0xc5: {  	s19 =	sadd.s32 $0xFFFFFFF5, s17;
	v8 =	vsub.f32 v8, v12;
	v17 =	vadd.f32 v18, v17;
	v18 =	vmul.f32 v19, v19;
	v10 =	vld.idx.msk [tilespmem:v10+s29+$0x0], $0xffff  }
0xc6: {  	v12 =	vor.u32 v4, v16;
	v16 =	vand.u32 $0x7F, v20;
	v19 =	vadd.s32 s19, v0;
	v20 =	vld.idx.msk [tilespmem:v6+s30+$0x0], $0xffff  }
0xc7: {  	s19 =	sadd.s32 $0xFFFFFFF6, s17;
	v8 =	vmul.f32 v8, v8;
	v9 =	vsub.f32 v9, v13;
	v17 =	vadd.f32 v18, v17;
	v6 =	vld.idx.msk [tilespmem:v6+s29+$0x0], $0xffff  }
0xc8: {  	v16 =	vor.u32 v4, v16;
	v18 =	vand.u32 $0x7F, v19;
	v19 =	vadd.s32 s19, v0;
	v13 =	vld.idx.msk [tilespmem:v7+s30+$0x0], $0xffff  }
0xc9: {  	s19 =	sadd.s32 $0xFFFFFFF7, s17;
	v9 =	vmul.f32 v9, v9;
	v11 =	vsub.f32 v11, v14;
	v7 =	vld.idx.msk [tilespmem:v7+s29+$0x0], $0xffff;
	v8 =	vadd.f32 v8, v17  }
0xca: {  	v17 =	vor.u32 v4, v18;
	v18 =	vand.u32 $0x7F, v19;
	v19 =	vadd.s32 s19, v0;
	v14 =	vld.idx.msk [tilespmem:v15+s30+$0x0], $0xffff  }
0xcb: {  	s19 =	sadd.s32 $0xFFFFFFF8, s17;
	v10 =	vsub.f32 v21, v10;
	v15 =	vld.idx.msk [tilespmem:v15+s29+$0x0], $0xffff;
	v8 =	vadd.f32 v9, v8;
	v9 =	vmul.f32 v11, v11  }
0xcc: {  	v18 =	vor.u32 v4, v18;
	v19 =	vand.u32 $0x7F, v19;
	v21 =	vadd.s32 s19, v0;
	v11 =	vld.idx.msk [tilespmem:v12+s30+$0x0], $0xffff  }
0xcd: {  	s19 =	sadd.s32 $0xFFFFFFF9, s17;
	v6 =	vsub.f32 v20, v6;
	v12 =	vld.idx.msk [tilespmem:v12+s29+$0x0], $0xffff;
	v8 =	vadd.f32 v9, v8;
	v9 =	vmul.f32 v10, v10  }
0xce: {  	v19 =	vor.u32 v4, v19;
	v20 =	vand.u32 $0x7F, v21;
	v21 =	vadd.s32 s19, v0;
	v10 =	vld.idx.msk [tilespmem:v16+s30+$0x0], $0xffff  }
0xcf: {  	s19 =	sadd.s32 $0xFFFFFFFA, s17;
	v7 =	vsub.f32 v13, v7;
	v6 =	vmul.f32 v6, v6;
	v13 =	vld.idx.msk [tilespmem:v16+s29+$0x0], $0xffff;
	v8 =	vadd.f32 v9, v8  }
0xd0: {  	v16 =	vor.u32 v4, v20;
	v20 =	vand.u32 $0x7F, v21;
	v21 =	vadd.s32 s19, v0;
	v9 =	vld.idx.msk [tilespmem:v17+s30+$0x0], $0xffff  }
0xd1: {  	s19 =	sadd.s32 $0xFFFFFFFB, s17;
	v7 =	vmul.f32 v7, v7;
	v14 =	vsub.f32 v14, v15;
	v15 =	vld.idx.msk [tilespmem:v17+s29+$0x0], $0xffff;
	v6 =	vadd.f32 v6, v8  }
0xd2: {  	v17 =	vor.u32 v4, v20;
	v20 =	vand.u32 $0x7F, v21;
	v21 =	vadd.s32 s19, v0;
	v8 =	vld.idx.msk [tilespmem:v18+s30+$0x0], $0xffff  }
0xd3: {  	s19 =	sadd.s32 $0xFFFFFFFC, s17;
	v11 =	vsub.f32 v11, v12;
	v6 =	vadd.f32 v7, v6;
	v7 =	vmul.f32 v14, v14;
	v12 =	vld.idx.msk [tilespmem:v18+s29+$0x0], $0xffff  }
0xd4: {  	v18 =	vor.u32 v4, v20;
	v20 =	vand.u32 $0x7F, v21;
	v21 =	vadd.s32 s19, v0;
	v14 =	vld.idx.msk [tilespmem:v19+s30+$0x0], $0xffff  }
0xd5: {  	s19 =	sadd.s32 $0xFFFFFFFD, s17;
	v10 =	vsub.f32 v10, v13;
	v6 =	vadd.f32 v7, v6;
	v7 =	vmul.f32 v11, v11;
	v11 =	vld.idx.msk [tilespmem:v19+s29+$0x0], $0xffff  }
0xd6: {  	v19 =	vor.u32 v4, v20;
	v20 =	vand.u32 $0x7F, v21;
	v21 =	vadd.s32 s19, v0;
	v13 =	vld.idx.msk [tilespmem:v16+s30+$0x0], $0xffff  }
0xd7: {  	s19 =	sadd.s32 $0xFFFFFFFE, s17;
	v9 =	vsub.f32 v9, v15;
	v6 =	vadd.f32 v7, v6;
	v7 =	vmul.f32 v10, v10;
	v10 =	vld.idx.msk [tilespmem:v16+s29+$0x0], $0xffff  }
0xd8: {  	v16 =	vor.u32 v4, v20;
	v20 =	vand.u32 $0x7F, v21;
	v21 =	vadd.s32 s19, v0;
	v15 =	vld.idx.msk [tilespmem:v17+s30+$0x0], $0xffff  }
0xd9: {  	s19 =	sadd.s32 $0xFFFFFFFF, s17;
	v8 =	vsub.f32 v8, v12;
	v6 =	vadd.f32 v7, v6;
	v7 =	vmul.f32 v9, v9;
	v9 =	vld.idx.msk [tilespmem:v17+s29+$0x0], $0xffff  }
0xda: {  	v20 =	vor.u32 v4, v20;
	v12 =	vand.u32 $0x7F, v21;
	v21 =	vadd.s32 s19, v0;
	v17 =	vld.idx.msk [tilespmem:v18+s30+$0x0], $0xffff  }
0xdb: {  	v6 =	vadd.f32 v7, v6;
	v7 =	vmul.f32 v8, v8;
	v8 =	vsub.f32 v14, v11;
	v11 =	vld.idx.msk [tilespmem:v18+s29+$0x0], $0xffff  }
0xdc: {  	v22 =	vor.u32 v4, v12;
	v12 =	vand.u32 $0x7F, v21;
	v18 =	vadd.s32 s17, v0;
	s17 =	smov.u32 s18;
	v14 =	vld.idx.msk [tilespmem:v19+s30+$0x0], $0xffff  }
0xdd: {  	v13 =	vsub.f32 v13, v10;
	v6 =	vadd.f32 v7, v6;
	v7 =	vmul.f32 v8, v8;
	v19 =	vld.idx.msk [tilespmem:v19+s29+$0x0], $0xffff  }
0xde: {  	v10 =	vor.u32 v4, v12;
	v18 =	vand.u32 $0x7F, v18;
	v8 =	vld.idx.msk [tilespmem:v16+s30+$0x0], $0xffff  }
.Ltmp1:
0xdf: {  	s19 =	sadd.s32 $0xFFFFFFF2, s18;
	v13 =	vmul.f32 v13, v13;
	v15 =	vsub.f32 v15, v9;
	v7 =	vadd.f32 v7, v6;
	v12 =	vld.idx.msk [tilespmem:v16+s29+$0x0], $0xffff;
	(pc) =	sbr.rel @p1 .LBB2_5-.Ltmp1, $4  }
0xe0: {  	v16 =	vadd.s32 s19, v0;
	v6 =	vor.u32 v4, v18;
	v9 =	vld.idx.msk [tilespmem:v20+s30+$0x0], $0xffff  }
0xe1: {  	s20 =	sadd.s32 $0xFFFFFFF3, s18;
	s19 =	sadd.s32 $0xFFFFFFF1, s18;
	v21 =	vmul.f32 v15, v15;
	v23 =	vsub.f32 v17, v11;
	v18 =	vadd.f32 v13, v7;
	v13 =	vld.idx.msk [tilespmem:v20+s29+$0x0], $0xffff  }
0xe2: {  	v15 =	vand.u32 $0x7F, v16;
	v16 =	vadd.s32 s20, v0;
	v7 =	vor.u32 s19, v5;
	v11 =	vld.idx.msk [tilespmem:v22+s30+$0x0], $0xffff  }
0xe3: {  	s18 =	sadd.s32 $0x10, s18;
	s19 =	sadd.s32 $0xFFFFFFF4, s17;
	v19 =	vsub.f32 v14, v19;
	v17 =	vadd.f32 v21, v18;
	v18 =	vmul.f32 v23, v23;
	v14 =	vld.idx.msk [tilespmem:v22+s29+$0x0], $0xffff  }
0xe4: {  	_ =	sdelay $0x3  }
0xe5: {  	v5 =	vld.idx.msk [tilespmem:v10+s30+$0x0], $0xffff;
	v8 =	vsub.f32 v8, v12;
	v17 =	vadd.f32 v18, v17;
	v21 =	vmul.f32 v19, v19  }
0xe6: {  	v22 =	vor.u32 v4, v15;
	v23 =	vand.u32 $0x7F, v16;
	v24 =	vadd.s32 s19, v0;
	v25 =	vld.idx.msk [tilespmem:v10+s29+$0x0], $0xffff  }
0xe7: {  	s18 =	sadd.s32 $0xFFFFFFF5, s17;
	v26 =	vld.idx.msk [tilespmem:v6+s30+$0x0], $0xffff;
	v8 =	vmul.f32 v8, v8;
	v9 =	vsub.f32 v9, v13;
	v17 =	vadd.f32 v21, v17  }
0xe8: {  	v30 =	vld.idx.msk [tilespmem:v6+s29+$0x0], $0xffff;
	v27 =	vor.u32 v4, v23;
	v28 =	vand.u32 $0x7F, v24;
	v29 =	vadd.s32 s18, v0  }
0xe9: {  	s19 =	sadd.s32 $0xFFFFFFF6, s17;
	v31 =	vld.idx.msk [tilespmem:v7+s30+$0x0], $0xffff;
	v9 =	vmul.f32 v9, v9;
	v11 =	vsub.f32 v11, v14;
	v8 =	vadd.f32 v8, v17  }
0xea: {  	v35 =	vld.idx.msk [tilespmem:v7+s29+$0x0], $0xffff;
	v34 =	vadd.s32 s19, v0;
	v32 =	vor.u32 v4, v28;
	v33 =	vand.u32 $0x7F, v29  }
0xeb: {  	s20 =	sadd.s32 $0xFFFFFFF7, s17;
	v36 =	vld.idx.msk [tilespmem:v22+s30+$0x0], $0xffff;
	v5 =	vsub.f32 v5, v25;
	v37 =	vmul.f32 v11, v11;
	v8 =	vadd.f32 v9, v8  }
0xec: {  	v40 =	vadd.s32 s20, v0;
	v39 =	vand.u32 $0x7F, v34;
	v38 =	vor.u32 v4, v33;
	v12 =	vld.idx.msk [tilespmem:v22+s29+$0x0], $0xffff  }
0xed: {  	s19 =	sadd.s32 $0xFFFFFFF8, s17;
	v6 =	vsub.f32 v26, v30;
	v41 =	vld.idx.msk [tilespmem:v27+s30+$0x0], $0xffff;
	v5 =	vmul.f32 v5, v5;
	v8 =	vadd.f32 v37, v8  }
0xee: {  	v43 =	vand.u32 $0x7F, v40;
	v44 =	vadd.s32 s19, v0;
	v42 =	vor.u32 v4, v39;
	v13 =	vld.idx.msk [tilespmem:v27+s29+$0x0], $0xffff  }
0xef: {  	s20 =	sadd.s32 $0xFFFFFFF9, s17;
	v7 =	vsub.f32 v31, v35;
	v45 =	vld.idx.msk [tilespmem:v32+s30+$0x0], $0xffff;
	v6 =	vmul.f32 v6, v6;
	v5 =	vadd.f32 v5, v8  }
0xf0: {  	v48 =	vadd.s32 s20, v0;
	v46 =	vor.u32 v4, v43;
	v47 =	vand.u32 $0x7F, v44;
	v14 =	vld.idx.msk [tilespmem:v32+s29+$0x0], $0xffff  }
0xf1: {  	s19 =	sadd.s32 $0xFFFFFFFA, s17;
	v7 =	vmul.f32 v7, v7;
	v49 =	vld.idx.msk [tilespmem:v38+s30+$0x0], $0xffff;
	v12 =	vsub.f32 v36, v12;
	v5 =	vadd.f32 v6, v5  }
0xf2: {  	v51 =	vand.u32 $0x7F, v48;
	v52 =	vadd.s32 s19, v0;
	v50 =	vor.u32 v4, v47;
	v10 =	vld.idx.msk [tilespmem:v38+s29+$0x0], $0xffff  }
0xf3: {  	s20 =	sadd.s32 $0xFFFFFFFB, s17;
	v53 =	vld.idx.msk [tilespmem:v42+s30+$0x0], $0xffff;
	v55 =	vsub.f32 v41, v13;
	v54 =	vmul.f32 v12, v12;
	v5 =	vadd.f32 v7, v5  }
0xf4: {  	v57 =	vadd.s32 s20, v0;
	v56 =	vand.u32 $0x7F, v52;
	v11 =	vor.u32 v4, v51;
	v9 =	vld.idx.msk [tilespmem:v42+s29+$0x0], $0xffff  }
0xf5: {  	s19 =	sadd.s32 $0xFFFFFFFC, s17;
	v58 =	vld.idx.msk [tilespmem:v46+s30+$0x0], $0xffff;
	v60 =	vsub.f32 v45, v14;
	v59 =	vmul.f32 v55, v55;
	v5 =	vadd.f32 v54, v5  }
0xf6: {  	v61 =	vand.u32 $0x7F, v57;
	v62 =	vadd.s32 s19, v0;
	v13 =	vor.u32 v4, v56;
	v8 =	vld.idx.msk [tilespmem:v46+s29+$0x0], $0xffff  }
0xf7: {  	s20 =	sadd.s32 $0xFFFFFFFD, s17;
	v63 =	vld.idx.msk [tilespmem:v50+s30+$0x0], $0xffff;
	v10 =	vsub.f32 v49, v10;
	v21 =	vmul.f32 v60, v60;
	v5 =	vadd.f32 v59, v5  }
0xf8: {  	v24 =	vadd.s32 s20, v0;
	v22 =	vor.u32 v4, v61;
	v23 =	vand.u32 $0x7F, v62;
	v6 =	vld.idx.msk [tilespmem:v50+s29+$0x0], $0xffff  }
0xf9: {  	s19 =	sadd.s32 $0xFFFFFFFE, s17;
	v25 =	vld.idx.msk [tilespmem:v11+s30+$0x0], $0xffff;
	v9 =	vsub.f32 v53, v9;
	v26 =	vmul.f32 v10, v10;
	v5 =	vadd.f32 v21, v5  }
0xfa: {  	v28 =	vand.u32 $0x7F, v24;
	v29 =	vadd.s32 s19, v0;
	v27 =	vor.u32 v4, v23;
	v11 =	vld.idx.msk [tilespmem:v11+s29+$0x0], $0xffff  }
0xfb: {  	s20 =	sadd.s32 $0xFFFFFFFF, s17;
	v31 =	vmul.f32 v9, v9;
	v30 =	vld.idx.msk [tilespmem:v13+s30+$0x0], $0xffff;
	v8 =	vsub.f32 v58, v8;
	v5 =	vadd.f32 v26, v5  }
0xfc: {  	v34 =	vadd.s32 s20, v0;
	v33 =	vand.u32 $0x7F, v29;
	v32 =	vor.u32 v4, v28;
	v13 =	vld.idx.msk [tilespmem:v13+s29+$0x0], $0xffff  }
0xfd: {  	v35 =	vld.idx.msk [tilespmem:v22+s30+$0x0], $0xffff;
	v36 =	vmul.f32 v8, v8;
	v6 =	vsub.f32 v63, v6;
	v5 =	vadd.f32 v31, v5  }
0xfe: {  	v39 =	vadd.s32 s17, v0;
	v38 =	vand.u32 $0x7F, v34;
	v37 =	vor.u32 v4, v33;
	v12 =	vld.idx.msk [tilespmem:v22+s29+$0x0], $0xffff  }
0xff: {  	v40 =	vld.idx.msk [tilespmem:v27+s30+$0x0], $0xffff;
	v41 =	vsub.f32 v25, v11;
	v6 =	vmul.f32 v6, v6;
	v5 =	vadd.f32 v36, v5  }
0x100: {  	v43 =	vand.u32 $0x7F, v39;
	v42 =	vor.u32 v4, v38;
	v10 =	vld.idx.msk [tilespmem:v27+s29+$0x0], $0xffff  }
0x101: {  	v44 =	vld.idx.msk [tilespmem:v32+s30+$0x0], $0xffff;
	v45 =	vmul.f32 v41, v41;
	v46 =	vsub.f32 v30, v13;
	v5 =	vadd.f32 v6, v5  }
0x102: {  	v4 =	vor.u32 v4, v43;
	v9 =	vld.idx.msk [tilespmem:v32+s29+$0x0], $0xffff  }
0x103: {  	v47 =	vld.idx.msk [tilespmem:v37+s30+$0x0], $0xffff;
	v49 =	vsub.f32 v35, v12;
	v48 =	vmul.f32 v46, v46;
	v5 =	vadd.f32 v45, v5  }
0x104: {  	v8 =	vld.idx.msk [tilespmem:v37+s29+$0x0], $0xffff  }
0x105: {  	v50 =	vld.idx.msk [tilespmem:v42+s30+$0x0], $0xffff;
	v51 =	vmul.f32 v49, v49;
	v52 =	vsub.f32 v40, v10;
	v5 =	vadd.f32 v48, v5  }
0x106: {  	v53 =	vld.idx.msk [tilespmem:v42+s29+$0x0], $0xffff  }
0x107: {  	v54 =	vld.idx.msk [tilespmem:v4+s30+$0x0], $0xffff;
	v56 =	vsub.f32 v44, v9;
	v55 =	vmul.f32 v52, v52;
	v5 =	vadd.f32 v51, v5  }
0x108: {  	v4 =	vld.idx.msk [tilespmem:v4+s29+$0x0], $0xffff  }
0x109: {  	v57 =	vmul.f32 v56, v56;
	v58 =	vsub.f32 v47, v8;
	v5 =	vadd.f32 v55, v5;
	_ =	sdelay $0x1  }
0x10a: {  	v60 =	vsub.f32 v50, v53;
	v59 =	vmul.f32 v58, v58;
	v5 =	vadd.f32 v57, v5;
	_ =	sdelay $0x1  }
0x10b: {  	v61 =	vmul.f32 v60, v60;
	v4 =	vsub.f32 v54, v4;
	v5 =	vadd.f32 v59, v5;
	_ =	sdelay $0x1  }
0x10c: {  	v4 =	vmul.f32 v4, v4;
	v5 =	vadd.f32 v61, v5;
	_ =	sdelay $0x1  }
0x10d: {  	v4 =	vadd.f32 v4, v5;
	_ =	sdelay $0x1  }
0x10e: {  	v4 =	vmax.f32 v4, $1.000000000e-30  }
0x10f: {  	v5 =	vshra.s32 v4, $0x1;
	v62 =	vmul.f32 $5.000000000e-01, v4  }
0x110: {  	v5 =	vsub.s32 $0x5F3759DF, v5  }
0x111: {  	v63 =	vmul.f32 v5, v62;
	_ =	sdelay $0x1  }
0x112: {  	v7 =	vmul.f32 v5, v63;
	_ =	sdelay $0x1  }
0x113: {  	v7 =	vsub.f32 $1.500000000e+00, v7;
	_ =	sdelay $0x1  }
0x114: {  	v5 =	vmul.f32 v5, v7;
	_ =	sdelay $0x1  }
0x115: {  	v7 =	vmul.f32 v5, v62;
	_ =	sdelay $0x1  }
0x116: {  	v7 =	vmul.f32 v7, v5;
	_ =	sdelay $0x1  }
0x117: {  	v7 =	vsub.f32 $1.500000000e+00, v7;
	_ =	sdelay $0x1  }
0x118: {  	v5 =	vmul.f32 v7, v5;
	_ =	sdelay $0x1  }
0x119: {  	v6 =	vmul.f32 v5, v62;
	_ =	sdelay $0x1  }
0x11a: {  	v6 =	vmul.f32 v6, v5;
	_ =	sdelay $0x1  }
0x11b: {  	s15 =	sadd.s32 $0x1, s15;
	v6 =	vsub.f32 $1.500000000e+00, v6  }
0x11c: {  	p1 =	sne.s32 s15, $0x8  }
.Ltmp2:
0x11d: {  	v5 =	vmul.f32 v6, v5;
	(pc) =	sbr.rel @p1 .LBB2_4-.Ltmp2, $3  }
0x11e: {  	_ = 	snop  }
0x11f: {  	v4 =	vmul.f32 v5, v4;
	_ =	sdelay $0x1  }
0x120: {  	[tilespmem:s16+$0x11F00] =	vst v4  }
0x121: {  	_ =	swait.ge [sflag:s13], $0x80  }
0x122: {  	[sflag:s13] =	ssyncset.done $0x0  }
0x123: {  	[sflag:s13] =	ssyncadd.s32 $0xFFFFFF80  }
0x124: {  	v4 =	vld [tilespmem:$0x11F00]  }
0x125: {  	v5 =	vld [tilespmem:$0x1E00]  }
0x126: {  	v18 =	vld [tilespmem:$0x11F10]  }
0x127: {  	v6 =	vld [tilespmem:$0x1E10]  }
0x128: {  	v17 =	vld [tilespmem:$0x11F20]  }
0x129: {  	v7 =	vld [tilespmem:$0x1E20]  }
0x12a: {  	v15 =	vld [tilespmem:$0x11F30]  }
0x12b: {  	v9 =	vld [tilespmem:$0x1E30]  }
0x12c: {  	v14 =	vld [tilespmem:$0x11F40]  }
0x12d: {  	v11 =	vld [tilespmem:$0x1E40]  }
0x12e: {  	v12 =	vld [tilespmem:$0x11F50]  }
0x12f: {  	v13 =	vld [tilespmem:$0x1E50]  }
0x130: {  	v10 =	vld [tilespmem:$0x11F60]  }
0x131: {  	v16 =	vld [tilespmem:$0x1E60]  }
0x132: {  	s15 =	simm.s32 $0x0;
	s16 =	rddreg [dreg:$0x12];
	v8 =	vld [tilespmem:$0x11F70]  }
0x133: {  	v19 =	vld [tilespmem:$0x1E70];
	[tilespmem:s25], [sflag:$0x9] =	stream.linear.gather [hbm4b:s16+s15], $0x80, $0x38  }
0x134: {  	_ =	swait.ge [sflag:s26], $0x80  }
0x135: {  	[sflag:s26] =	ssyncset.done $0x0  }
0x136: {  	[sflag:s26] =	ssyncadd.s32 $0xFFFFFF80  }
0x137: {  	[tilespmem:s21], [sflag:$0x7] =	stream.indirect.gather [spmem:s2], $0x1, s25, s28, $0xb8;
	[tilespmem:$0x13B00] =	vst v63  }
0x138: {  	_ = 	snop  }
0x139: {  	[tilespmem:s29], [sflag:$0x3] =	stream.indirect.gather [hbm4b:s1+s28], $0x80, s25, s28, $0xb8;
	[tilespmem:$0x13B00] =	vst v63  }
0x13a: {  	s21 =	rddreg [dreg:$0x13]  }
0x13b: {  	[tilespmem:s30], [sflag:$0x5] =	stream.linear.gather [hbm4b:s21+s15], $0x4000, $0x38;
	[tilespmem:$0x13B00] =	vst v63  }
0x13c: {  	_ =	swait.ge [sflag:s14], $0x4000  }
0x13d: {  	[sflag:s14] =	ssyncset.done $0x0  }
0x13e: {  	[sflag:s14] =	ssyncadd.s32 $0xFFFFC000  }
0x13f: {  	_ =	swait.ge [sflag:s0], $0x4000  }
0x140: {  	[sflag:s0] =	ssyncset.done $0x0  }
0x141: {  	[sflag:s0] =	ssyncadd.s32 $0xFFFFC000  }
.LBB2_8:
0x142: {  	s16 =	sshll.u32 s15, $0x4  }
0x143: {  	v20 =	vmov s16  }
0x144: {  	v20 =	vshll.u32 v20, $0x7  }
0x145: {  	v20 =	vor.u32 v3, v20  }
0x146: {  	s17 =	simm.s32 $0x1;
	s18 =	simm.s32 $0x0;
	v21 =	vor.u32 v0, v20  }
0x147: {  	v22 =	vadd.s32 s17, v0;
	v23 =	vor.u32 s18, v21  }
0x148: {  	s20 =	simm.s32 $0x2;
	v22 =	vand.u32 $0x7F, v22  }
0x149: {  	v24 =	vadd.s32 s20, v0;
	v22 =	vor.u32 v20, v22  }
0x14a: {  	s21 =	simm.s32 $0x3;
	v24 =	vand.u32 $0x7F, v24  }
0x14b: {  	v25 =	vadd.s32 s21, v0;
	v24 =	vor.u32 v20, v24  }
0x14c: {  	v25 =	vand.u32 $0x7F, v25;
	s18 =	simm.s32 $0x4;
	v26 =	vld.idx.msk [tilespmem:v23+s5+$0x0], $0xffff  }
0x14d: {  	v25 =	vor.u32 v20, v25;
	v27 =	vadd.s32 s18, v0;
	v23 =	vld.idx.msk [tilespmem:v23+s10+$0x0], $0xffff  }
0x14e: {  	s19 =	simm.s32 $0x5;
	v27 =	vand.u32 $0x7F, v27;
	v28 =	vld.idx.msk [tilespmem:v22+s5+$0x0], $0xffff  }
0x14f: {  	v29 =	vadd.s32 s19, v0;
	v27 =	vor.u32 v20, v27;
	v22 =	vld.idx.msk [tilespmem:v22+s10+$0x0], $0xffff  }
0x150: {  	s20 =	simm.s32 $0x6;
	s21 =	simm.s32 $0x7;
	v29 =	vand.u32 $0x7F, v29;
	v31 =	vld.idx.msk [tilespmem:v24+s5+$0x0], $0xffff  }
0x151: {  	v30 =	vadd.s32 s20, v0;
	v32 =	vadd.s32 s21, v0;
	v29 =	vor.u32 v20, v29;
	v24 =	vld.idx.msk [tilespmem:v24+s10+$0x0], $0xffff  }
0x152: {  	s20 =	simm.s32 $0xA;
	v30 =	vand.u32 $0x7F, v30;
	v32 =	vand.u32 $0x7F, v32;
	v33 =	vld.idx.msk [tilespmem:v25+s5+$0x0], $0xffff;
	v23 =	vsub.f32 v26, v23  }
0x153: {  	v37 =	vadd.s32 s20, v0;
	v30 =	vor.u32 v20, v30;
	v32 =	vor.u32 v20, v32;
	s18 =	simm.s32 $0x8;
	v25 =	vld.idx.msk [tilespmem:v25+s10+$0x0], $0xffff  }
0x154: {  	v34 =	vadd.s32 s18, v0;
	v35 =	vld.idx.msk [tilespmem:v27+s5+$0x0], $0xffff;
	v22 =	vsub.f32 v28, v22;
	v23 =	vmul.f32 v23, v23  }
0x155: {  	v51 =	vand.u32 $0x7F, v37;
	v34 =	vand.u32 $0x7F, v34;
	v27 =	vld.idx.msk [tilespmem:v27+s10+$0x0], $0xffff;
	v26 =	vimm.f32 $0.0e+00  }
0x156: {  	s19 =	simm.s32 $0x9;
	v28 =	vld.idx.msk [tilespmem:v29+s5+$0x0], $0xffff;
	v24 =	vsub.f32 v31, v24;
	v22 =	vmul.f32 v22, v22;
	v23 =	vadd.f32 v23, v26  }
0x157: {  	v36 =	vadd.s32 s19, v0;
	v53 =	vor.u32 v20, v51;
	v34 =	vor.u32 v20, v34;
	v26 =	vld.idx.msk [tilespmem:v29+s10+$0x0], $0xffff  }
0x158: {  	s21 =	simm.s32 $0xB;
	s19 =	simm.s32 $0xD;
	v29 =	vld.idx.msk [tilespmem:v30+s5+$0x0], $0xffff;
	v22 =	vadd.f32 v22, v23;
	v23 =	vmul.f32 v24, v24;
	v24 =	vsub.f32 v33, v25  }
0x159: {  	v36 =	vand.u32 $0x7F, v36;
	v52 =	vadd.s32 s21, v0;
	v59 =	vadd.s32 s19, v0;
	v25 =	vld.idx.msk [tilespmem:v30+s10+$0x0], $0xffff  }
0x15a: {  	s18 =	simm.s32 $0xC;
	v31 =	vor.u32 v20, v36;
	v30 =	vld.idx.msk [tilespmem:v32+s5+$0x0], $0xffff;
	v22 =	vadd.f32 v23, v22;
	v23 =	vmul.f32 v24, v24  }
0x15b: {  	v54 =	vand.u32 $0x7F, v52;
	v55 =	vadd.s32 s18, v0;
	v24 =	vsub.f32 v35, v27;
	v27 =	vld.idx.msk [tilespmem:v32+s10+$0x0], $0xffff  }
0x15c: {  	v57 =	vor.u32 v20, v54;
	v58 =	vand.u32 $0x7F, v55;
	v61 =	vld.idx.msk [tilespmem:v53+s5+$0x0], $0xffff;
	v22 =	vadd.f32 v23, v22  }
0x15d: {  	v56 =	vld.idx.msk [tilespmem:v34+s5+$0x0], $0xffff;
	v23 =	vmul.f32 v24, v24;
	v24 =	vsub.f32 v28, v26;
	v28 =	vand.u32 $0x7F, v59  }
0x15e: {  	v36 =	vor.u32 v20, v58;
	v26 =	vld.idx.msk [tilespmem:v34+s10+$0x0], $0xffff;
	v38 =	vor.u32 v20, v28  }
0x15f: {  	s20 =	simm.s32 $0xF;
	s21 =	simm.s32 $0xE;
	v60 =	vld.idx.msk [tilespmem:v31+s5+$0x0], $0xffff;
	v22 =	vadd.f32 v23, v22;
	v23 =	vmul.f32 v24, v24;
	v24 =	vsub.f32 v29, v25  }
0x160: {  	v28 =	vadd.s32 s20, v0;
	v29 =	vld.idx.msk [tilespmem:v31+s10+$0x0], $0xffff;
	v25 =	vadd.s32 s21, v0;
	v27 =	vsub.f32 v30, v27  }
0x161: {  	v31 =	vand.u32 $0x7F, v28;
	v28 =	vld.idx.msk [tilespmem:v57+s10+$0x0], $0xffff;
	v22 =	vadd.f32 v23, v22;
	v23 =	vmul.f32 v24, v24  }
0x162: {  	v30 =	vld.idx.msk [tilespmem:v53+s10+$0x0], $0xffff;
	v25 =	vand.u32 $0x7F, v25;
	v27 =	vmul.f32 v27, v27  }
0x163: {  	s19 =	simm.s32 $0x11;
	v24 =	vld.idx.msk [tilespmem:v57+s5+$0x0], $0xffff;
	v32 =	vsub.f32 v56, v26;
	v26 =	vor.u32 v20, v25;
	v23 =	vadd.f32 v23, v22  }
0x164: {  	v62 =	vadd.s32 s19, v0;
	v25 =	vld.idx.msk [tilespmem:v36+s5+$0x0], $0xffff;
	v22 =	vor.u32 v20, v31  }
0x165: {  	s20 =	simm.s32 $0x10;
	s21 =	simm.s32 $0x12;
	v39 =	vmul.f32 v32, v32;
	v34 =	vsub.f32 v60, v29;
	v29 =	vld.idx.msk [tilespmem:v36+s10+$0x0], $0xffff;
	v63 =	vadd.f32 v27, v23  }
0x166: {  	v31 =	vand.u32 $0x7F, v62;
	v32 =	vadd.s32 s21, v0;
	v23 =	vor.u32 s20, v21;
	v27 =	vld.idx.msk [tilespmem:v38+s5+$0x0], $0xffff  }
0x167: {  	s17 =	simm.s32 $0x1F;
	s19 =	simm.s32 $0x13;
	s18 =	simm.s32 $0x2F;
	v35 =	vsub.f32 v61, v30;
	v30 =	vld.idx.msk [tilespmem:v38+s10+$0x0], $0xffff;
	v34 =	vmul.f32 v34, v34;
	v33 =	vadd.f32 v39, v63  }
.LBB2_9:
0x168: {  	p1 =	sne.s32 s18, $0x7F;
	v31 =	vor.u32 v20, v31;
	v32 =	vand.u32 $0x7F, v32;
	v36 =	vadd.s32 s19, v0;
	v37 =	vld.idx.msk [tilespmem:v26+s5+$0x0], $0xffff  }
0x169: {  	s19 =	sadd.s32 $0xFFFFFFF5, s17;
	v24 =	vsub.f32 v24, v28;
	v33 =	vadd.f32 v34, v33;
	v34 =	vmul.f32 v35, v35;
	v26 =	vld.idx.msk [tilespmem:v26+s10+$0x0], $0xffff  }
0x16a: {  	v28 =	vor.u32 v20, v32;
	v32 =	vand.u32 $0x7F, v36;
	v35 =	vadd.s32 s19, v0;
	v36 =	vld.idx.msk [tilespmem:v22+s5+$0x0], $0xffff  }
0x16b: {  	s19 =	sadd.s32 $0xFFFFFFF6, s17;
	v24 =	vmul.f32 v24, v24;
	v25 =	vsub.f32 v25, v29;
	v33 =	vadd.f32 v34, v33;
	v22 =	vld.idx.msk [tilespmem:v22+s10+$0x0], $0xffff  }
0x16c: {  	v32 =	vor.u32 v20, v32;
	v34 =	vand.u32 $0x7F, v35;
	v35 =	vadd.s32 s19, v0;
	v29 =	vld.idx.msk [tilespmem:v23+s5+$0x0], $0xffff  }
0x16d: {  	s19 =	sadd.s32 $0xFFFFFFF7, s17;
	v25 =	vmul.f32 v25, v25;
	v27 =	vsub.f32 v27, v30;
	v23 =	vld.idx.msk [tilespmem:v23+s10+$0x0], $0xffff;
	v24 =	vadd.f32 v24, v33  }
0x16e: {  	v33 =	vor.u32 v20, v34;
	v34 =	vand.u32 $0x7F, v35;
	v35 =	vadd.s32 s19, v0;
	v30 =	vld.idx.msk [tilespmem:v31+s5+$0x0], $0xffff  }
0x16f: {  	s19 =	sadd.s32 $0xFFFFFFF8, s17;
	v26 =	vsub.f32 v37, v26;
	v31 =	vld.idx.msk [tilespmem:v31+s10+$0x0], $0xffff;
	v24 =	vadd.f32 v25, v24;
	v25 =	vmul.f32 v27, v27  }
0x170: {  	v34 =	vor.u32 v20, v34;
	v35 =	vand.u32 $0x7F, v35;
	v37 =	vadd.s32 s19, v0;
	v27 =	vld.idx.msk [tilespmem:v28+s5+$0x0], $0xffff  }
0x171: {  	s19 =	sadd.s32 $0xFFFFFFF9, s17;
	v22 =	vsub.f32 v36, v22;
	v28 =	vld.idx.msk [tilespmem:v28+s10+$0x0], $0xffff;
	v24 =	vadd.f32 v25, v24;
	v25 =	vmul.f32 v26, v26  }
0x172: {  	v35 =	vor.u32 v20, v35;
	v36 =	vand.u32 $0x7F, v37;
	v37 =	vadd.s32 s19, v0;
	v26 =	vld.idx.msk [tilespmem:v32+s5+$0x0], $0xffff  }
0x173: {  	s19 =	sadd.s32 $0xFFFFFFFA, s17;
	v23 =	vsub.f32 v29, v23;
	v22 =	vmul.f32 v22, v22;
	v29 =	vld.idx.msk [tilespmem:v32+s10+$0x0], $0xffff;
	v24 =	vadd.f32 v25, v24  }
0x174: {  	v32 =	vor.u32 v20, v36;
	v36 =	vand.u32 $0x7F, v37;
	v37 =	vadd.s32 s19, v0;
	v25 =	vld.idx.msk [tilespmem:v33+s5+$0x0], $0xffff  }
0x175: {  	s19 =	sadd.s32 $0xFFFFFFFB, s17;
	v23 =	vmul.f32 v23, v23;
	v30 =	vsub.f32 v30, v31;
	v31 =	vld.idx.msk [tilespmem:v33+s10+$0x0], $0xffff;
	v22 =	vadd.f32 v22, v24  }
0x176: {  	v33 =	vor.u32 v20, v36;
	v36 =	vand.u32 $0x7F, v37;
	v37 =	vadd.s32 s19, v0;
	v24 =	vld.idx.msk [tilespmem:v34+s5+$0x0], $0xffff  }
0x177: {  	s19 =	sadd.s32 $0xFFFFFFFC, s17;
	v27 =	vsub.f32 v27, v28;
	v22 =	vadd.f32 v23, v22;
	v23 =	vmul.f32 v30, v30;
	v28 =	vld.idx.msk [tilespmem:v34+s10+$0x0], $0xffff  }
0x178: {  	v34 =	vor.u32 v20, v36;
	v36 =	vand.u32 $0x7F, v37;
	v37 =	vadd.s32 s19, v0;
	v30 =	vld.idx.msk [tilespmem:v35+s5+$0x0], $0xffff  }
0x179: {  	s19 =	sadd.s32 $0xFFFFFFFD, s17;
	v26 =	vsub.f32 v26, v29;
	v22 =	vadd.f32 v23, v22;
	v23 =	vmul.f32 v27, v27;
	v27 =	vld.idx.msk [tilespmem:v35+s10+$0x0], $0xffff  }
0x17a: {  	v35 =	vor.u32 v20, v36;
	v36 =	vand.u32 $0x7F, v37;
	v37 =	vadd.s32 s19, v0;
	v29 =	vld.idx.msk [tilespmem:v32+s5+$0x0], $0xffff  }
0x17b: {  	s19 =	sadd.s32 $0xFFFFFFFE, s17;
	v25 =	vsub.f32 v25, v31;
	v22 =	vadd.f32 v23, v22;
	v23 =	vmul.f32 v26, v26;
	v26 =	vld.idx.msk [tilespmem:v32+s10+$0x0], $0xffff  }
0x17c: {  	v32 =	vor.u32 v20, v36;
	v36 =	vand.u32 $0x7F, v37;
	v37 =	vadd.s32 s19, v0;
	v31 =	vld.idx.msk [tilespmem:v33+s5+$0x0], $0xffff  }
0x17d: {  	s19 =	sadd.s32 $0xFFFFFFFF, s17;
	v24 =	vsub.f32 v24, v28;
	v22 =	vadd.f32 v23, v22;
	v23 =	vmul.f32 v25, v25;
	v25 =	vld.idx.msk [tilespmem:v33+s10+$0x0], $0xffff  }
0x17e: {  	v36 =	vor.u32 v20, v36;
	v28 =	vand.u32 $0x7F, v37;
	v37 =	vadd.s32 s19, v0;
	v33 =	vld.idx.msk [tilespmem:v34+s5+$0x0], $0xffff  }
0x17f: {  	v22 =	vadd.f32 v23, v22;
	v23 =	vmul.f32 v24, v24;
	v24 =	vsub.f32 v30, v27;
	v27 =	vld.idx.msk [tilespmem:v34+s10+$0x0], $0xffff  }
0x180: {  	v38 =	vor.u32 v20, v28;
	v28 =	vand.u32 $0x7F, v37;
	v34 =	vadd.s32 s17, v0;
	s17 =	smov.u32 s18;
	v30 =	vld.idx.msk [tilespmem:v35+s5+$0x0], $0xffff  }
0x181: {  	v29 =	vsub.f32 v29, v26;
	v22 =	vadd.f32 v23, v22;
	v23 =	vmul.f32 v24, v24;
	v35 =	vld.idx.msk [tilespmem:v35+s10+$0x0], $0xffff  }
0x182: {  	v26 =	vor.u32 v20, v28;
	v34 =	vand.u32 $0x7F, v34;
	v24 =	vld.idx.msk [tilespmem:v32+s5+$0x0], $0xffff  }
.Ltmp3:
0x183: {  	s19 =	sadd.s32 $0xFFFFFFF2, s18;
	v29 =	vmul.f32 v29, v29;
	v31 =	vsub.f32 v31, v25;
	v23 =	vadd.f32 v23, v22;
	v28 =	vld.idx.msk [tilespmem:v32+s10+$0x0], $0xffff;
	(pc) =	sbr.rel @p1 .LBB2_9-.Ltmp3, $4  }
0x184: {  	v32 =	vadd.s32 s19, v0;
	v22 =	vor.u32 v20, v34;
	v25 =	vld.idx.msk [tilespmem:v36+s5+$0x0], $0xffff  }
0x185: {  	s20 =	sadd.s32 $0xFFFFFFF3, s18;
	s19 =	sadd.s32 $0xFFFFFFF1, s18;
	v37 =	vmul.f32 v31, v31;
	v39 =	vsub.f32 v33, v27;
	v34 =	vadd.f32 v29, v23;
	v29 =	vld.idx.msk [tilespmem:v36+s10+$0x0], $0xffff  }
0x186: {  	v31 =	vand.u32 $0x7F, v32;
	v32 =	vadd.s32 s20, v0;
	v23 =	vor.u32 s19, v21;
	v27 =	vld.idx.msk [tilespmem:v38+s5+$0x0], $0xffff  }
0x187: {  	s18 =	sadd.s32 $0x10, s18;
	s19 =	sadd.s32 $0xFFFFFFF4, s17;
	v35 =	vsub.f32 v30, v35;
	v33 =	vadd.f32 v37, v34;
	v34 =	vmul.f32 v39, v39;
	v30 =	vld.idx.msk [tilespmem:v38+s10+$0x0], $0xffff  }
0x188: {  	_ =	sdelay $0x3  }
0x189: {  	v21 =	vld.idx.msk [tilespmem:v26+s5+$0x0], $0xffff;
	v24 =	vsub.f32 v24, v28;
	v62 =	vor.u32 v20, v31;
	v63 =	vand.u32 $0x7F, v32  }
0x18a: {  	v36 =	vadd.s32 s19, v0;
	v37 =	vld.idx.msk [tilespmem:v26+s10+$0x0], $0xffff;
	s18 =	sadd.s32 $0xFFFFFFF5, s17;
	v33 =	vadd.f32 v34, v33;
	v61 =	vmul.f32 v35, v35  }
0x18b: {  	v38 =	vld.idx.msk [tilespmem:v22+s5+$0x0], $0xffff;
	v39 =	vor.u32 v20, v63;
	v40 =	vand.u32 $0x7F, v36;
	v41 =	vadd.s32 s18, v0  }
0x18c: {  	v42 =	vld.idx.msk [tilespmem:v22+s10+$0x0], $0xffff;
	s21 =	sadd.s32 $0xFFFFFFF6, s17;
	v24 =	vmul.f32 v24, v24;
	v25 =	vsub.f32 v25, v29;
	v33 =	vadd.f32 v61, v33  }
0x18d: {  	v43 =	vld.idx.msk [tilespmem:v23+s5+$0x0], $0xffff;
	v46 =	vadd.s32 s21, v0;
	v44 =	vor.u32 v20, v40;
	v45 =	vand.u32 $0x7F, v41  }
0x18e: {  	v47 =	vld.idx.msk [tilespmem:v23+s10+$0x0], $0xffff;
	s19 =	sadd.s32 $0xFFFFFFF7, s17;
	v25 =	vmul.f32 v25, v25;
	v27 =	vsub.f32 v27, v30;
	v24 =	vadd.f32 v24, v33  }
0x18f: {  	v52 =	vadd.s32 s19, v0;
	v51 =	vand.u32 $0x7F, v46;
	v50 =	vor.u32 v20, v45;
	v48 =	vld.idx.msk [tilespmem:v62+s5+$0x0], $0xffff  }
0x190: {  	s20 =	sadd.s32 $0xFFFFFFF8, s17;
	v21 =	vsub.f32 v21, v37;
	v28 =	vld.idx.msk [tilespmem:v62+s10+$0x0], $0xffff;
	v49 =	vmul.f32 v27, v27;
	v24 =	vadd.f32 v25, v24  }
0x191: {  	v56 =	vadd.s32 s20, v0;
	v55 =	vand.u32 $0x7F, v52;
	v54 =	vor.u32 v20, v51;
	v53 =	vld.idx.msk [tilespmem:v39+s5+$0x0], $0xffff  }
0x192: {  	s21 =	sadd.s32 $0xFFFFFFF9, s17;
	v22 =	vsub.f32 v38, v42;
	v29 =	vld.idx.msk [tilespmem:v39+s10+$0x0], $0xffff;
	v21 =	vmul.f32 v21, v21;
	v24 =	vadd.f32 v49, v24  }
0x193: {  	v59 =	vand.u32 $0x7F, v56;
	v60 =	vadd.s32 s21, v0;
	v58 =	vor.u32 v20, v55;
	v57 =	vld.idx.msk [tilespmem:v44+s5+$0x0], $0xffff  }
0x194: {  	v23 =	vsub.f32 v43, v47;
	v22 =	vmul.f32 v22, v22;
	v30 =	vld.idx.msk [tilespmem:v44+s10+$0x0], $0xffff;
	v21 =	vadd.f32 v21, v24  }
0x195: {  	v63 =	vand.u32 $0x7F, v60;
	v62 =	vor.u32 v20, v59;
	v61 =	vld.idx.msk [tilespmem:v50+s5+$0x0], $0xffff  }
0x196: {  	s19 =	sadd.s32 $0xFFFFFFFA, s17;
	v23 =	vmul.f32 v23, v23;
	v26 =	vld.idx.msk [tilespmem:v50+s10+$0x0], $0xffff;
	v28 =	vsub.f32 v48, v28;
	v21 =	vadd.f32 v22, v21  }
0x197: {  	v36 =	vadd.s32 s19, v0;
	v27 =	vor.u32 v20, v63;
	v37 =	vld.idx.msk [tilespmem:v54+s5+$0x0], $0xffff  }
0x198: {  	s20 =	sadd.s32 $0xFFFFFFFB, s17;
	v25 =	vld.idx.msk [tilespmem:v54+s10+$0x0], $0xffff;
	v39 =	vsub.f32 v53, v29;
	v38 =	vmul.f32 v28, v28;
	v21 =	vadd.f32 v23, v21  }
0x199: {  	v41 =	vadd.s32 s20, v0;
	v40 =	vand.u32 $0x7F, v36;
	v42 =	vld.idx.msk [tilespmem:v58+s5+$0x0], $0xffff  }
0x19a: {  	s21 =	sadd.s32 $0xFFFFFFFC, s17;
	v47 =	vld.idx.msk [tilespmem:v62+s5+$0x0], $0xffff;
	v44 =	vsub.f32 v57, v30;
	v43 =	vmul.f32 v39, v39;
	v21 =	vadd.f32 v38, v21  }
0x19b: {  	v45 =	vand.u32 $0x7F, v41;
	v46 =	vadd.s32 s21, v0;
	v29 =	vor.u32 v20, v40;
	v24 =	vld.idx.msk [tilespmem:v58+s10+$0x0], $0xffff  }
0x19c: {  	s19 =	sadd.s32 $0xFFFFFFFD, s17;
	v52 =	vld.idx.msk [tilespmem:v27+s5+$0x0], $0xffff;
	v26 =	vsub.f32 v61, v26;
	v48 =	vmul.f32 v44, v44;
	v21 =	vadd.f32 v43, v21  }
0x19d: {  	v51 =	vadd.s32 s19, v0;
	v50 =	vand.u32 $0x7F, v46;
	v49 =	vor.u32 v20, v45;
	v22 =	vld.idx.msk [tilespmem:v62+s10+$0x0], $0xffff  }
0x19e: {  	s20 =	sadd.s32 $0xFFFFFFFE, s17;
	v27 =	vld.idx.msk [tilespmem:v27+s10+$0x0], $0xffff;
	v25 =	vsub.f32 v37, v25;
	v53 =	vmul.f32 v26, v26;
	v21 =	vadd.f32 v48, v21  }
0x19f: {  	v56 =	vadd.s32 s20, v0;
	v55 =	vand.u32 $0x7F, v51;
	v54 =	vor.u32 v20, v50  }
0x1a0: {  	s21 =	sadd.s32 $0xFFFFFFFF, s17;
	v58 =	vmul.f32 v25, v25;
	v57 =	vld.idx.msk [tilespmem:v29+s5+$0x0], $0xffff;
	v24 =	vsub.f32 v42, v24;
	v21 =	vadd.f32 v53, v21  }
0x1a1: {  	v60 =	vand.u32 $0x7F, v56;
	v59 =	vor.u32 v20, v55;
	v61 =	vadd.s32 s21, v0;
	v29 =	vld.idx.msk [tilespmem:v29+s10+$0x0], $0xffff  }
0x1a2: {  	v62 =	vld.idx.msk [tilespmem:v49+s5+$0x0], $0xffff;
	v63 =	vmul.f32 v24, v24;
	v22 =	vsub.f32 v47, v22;
	v21 =	vadd.f32 v58, v21  }
0x1a3: {  	v36 =	vor.u32 v20, v60;
	v37 =	vand.u32 $0x7F, v61;
	v28 =	vld.idx.msk [tilespmem:v49+s10+$0x0], $0xffff;
	v40 =	vsub.f32 v52, v27  }
0x1a4: {  	v39 =	vld.idx.msk [tilespmem:v54+s5+$0x0], $0xffff;
	v38 =	vadd.s32 s17, v0;
	v22 =	vmul.f32 v22, v22;
	v21 =	vadd.f32 v63, v21  }
0x1a5: {  	v41 =	vor.u32 v20, v37;
	v26 =	vld.idx.msk [tilespmem:v54+s10+$0x0], $0xffff;
	v42 =	vand.u32 $0x7F, v38  }
0x1a6: {  	v25 =	vld.idx.msk [tilespmem:v59+s10+$0x0], $0xffff;
	v44 =	vmul.f32 v40, v40;
	v45 =	vsub.f32 v57, v29;
	v21 =	vadd.f32 v22, v21  }
0x1a7: {  	v43 =	vld.idx.msk [tilespmem:v59+s5+$0x0], $0xffff;
	v20 =	vor.u32 v20, v42  }
0x1a8: {  	v46 =	vld.idx.msk [tilespmem:v36+s5+$0x0], $0xffff;
	v48 =	vsub.f32 v62, v28;
	v47 =	vmul.f32 v45, v45;
	v21 =	vadd.f32 v44, v21  }
0x1a9: {  	v24 =	vld.idx.msk [tilespmem:v36+s10+$0x0], $0xffff  }
0x1aa: {  	v49 =	vld.idx.msk [tilespmem:v41+s5+$0x0], $0xffff;
	v51 =	vsub.f32 v39, v26;
	v50 =	vmul.f32 v48, v48;
	v21 =	vadd.f32 v47, v21  }
0x1ab: {  	v52 =	vld.idx.msk [tilespmem:v41+s10+$0x0], $0xffff  }
0x1ac: {  	v54 =	vmul.f32 v51, v51;
	v53 =	vld.idx.msk [tilespmem:v20+s5+$0x0], $0xffff;
	v55 =	vsub.f32 v43, v25;
	v21 =	vadd.f32 v50, v21  }
0x1ad: {  	v20 =	vld.idx.msk [tilespmem:v20+s10+$0x0], $0xffff  }
0x1ae: {  	v57 =	vsub.f32 v46, v24;
	v56 =	vmul.f32 v55, v55;
	v21 =	vadd.f32 v54, v21;
	_ =	sdelay $0x1  }
0x1af: {  	v58 =	vmul.f32 v57, v57;
	v59 =	vsub.f32 v49, v52;
	v21 =	vadd.f32 v56, v21;
	_ =	sdelay $0x1  }
0x1b0: {  	v60 =	vmul.f32 v59, v59;
	v20 =	vsub.f32 v53, v20;
	v21 =	vadd.f32 v58, v21;
	_ =	sdelay $0x1  }
0x1b1: {  	v20 =	vmul.f32 v20, v20;
	v21 =	vadd.f32 v60, v21;
	_ =	sdelay $0x1  }
0x1b2: {  	v20 =	vadd.f32 v20, v21;
	_ =	sdelay $0x1  }
0x1b3: {  	v20 =	vmax.f32 v20, $1.000000000e-30  }
0x1b4: {  	v61 =	vshra.s32 v20, $0x1;
	v62 =	vmul.f32 $5.000000000e-01, v20  }
0x1b5: {  	v21 =	vsub.s32 $0x5F3759DF, v61  }
0x1b6: {  	v63 =	vmul.f32 v21, v62;
	_ =	sdelay $0x1  }
0x1b7: {  	v23 =	vmul.f32 v21, v63;
	_ =	sdelay $0x1  }
0x1b8: {  	v23 =	vsub.f32 $1.500000000e+00, v23;
	_ =	sdelay $0x1  }
0x1b9: {  	v21 =	vmul.f32 v21, v23;
	_ =	sdelay $0x1  }
0x1ba: {  	v23 =	vmul.f32 v21, v62;
	_ =	sdelay $0x1  }
0x1bb: {  	v23 =	vmul.f32 v23, v21;
	_ =	sdelay $0x1  }
0x1bc: {  	v23 =	vsub.f32 $1.500000000e+00, v23;
	_ =	sdelay $0x1  }
0x1bd: {  	v21 =	vmul.f32 v23, v21;
	_ =	sdelay $0x1  }
0x1be: {  	v22 =	vmul.f32 v21, v62;
	_ =	sdelay $0x1  }
0x1bf: {  	v22 =	vmul.f32 v22, v21;
	_ =	sdelay $0x1  }
0x1c0: {  	s15 =	sadd.s32 $0x1, s15;
	v22 =	vsub.f32 $1.500000000e+00, v22  }
0x1c1: {  	p1 =	sne.s32 s15, $0x8  }
.Ltmp4:
0x1c2: {  	v21 =	vmul.f32 v22, v21;
	(pc) =	sbr.rel @p1 .LBB2_8-.Ltmp4, $3  }
0x1c3: {  	_ = 	snop  }
0x1c4: {  	v20 =	vmul.f32 v21, v20;
	_ =	sdelay $0x1  }
0x1c5: {  	[tilespmem:s16+$0x11F00] =	vst v20  }
0x1c6: {  	(erf) = vrcp.f32 v5  }
0x1c7: {  	(erf) = vrcp.f32 v6  }
0x1c8: {  	(erf) = vrcp.f32 v7  }
0x1c9: {  	(erf) = vrcp.f32 v9  }
0x1ca: {  	(erf) = vrcp.f32 v11  }
0x1cb: {  	(erf) = vrcp.f32 v13  }
0x1cc: {  	(erf) = vrcp.f32 v16  }
0x1cd: {  	(erf) = vrcp.f32 v19;
	_ =	sdelay $0x1  }
0x1ce: {  	v26 =	vpop (erf)  }
0x1cf: {  	v27 =	vpop (erf)  }
0x1d0: {  	v28 =	vpop (erf)  }
0x1d1: {  	v29 =	vpop (erf)  }
0x1d2: {  	v30 =	vpop (erf)  }
0x1d3: {  	v31 =	vpop (erf)  }
0x1d4: {  	v32 =	vpop (erf)  }
0x1d5: {  	v33 =	vpop (erf)  }
0x1d6: {  	_ =	swait.ge [sflag:s3], $0x80  }
0x1d7: {  	[sflag:s3] =	ssyncset.done $0x0  }
0x1d8: {  	[sflag:s3] =	ssyncadd.s32 $0xFFFFFF80  }
0x1d9: {  	v16 =	vld [tilespmem:$0x11F00]  }
0x1da: {  	v19 =	vld [tilespmem:$0x1E80]  }
0x1db: {  	v13 =	vld [tilespmem:$0x11F10]  }
0x1dc: {  	v20 =	vld [tilespmem:$0x1E90]  }
0x1dd: {  	v11 =	vld [tilespmem:$0x11F20]  }
0x1de: {  	v21 =	vld [tilespmem:$0x1EA0]  }
0x1df: {  	v9 =	vld [tilespmem:$0x11F30]  }
0x1e0: {  	v22 =	vld [tilespmem:$0x1EB0]  }
0x1e1: {  	v7 =	vld [tilespmem:$0x11F40]  }
0x1e2: {  	v23 =	vld [tilespmem:$0x1EC0]  }
0x1e3: {  	v6 =	vld [tilespmem:$0x11F50]  }
0x1e4: {  	v24 =	vld [tilespmem:$0x1ED0]  }
0x1e5: {  	v5 =	vld [tilespmem:$0x11F60]  }
0x1e6: {  	v34 =	vmul.f32 v26, v4;
	v25 =	vld [tilespmem:$0x1EE0]  }
0x1e7: {  	s15 =	simm.s32 $0x0;
	s16 =	rddreg [dreg:$0x14];
	v4 =	vld [tilespmem:$0x11F70]  }
0x1e8: {  	v18 =	vmul.f32 v27, v18;
	v27 =	vadd.f32 $0.0e+00, v34;
	v26 =	vld [tilespmem:$0x1EF0];
	[tilespmem:s9], [sflag:$0x9] =	stream.linear.gather [hbm4b:s16+s15], $0x80, $0x38  }
0x1e9: {  	_ =	swait.ge [sflag:s26], $0x80  }
0x1ea: {  	v17 =	vmul.f32 v28, v17;
	v18 =	vadd.f32 v18, v27;
	[sflag:s26] =	ssyncset.done $0x0  }
0x1eb: {  	[sflag:s26] =	ssyncadd.s32 $0xFFFFFF80  }
0x1ec: {  	v15 =	vmul.f32 v29, v15;
	v17 =	vadd.f32 v17, v18;
	[tilespmem:s22], [sflag:$0x8] =	stream.indirect.gather [spmem:s2], $0x1, s9, s28, $0xb8;
	[tilespmem:$0x13B00] =	vst v63  }
0x1ed: {  	_ = 	snop  }
0x1ee: {  	v14 =	vmul.f32 v30, v14;
	v15 =	vadd.f32 v15, v17;
	[tilespmem:s10], [sflag:$0x4] =	stream.indirect.gather [hbm4b:s1+s28], $0x80, s9, s28, $0xb8;
	[tilespmem:$0x13B00] =	vst v63  }
0x1ef: {  	s22 =	rddreg [dreg:$0x15]  }
0x1f0: {  	v12 =	vmul.f32 v31, v12;
	v14 =	vadd.f32 v14, v15;
	[tilespmem:s5], [sflag:$0x6] =	stream.linear.gather [hbm4b:s22+s15], $0x4000, $0x38;
	[tilespmem:$0x13B00] =	vst v63  }
0x1f1: {  	_ =	swait.ge [sflag:s11], $0x4000  }
0x1f2: {  	v10 =	vmul.f32 v32, v10;
	v12 =	vadd.f32 v12, v14;
	[sflag:s11] =	ssyncset.done $0x0  }
0x1f3: {  	[sflag:s11] =	ssyncadd.s32 $0xFFFFC000  }
0x1f4: {  	v8 =	vmul.f32 v33, v8;
	v10 =	vadd.f32 v10, v12;
	_ =	swait.ge [sflag:s12], $0x4000  }
0x1f5: {  	[sflag:s12] =	ssyncset.done $0x0  }
0x1f6: {  	v8 =	vadd.f32 v8, v10;
	[sflag:s12] =	ssyncadd.s32 $0xFFFFC000  }
.LBB2_12:
0x1f7: {  	s16 =	sshll.u32 s15, $0x4  }
0x1f8: {  	v10 =	vmov s16  }
0x1f9: {  	v10 =	vshll.u32 v10, $0x7  }
0x1fa: {  	v10 =	vor.u32 v3, v10  }
0x1fb: {  	s17 =	simm.s32 $0x1;
	s18 =	simm.s32 $0x0;
	v12 =	vor.u32 v0, v10  }
0x1fc: {  	v14 =	vadd.s32 s17, v0;
	v15 =	vor.u32 s18, v12  }
0x1fd: {  	s20 =	simm.s32 $0x2;
	v14 =	vand.u32 $0x7F, v14  }
0x1fe: {  	v17 =	vadd.s32 s20, v0;
	v14 =	vor.u32 v10, v14  }
0x1ff: {  	s21 =	simm.s32 $0x3;
	v17 =	vand.u32 $0x7F, v17  }
0x200: {  	v18 =	vadd.s32 s21, v0;
	v17 =	vor.u32 v10, v17  }
0x201: {  	s22 =	simm.s32 $0x4;
	v18 =	vand.u32 $0x7F, v18;
	v27 =	vld.idx.msk [tilespmem:v15+s30+$0x0], $0xffff  }
0x202: {  	v28 =	vadd.s32 s22, v0;
	v18 =	vor.u32 v10, v18;
	v15 =	vld.idx.msk [tilespmem:v15+s29+$0x0], $0xffff  }
0x203: {  	v28 =	vand.u32 $0x7F, v28;
	s18 =	simm.s32 $0x5;
	v29 =	vld.idx.msk [tilespmem:v14+s30+$0x0], $0xffff  }
0x204: {  	s19 =	simm.s32 $0x6;
	v28 =	vor.u32 v10, v28;
	v30 =	vadd.s32 s18, v0;
	v14 =	vld.idx.msk [tilespmem:v14+s29+$0x0], $0xffff  }
0x205: {  	v31 =	vadd.s32 s19, v0;
	s20 =	simm.s32 $0x7;
	v30 =	vand.u32 $0x7F, v30;
	v32 =	vld.idx.msk [tilespmem:v17+s30+$0x0], $0xffff  }
0x206: {  	s21 =	simm.s32 $0x8;
	s22 =	simm.s32 $0x9;
	v31 =	vand.u32 $0x7F, v31;
	v33 =	vadd.s32 s20, v0;
	v30 =	vor.u32 v10, v30;
	v17 =	vld.idx.msk [tilespmem:v17+s29+$0x0], $0xffff  }
0x207: {  	s19 =	simm.s32 $0xB;
	v35 =	vadd.s32 s21, v0;
	v37 =	vadd.s32 s22, v0;
	v34 =	vld.idx.msk [tilespmem:v18+s30+$0x0], $0xffff;
	v15 =	vsub.f32 v27, v15  }
0x208: {  	v51 =	vadd.s32 s19, v0;
	v33 =	vand.u32 $0x7F, v33;
	v31 =	vor.u32 v10, v31;
	v18 =	vld.idx.msk [tilespmem:v18+s29+$0x0], $0xffff  }
0x209: {  	v35 =	vand.u32 $0x7F, v35;
	v36 =	vld.idx.msk [tilespmem:v28+s30+$0x0], $0xffff;
	v14 =	vsub.f32 v29, v14;
	v15 =	vmul.f32 v15, v15  }
0x20a: {  	v37 =	vand.u32 $0x7F, v37;
	v33 =	vor.u32 v10, v33;
	v28 =	vld.idx.msk [tilespmem:v28+s29+$0x0], $0xffff;
	v27 =	vimm.f32 $0.0e+00  }
0x20b: {  	s18 =	simm.s32 $0xA;
	v29 =	vld.idx.msk [tilespmem:v30+s30+$0x0], $0xffff;
	v17 =	vsub.f32 v32, v17;
	v14 =	vmul.f32 v14, v14;
	v15 =	vadd.f32 v15, v27  }
0x20c: {  	v35 =	vor.u32 v10, v35;
	v49 =	vor.u32 v10, v37;
	v38 =	vadd.s32 s18, v0;
	v27 =	vld.idx.msk [tilespmem:v30+s29+$0x0], $0xffff  }
0x20d: {  	v30 =	vld.idx.msk [tilespmem:v31+s30+$0x0], $0xffff;
	v14 =	vadd.f32 v14, v15;
	v15 =	vmul.f32 v17, v17;
	v17 =	vsub.f32 v34, v18  }
0x20e: {  	v53 =	vand.u32 $0x7F, v51;
	v50 =	vand.u32 $0x7F, v38;
	v18 =	vld.idx.msk [tilespmem:v31+s29+$0x0], $0xffff  }
0x20f: {  	s20 =	simm.s32 $0xC;
	s21 =	simm.s32 $0xD;
	v52 =	vor.u32 v10, v50;
	v31 =	vld.idx.msk [tilespmem:v33+s30+$0x0], $0xffff;
	v14 =	vadd.f32 v15, v14;
	v15 =	vmul.f32 v17, v17  }
0x210: {  	v54 =	vadd.s32 s20, v0;
	v58 =	vadd.s32 s21, v0;
	v17 =	vsub.f32 v36, v28;
	v28 =	vld.idx.msk [tilespmem:v33+s29+$0x0], $0xffff  }
0x211: {  	v56 =	vor.u32 v10, v53;
	v57 =	vand.u32 $0x7F, v54;
	v55 =	vld.idx.msk [tilespmem:v35+s30+$0x0], $0xffff;
	v14 =	vadd.f32 v15, v14  }
0x212: {  	v59 =	vld.idx.msk [tilespmem:v49+s30+$0x0], $0xffff;
	v15 =	vmul.f32 v17, v17;
	v17 =	vsub.f32 v29, v27;
	v29 =	vand.u32 $0x7F, v58  }
0x213: {  	v37 =	vor.u32 v10, v57;
	v27 =	vld.idx.msk [tilespmem:v35+s29+$0x0], $0xffff;
	v39 =	vor.u32 v10, v29  }
0x214: {  	s22 =	simm.s32 $0xF;
	s19 =	simm.s32 $0xE;
	v60 =	vld.idx.msk [tilespmem:v52+s30+$0x0], $0xffff;
	v14 =	vadd.f32 v15, v14;
	v15 =	vmul.f32 v17, v17;
	v17 =	vsub.f32 v30, v18  }
0x215: {  	v29 =	vadd.s32 s22, v0;
	v30 =	vld.idx.msk [tilespmem:v49+s29+$0x0], $0xffff;
	v18 =	vadd.s32 s19, v0;
	v28 =	vsub.f32 v31, v28  }
0x216: {  	v61 =	vand.u32 $0x7F, v29;
	v29 =	vld.idx.msk [tilespmem:v56+s29+$0x0], $0xffff;
	v14 =	vadd.f32 v15, v14;
	v15 =	vmul.f32 v17, v17  }
0x217: {  	v31 =	vld.idx.msk [tilespmem:v52+s29+$0x0], $0xffff;
	v18 =	vand.u32 $0x7F, v18;
	v28 =	vmul.f32 v28, v28  }
0x218: {  	s20 =	simm.s32 $0x11;
	v17 =	vld.idx.msk [tilespmem:v56+s30+$0x0], $0xffff;
	v33 =	vsub.f32 v55, v27;
	v27 =	vor.u32 v10, v18;
	v15 =	vadd.f32 v15, v14  }
0x219: {  	v62 =	vadd.s32 s20, v0;
	v18 =	vld.idx.msk [tilespmem:v37+s30+$0x0], $0xffff;
	v14 =	vor.u32 v10, v61  }
0x21a: {  	s21 =	simm.s32 $0x10;
	s22 =	simm.s32 $0x12;
	v40 =	vmul.f32 v33, v33;
	v35 =	vsub.f32 v59, v30;
	v30 =	vld.idx.msk [tilespmem:v37+s29+$0x0], $0xffff;
	v63 =	vadd.f32 v28, v15  }
0x21b: {  	v32 =	vand.u32 $0x7F, v62;
	v33 =	vadd.s32 s22, v0;
	v15 =	vor.u32 s21, v12;
	v28 =	vld.idx.msk [tilespmem:v39+s30+$0x0], $0xffff  }
0x21c: {  	s17 =	simm.s32 $0x1F;
	s18 =	simm.s32 $0x2F;
	s19 =	simm.s32 $0x13;
	v36 =	vsub.f32 v60, v31;
	v31 =	vld.idx.msk [tilespmem:v39+s29+$0x0], $0xffff;
	v35 =	vmul.f32 v35, v35;
	v34 =	vadd.f32 v40, v63  }
.LBB2_13:
0x21d: {  	p1 =	sne.s32 s18, $0x7F;
	v32 =	vor.u32 v10, v32;
	v33 =	vand.u32 $0x7F, v33;
	v37 =	vadd.s32 s19, v0;
	v38 =	vld.idx.msk [tilespmem:v27+s30+$0x0], $0xffff  }
0x21e: {  	s19 =	sadd.s32 $0xFFFFFFF5, s17;
	v17 =	vsub.f32 v17, v29;
	v34 =	vadd.f32 v35, v34;
	v35 =	vmul.f32 v36, v36;
	v27 =	vld.idx.msk [tilespmem:v27+s29+$0x0], $0xffff  }
0x21f: {  	v29 =	vor.u32 v10, v33;
	v33 =	vand.u32 $0x7F, v37;
	v36 =	vadd.s32 s19, v0;
	v37 =	vld.idx.msk [tilespmem:v14+s30+$0x0], $0xffff  }
0x220: {  	s19 =	sadd.s32 $0xFFFFFFF6, s17;
	v17 =	vmul.f32 v17, v17;
	v18 =	vsub.f32 v18, v30;
	v34 =	vadd.f32 v35, v34;
	v14 =	vld.idx.msk [tilespmem:v14+s29+$0x0], $0xffff  }
0x221: {  	v33 =	vor.u32 v10, v33;
	v35 =	vand.u32 $0x7F, v36;
	v36 =	vadd.s32 s19, v0;
	v30 =	vld.idx.msk [tilespmem:v15+s30+$0x0], $0xffff  }
0x222: {  	s19 =	sadd.s32 $0xFFFFFFF7, s17;
	v18 =	vmul.f32 v18, v18;
	v28 =	vsub.f32 v28, v31;
	v15 =	vld.idx.msk [tilespmem:v15+s29+$0x0], $0xffff;
	v17 =	vadd.f32 v17, v34  }
0x223: {  	v34 =	vor.u32 v10, v35;
	v35 =	vand.u32 $0x7F, v36;
	v36 =	vadd.s32 s19, v0;
	v31 =	vld.idx.msk [tilespmem:v32+s30+$0x0], $0xffff  }
0x224: {  	s19 =	sadd.s32 $0xFFFFFFF8, s17;
	v27 =	vsub.f32 v38, v27;
	v32 =	vld.idx.msk [tilespmem:v32+s29+$0x0], $0xffff;
	v17 =	vadd.f32 v18, v17;
	v18 =	vmul.f32 v28, v28  }
0x225: {  	v35 =	vor.u32 v10, v35;
	v36 =	vand.u32 $0x7F, v36;
	v38 =	vadd.s32 s19, v0;
	v28 =	vld.idx.msk [tilespmem:v29+s30+$0x0], $0xffff  }
0x226: {  	s19 =	sadd.s32 $0xFFFFFFF9, s17;
	v14 =	vsub.f32 v37, v14;
	v29 =	vld.idx.msk [tilespmem:v29+s29+$0x0], $0xffff;
	v17 =	vadd.f32 v18, v17;
	v18 =	vmul.f32 v27, v27  }
0x227: {  	v36 =	vor.u32 v10, v36;
	v37 =	vand.u32 $0x7F, v38;
	v38 =	vadd.s32 s19, v0;
	v27 =	vld.idx.msk [tilespmem:v33+s30+$0x0], $0xffff  }
0x228: {  	s19 =	sadd.s32 $0xFFFFFFFA, s17;
	v15 =	vsub.f32 v30, v15;
	v14 =	vmul.f32 v14, v14;
	v30 =	vld.idx.msk [tilespmem:v33+s29+$0x0], $0xffff;
	v17 =	vadd.f32 v18, v17  }
0x229: {  	v33 =	vor.u32 v10, v37;
	v37 =	vand.u32 $0x7F, v38;
	v38 =	vadd.s32 s19, v0;
	v18 =	vld.idx.msk [tilespmem:v34+s30+$0x0], $0xffff  }
0x22a: {  	s19 =	sadd.s32 $0xFFFFFFFB, s17;
	v15 =	vmul.f32 v15, v15;
	v31 =	vsub.f32 v31, v32;
	v32 =	vld.idx.msk [tilespmem:v34+s29+$0x0], $0xffff;
	v14 =	vadd.f32 v14, v17  }
0x22b: {  	v34 =	vor.u32 v10, v37;
	v37 =	vand.u32 $0x7F, v38;
	v38 =	vadd.s32 s19, v0;
	v17 =	vld.idx.msk [tilespmem:v35+s30+$0x0], $0xffff  }
0x22c: {  	s19 =	sadd.s32 $0xFFFFFFFC, s17;
	v28 =	vsub.f32 v28, v29;
	v14 =	vadd.f32 v15, v14;
	v15 =	vmul.f32 v31, v31;
	v29 =	vld.idx.msk [tilespmem:v35+s29+$0x0], $0xffff  }
0x22d: {  	v35 =	vor.u32 v10, v37;
	v37 =	vand.u32 $0x7F, v38;
	v38 =	vadd.s32 s19, v0;
	v31 =	vld.idx.msk [tilespmem:v36+s30+$0x0], $0xffff  }
0x22e: {  	s19 =	sadd.s32 $0xFFFFFFFD, s17;
	v27 =	vsub.f32 v27, v30;
	v14 =	vadd.f32 v15, v14;
	v15 =	vmul.f32 v28, v28;
	v28 =	vld.idx.msk [tilespmem:v36+s29+$0x0], $0xffff  }
0x22f: {  	v36 =	vor.u32 v10, v37;
	v37 =	vand.u32 $0x7F, v38;
	v38 =	vadd.s32 s19, v0;
	v30 =	vld.idx.msk [tilespmem:v33+s30+$0x0], $0xffff  }
0x230: {  	s19 =	sadd.s32 $0xFFFFFFFE, s17;
	v18 =	vsub.f32 v18, v32;
	v14 =	vadd.f32 v15, v14;
	v15 =	vmul.f32 v27, v27;
	v27 =	vld.idx.msk [tilespmem:v33+s29+$0x0], $0xffff  }
0x231: {  	v33 =	vor.u32 v10, v37;
	v37 =	vand.u32 $0x7F, v38;
	v38 =	vadd.s32 s19, v0;
	v32 =	vld.idx.msk [tilespmem:v34+s30+$0x0], $0xffff  }
0x232: {  	s19 =	sadd.s32 $0xFFFFFFFF, s17;
	v17 =	vsub.f32 v17, v29;
	v14 =	vadd.f32 v15, v14;
	v15 =	vmul.f32 v18, v18;
	v18 =	vld.idx.msk [tilespmem:v34+s29+$0x0], $0xffff  }
0x233: {  	v37 =	vor.u32 v10, v37;
	v29 =	vand.u32 $0x7F, v38;
	v38 =	vadd.s32 s19, v0;
	v34 =	vld.idx.msk [tilespmem:v35+s30+$0x0], $0xffff  }
0x234: {  	v14 =	vadd.f32 v15, v14;
	v15 =	vmul.f32 v17, v17;
	v17 =	vsub.f32 v31, v28;
	v28 =	vld.idx.msk [tilespmem:v35+s29+$0x0], $0xffff  }
0x235: {  	v39 =	vor.u32 v10, v29;
	v29 =	vand.u32 $0x7F, v38;
	v35 =	vadd.s32 s17, v0;
	s17 =	smov.u32 s18;
	v31 =	vld.idx.msk [tilespmem:v36+s30+$0x0], $0xffff  }
0x236: {  	v30 =	vsub.f32 v30, v27;
	v14 =	vadd.f32 v15, v14;
	v15 =	vmul.f32 v17, v17;
	v36 =	vld.idx.msk [tilespmem:v36+s29+$0x0], $0xffff  }
0x237: {  	v27 =	vor.u32 v10, v29;
	v35 =	vand.u32 $0x7F, v35;
	v17 =	vld.idx.msk [tilespmem:v33+s30+$0x0], $0xffff  }
.Ltmp5:
0x238: {  	s19 =	sadd.s32 $0xFFFFFFF2, s18;
	v30 =	vmul.f32 v30, v30;
	v32 =	vsub.f32 v32, v18;
	v15 =	vadd.f32 v15, v14;
	v29 =	vld.idx.msk [tilespmem:v33+s29+$0x0], $0xffff;
	(pc) =	sbr.rel @p1 .LBB2_13-.Ltmp5, $4  }
0x239: {  	v33 =	vadd.s32 s19, v0;
	v14 =	vor.u32 v10, v35;
	v18 =	vld.idx.msk [tilespmem:v37+s30+$0x0], $0xffff  }
0x23a: {  	s20 =	sadd.s32 $0xFFFFFFF3, s18;
	s19 =	sadd.s32 $0xFFFFFFF1, s18;
	v38 =	vmul.f32 v32, v32;
	v40 =	vsub.f32 v34, v28;
	v35 =	vadd.f32 v30, v15;
	v30 =	vld.idx.msk [tilespmem:v37+s29+$0x0], $0xffff  }
0x23b: {  	v32 =	vand.u32 $0x7F, v33;
	v33 =	vadd.s32 s20, v0;
	v15 =	vor.u32 s19, v12;
	v28 =	vld.idx.msk [tilespmem:v39+s30+$0x0], $0xffff  }
0x23c: {  	s18 =	sadd.s32 $0x10, s18;
	s19 =	sadd.s32 $0xFFFFFFF4, s17;
	v36 =	vsub.f32 v31, v36;
	v34 =	vadd.f32 v38, v35;
	v35 =	vmul.f32 v40, v40;
	v31 =	vld.idx.msk [tilespmem:v39+s29+$0x0], $0xffff  }
0x23d: {  	_ =	sdelay $0x3  }
0x23e: {  	v12 =	vld.idx.msk [tilespmem:v27+s30+$0x0], $0xffff;
	v17 =	vsub.f32 v17, v29;
	v34 =	vadd.f32 v35, v34;
	v63 =	vmul.f32 v36, v36  }
0x23f: {  	v40 =	vor.u32 v10, v32;
	v41 =	vand.u32 $0x7F, v33;
	v42 =	vadd.s32 s19, v0;
	v27 =	vld.idx.msk [tilespmem:v27+s29+$0x0], $0xffff  }
0x240: {  	s18 =	sadd.s32 $0xFFFFFFF5, s17;
	v43 =	vld.idx.msk [tilespmem:v14+s30+$0x0], $0xffff;
	v17 =	vmul.f32 v17, v17;
	v18 =	vsub.f32 v18, v30;
	v34 =	vadd.f32 v63, v34  }
0x241: {  	v14 =	vld.idx.msk [tilespmem:v14+s29+$0x0], $0xffff;
	v44 =	vor.u32 v10, v41;
	v45 =	vand.u32 $0x7F, v42;
	v46 =	vadd.s32 s18, v0  }
0x242: {  	s21 =	sadd.s32 $0xFFFFFFF6, s17;
	v47 =	vld.idx.msk [tilespmem:v15+s30+$0x0], $0xffff;
	v18 =	vmul.f32 v18, v18;
	v28 =	vsub.f32 v28, v31;
	v17 =	vadd.f32 v17, v34  }
0x243: {  	v15 =	vld.idx.msk [tilespmem:v15+s29+$0x0], $0xffff;
	v50 =	vadd.s32 s21, v0;
	v48 =	vor.u32 v10, v45;
	v49 =	vand.u32 $0x7F, v46  }
0x244: {  	s22 =	sadd.s32 $0xFFFFFFF7, s17;
	v51 =	vld.idx.msk [tilespmem:v40+s30+$0x0], $0xffff;
	v12 =	vsub.f32 v12, v27;
	v17 =	vadd.f32 v18, v17;
	v18 =	vmul.f32 v28, v28  }
0x245: {  	v53 =	vadd.s32 s22, v0;
	v52 =	vand.u32 $0x7F, v50;
	v27 =	vor.u32 v10, v49;
	v29 =	vld.idx.msk [tilespmem:v40+s29+$0x0], $0xffff  }
0x246: {  	s19 =	sadd.s32 $0xFFFFFFF8, s17;
	v14 =	vsub.f32 v43, v14;
	v54 =	vld.idx.msk [tilespmem:v44+s30+$0x0], $0xffff;
	v12 =	vmul.f32 v12, v12;
	v17 =	vadd.f32 v18, v17  }
0x247: {  	v56 =	vadd.s32 s19, v0;
	v55 =	vand.u32 $0x7F, v53;
	v30 =	vld.idx.msk [tilespmem:v44+s29+$0x0], $0xffff;
	v18 =	vor.u32 v10, v52  }
0x248: {  	s20 =	sadd.s32 $0xFFFFFFF9, s17;
	v15 =	vsub.f32 v47, v15;
	v57 =	vld.idx.msk [tilespmem:v48+s30+$0x0], $0xffff;
	v14 =	vmul.f32 v14, v14;
	v12 =	vadd.f32 v12, v17  }
0x249: {  	v59 =	vadd.s32 s20, v0;
	v58 =	vand.u32 $0x7F, v56;
	v31 =	vld.idx.msk [tilespmem:v48+s29+$0x0], $0xffff;
	v17 =	vor.u32 v10, v55  }
0x24a: {  	s21 =	sadd.s32 $0xFFFFFFFA, s17;
	v15 =	vmul.f32 v15, v15;
	v60 =	vld.idx.msk [tilespmem:v27+s30+$0x0], $0xffff;
	v29 =	vsub.f32 v51, v29;
	v12 =	vadd.f32 v14, v12  }
0x24b: {  	v61 =	vand.u32 $0x7F, v59;
	v62 =	vadd.s32 s21, v0;
	v27 =	vld.idx.msk [tilespmem:v27+s29+$0x0], $0xffff;
	v14 =	vor.u32 v10, v58  }
0x24c: {  	s22 =	sadd.s32 $0xFFFFFFFB, s17;
	v37 =	vsub.f32 v54, v30;
	v63 =	vld.idx.msk [tilespmem:v18+s30+$0x0], $0xffff;
	v12 =	vadd.f32 v15, v12;
	v15 =	vmul.f32 v29, v29  }
0x24d: {  	v39 =	vadd.s32 s22, v0;
	v38 =	vand.u32 $0x7F, v62;
	v28 =	vor.u32 v10, v61;
	v18 =	vld.idx.msk [tilespmem:v18+s29+$0x0], $0xffff  }
0x24e: {  	s19 =	sadd.s32 $0xFFFFFFFC, s17;
	v41 =	vsub.f32 v57, v31;
	v40 =	vld.idx.msk [tilespmem:v17+s30+$0x0], $0xffff;
	v12 =	vadd.f32 v15, v12;
	v15 =	vmul.f32 v37, v37  }
0x24f: {  	v42 =	vand.u32 $0x7F, v39;
	v43 =	vadd.s32 s19, v0;
	v30 =	vor.u32 v10, v38;
	v17 =	vld.idx.msk [tilespmem:v17+s29+$0x0], $0xffff  }
0x250: {  	s20 =	sadd.s32 $0xFFFFFFFD, s17;
	v27 =	vsub.f32 v60, v27;
	v44 =	vld.idx.msk [tilespmem:v14+s30+$0x0], $0xffff;
	v12 =	vadd.f32 v15, v12;
	v15 =	vmul.f32 v41, v41  }
0x251: {  	v45 =	vor.u32 v10, v42;
	v47 =	vadd.s32 s20, v0;
	v46 =	vand.u32 $0x7F, v43;
	v14 =	vld.idx.msk [tilespmem:v14+s29+$0x0], $0xffff  }
0x252: {  	s21 =	sadd.s32 $0xFFFFFFFE, s17;
	v48 =	vld.idx.msk [tilespmem:v28+s30+$0x0], $0xffff;
	v18 =	vsub.f32 v63, v18;
	v12 =	vadd.f32 v15, v12;
	v15 =	vmul.f32 v27, v27  }
0x253: {  	v50 =	vadd.s32 s21, v0;
	v49 =	vand.u32 $0x7F, v47;
	v28 =	vld.idx.msk [tilespmem:v28+s29+$0x0], $0xffff;
	v27 =	vor.u32 v10, v46  }
0x254: {  	s22 =	sadd.s32 $0xFFFFFFFF, s17;
	v51 =	vld.idx.msk [tilespmem:v30+s30+$0x0], $0xffff;
	v17 =	vsub.f32 v40, v17;
	v12 =	vadd.f32 v15, v12;
	v15 =	vmul.f32 v18, v18  }
0x255: {  	v53 =	vadd.s32 s22, v0;
	v52 =	vand.u32 $0x7F, v50;
	v30 =	vld.idx.msk [tilespmem:v30+s29+$0x0], $0xffff;
	v18 =	vor.u32 v10, v49  }
0x256: {  	v54 =	vld.idx.msk [tilespmem:v45+s30+$0x0], $0xffff;
	v14 =	vsub.f32 v44, v14;
	v12 =	vadd.f32 v15, v12;
	v15 =	vmul.f32 v17, v17  }
0x257: {  	v56 =	vadd.s32 s17, v0;
	v55 =	vand.u32 $0x7F, v53;
	v29 =	vld.idx.msk [tilespmem:v45+s29+$0x0], $0xffff;
	v17 =	vor.u32 v10, v52  }
0x258: {  	v14 =	vmul.f32 v14, v14;
	v57 =	vld.idx.msk [tilespmem:v27+s30+$0x0], $0xffff;
	v12 =	vadd.f32 v15, v12;
	v15 =	vsub.f32 v48, v28  }
0x259: {  	v59 =	vand.u32 $0x7F, v56;
	v58 =	vor.u32 v10, v55;
	v27 =	vld.idx.msk [tilespmem:v27+s29+$0x0], $0xffff  }
0x25a: {  	v60 =	vld.idx.msk [tilespmem:v18+s30+$0x0], $0xffff;
	v12 =	vadd.f32 v14, v12;
	v14 =	vmul.f32 v15, v15;
	v15 =	vsub.f32 v51, v30  }
0x25b: {  	v10 =	vor.u32 v10, v59;
	v18 =	vld.idx.msk [tilespmem:v18+s29+$0x0], $0xffff  }
0x25c: {  	v61 =	vld.idx.msk [tilespmem:v17+s30+$0x0], $0xffff;
	v12 =	vadd.f32 v14, v12;
	v14 =	vmul.f32 v15, v15;
	v15 =	vsub.f32 v54, v29  }
0x25d: {  	v17 =	vld.idx.msk [tilespmem:v17+s29+$0x0], $0xffff  }
0x25e: {  	v62 =	vld.idx.msk [tilespmem:v58+s30+$0x0], $0xffff;
	v12 =	vadd.f32 v14, v12;
	v14 =	vmul.f32 v15, v15;
	v15 =	vsub.f32 v57, v27  }
0x25f: {  	v27 =	vld.idx.msk [tilespmem:v58+s29+$0x0], $0xffff  }
0x260: {  	v63 =	vld.idx.msk [tilespmem:v10+s30+$0x0], $0xffff;
	v12 =	vadd.f32 v14, v12;
	v14 =	vmul.f32 v15, v15;
	v15 =	vsub.f32 v60, v18  }
0x261: {  	v10 =	vld.idx.msk [tilespmem:v10+s29+$0x0], $0xffff  }
0x262: {  	v12 =	vadd.f32 v14, v12;
	v14 =	vmul.f32 v15, v15;
	v15 =	vsub.f32 v61, v17;
	_ =	sdelay $0x1  }
0x263: {  	v12 =	vadd.f32 v14, v12;
	v14 =	vmul.f32 v15, v15;
	v15 =	vsub.f32 v62, v27;
	_ =	sdelay $0x1  }
0x264: {  	v10 =	vsub.f32 v63, v10;
	v12 =	vadd.f32 v14, v12;
	v14 =	vmul.f32 v15, v15;
	_ =	sdelay $0x1  }
0x265: {  	v10 =	vmul.f32 v10, v10;
	v12 =	vadd.f32 v14, v12;
	_ =	sdelay $0x1  }
0x266: {  	v10 =	vadd.f32 v10, v12;
	_ =	sdelay $0x1  }
0x267: {  	v10 =	vmax.f32 v10, $1.000000000e-30  }
0x268: {  	v12 =	vshra.s32 v10, $0x1;
	v14 =	vmul.f32 $5.000000000e-01, v10  }
0x269: {  	v12 =	vsub.s32 $0x5F3759DF, v12  }
0x26a: {  	v15 =	vmul.f32 v12, v14;
	_ =	sdelay $0x1  }
0x26b: {  	v15 =	vmul.f32 v12, v15;
	_ =	sdelay $0x1  }
0x26c: {  	v15 =	vsub.f32 $1.500000000e+00, v15;
	_ =	sdelay $0x1  }
0x26d: {  	v12 =	vmul.f32 v12, v15;
	_ =	sdelay $0x1  }
0x26e: {  	v15 =	vmul.f32 v12, v14;
	_ =	sdelay $0x1  }
0x26f: {  	v15 =	vmul.f32 v15, v12;
	_ =	sdelay $0x1  }
0x270: {  	v15 =	vsub.f32 $1.500000000e+00, v15;
	_ =	sdelay $0x1  }
0x271: {  	v12 =	vmul.f32 v15, v12;
	_ =	sdelay $0x1  }
0x272: {  	v14 =	vmul.f32 v12, v14;
	_ =	sdelay $0x1  }
0x273: {  	v14 =	vmul.f32 v14, v12;
	_ =	sdelay $0x1  }
0x274: {  	s15 =	sadd.s32 $0x1, s15;
	v14 =	vsub.f32 $1.500000000e+00, v14  }
0x275: {  	p1 =	sne.s32 s15, $0x8  }
.Ltmp6:
0x276: {  	v12 =	vmul.f32 v14, v12;
	(pc) =	sbr.rel @p1 .LBB2_12-.Ltmp6, $3  }
0x277: {  	_ = 	snop  }
0x278: {  	v10 =	vmul.f32 v12, v10;
	_ =	sdelay $0x1  }
0x279: {  	[tilespmem:s16+$0x11F00] =	vst v10  }
0x27a: {  	(erf) = vrcp.f32 v19  }
0x27b: {  	(erf) = vrcp.f32 v20  }
0x27c: {  	(erf) = vrcp.f32 v21  }
0x27d: {  	(erf) = vrcp.f32 v22  }
0x27e: {  	(erf) = vrcp.f32 v23  }
0x27f: {  	(erf) = vrcp.f32 v24  }
0x280: {  	(erf) = vrcp.f32 v25  }
0x281: {  	(erf) = vrcp.f32 v26;
	_ =	sdelay $0x1  }
0x282: {  	v12 =	vpop (erf)  }
0x283: {  	v19 =	vpop (erf)  }
0x284: {  	v20 =	vpop (erf)  }
0x285: {  	v21 =	vpop (erf)  }
0x286: {  	v22 =	vpop (erf)  }
0x287: {  	v23 =	vpop (erf)  }
0x288: {  	v59 =	vpop (erf)  }
0x289: {  	v60 =	vpop (erf)  }
0x28a: {  	_ =	swait.ge [sflag:s13], $0x80  }
0x28b: {  	[sflag:s13] =	ssyncset.done $0x0  }
0x28c: {  	[sflag:s13] =	ssyncadd.s32 $0xFFFFFF80  }
0x28d: {  	v15 =	vld [tilespmem:$0x11F00]  }
0x28e: {  	v17 =	vld [tilespmem:$0x1E00]  }
0x28f: {  	v14 =	vld [tilespmem:$0x11F10]  }
0x290: {  	v18 =	vld [tilespmem:$0x1E10]  }
0x291: {  	v61 =	vmul.f32 v12, v16;
	v10 =	vld [tilespmem:$0x11F20]  }
0x292: {  	v16 =	vld [tilespmem:$0x1E20]  }
0x293: {  	v62 =	vmul.f32 v19, v13;
	v8 =	vadd.f32 v61, v8;
	v12 =	vld [tilespmem:$0x11F30]  }
0x294: {  	v19 =	vld [tilespmem:$0x1E30]  }
0x295: {  	v63 =	vmul.f32 v20, v11;
	v8 =	vadd.f32 v62, v8;
	v13 =	vld [tilespmem:$0x11F40]  }
0x296: {  	v20 =	vld [tilespmem:$0x1E40]  }
0x297: {  	v21 =	vmul.f32 v21, v9;
	v26 =	vadd.f32 v63, v8;
	v11 =	vld [tilespmem:$0x11F50]  }
0x298: {  	v9 =	vld [tilespmem:$0x1E50]  }
0x299: {  	v22 =	vmul.f32 v22, v7;
	v26 =	vadd.f32 v21, v26;
	v8 =	vld [tilespmem:$0x11F60]  }
0x29a: {  	v21 =	vld [tilespmem:$0x1E60]  }
0x29b: {  	v23 =	vmul.f32 v23, v6;
	v7 =	vld [tilespmem:$0x11F70];
	v22 =	vadd.f32 v22, v26  }
0x29c: {  	v6 =	vld [tilespmem:$0x1E70];
	_ =	swait.ge [sflag:s14], $0x4000  }
0x29d: {  	v5 =	vmul.f32 v59, v5;
	[sflag:s14] =	ssyncset.done $0x0;
	v22 =	vadd.f32 v23, v22  }
0x29e: {  	[sflag:s14] =	ssyncadd.s32 $0xFFFFC000  }
0x29f: {  	v4 =	vmul.f32 v60, v4;
	_ =	swait.ge [sflag:s0], $0x4000;
	v5 =	vadd.f32 v5, v22  }
0x2a0: {  	[sflag:s0] =	ssyncset.done $0x0  }
0x2a1: {  	s15 =	simm.s32 $0x0;
	[sflag:s0] =	ssyncadd.s32 $0xFFFFC000;
	v4 =	vadd.f32 v4, v5  }
.LBB2_16:
0x2a2: {  	s16 =	sshll.u32 s15, $0x4  }
0x2a3: {  	v5 =	vmov s16  }
0x2a4: {  	v5 =	vshll.u32 v5, $0x7  }
0x2a5: {  	v5 =	vor.u32 v3, v5  }
0x2a6: {  	s17 =	simm.s32 $0x1;
	s18 =	simm.s32 $0x0;
	v22 =	vor.u32 v0, v5  }
0x2a7: {  	v23 =	vadd.s32 s17, v0;
	v24 =	vor.u32 s18, v22  }
0x2a8: {  	s20 =	simm.s32 $0x2;
	v23 =	vand.u32 $0x7F, v23  }
0x2a9: {  	v25 =	vadd.s32 s20, v0;
	v23 =	vor.u32 v5, v23  }
0x2aa: {  	s21 =	simm.s32 $0x3;
	v25 =	vand.u32 $0x7F, v25  }
0x2ab: {  	v26 =	vadd.s32 s21, v0;
	v25 =	vor.u32 v5, v25  }
0x2ac: {  	s22 =	simm.s32 $0x4;
	v26 =	vand.u32 $0x7F, v26;
	v27 =	vld.idx.msk [tilespmem:v24+s5+$0x0], $0xffff  }
0x2ad: {  	v28 =	vadd.s32 s22, v0;
	v26 =	vor.u32 v5, v26;
	v24 =	vld.idx.msk [tilespmem:v24+s10+$0x0], $0xffff  }
0x2ae: {  	v28 =	vand.u32 $0x7F, v28;
	s18 =	simm.s32 $0x5;
	v29 =	vld.idx.msk [tilespmem:v23+s5+$0x0], $0xffff  }
0x2af: {  	s19 =	simm.s32 $0x6;
	v28 =	vor.u32 v5, v28;
	v30 =	vadd.s32 s18, v0;
	v23 =	vld.idx.msk [tilespmem:v23+s10+$0x0], $0xffff  }
0x2b0: {  	v31 =	vadd.s32 s19, v0;
	s20 =	simm.s32 $0x7;
	v30 =	vand.u32 $0x7F, v30;
	v32 =	vld.idx.msk [tilespmem:v25+s5+$0x0], $0xffff  }
0x2b1: {  	s21 =	simm.s32 $0x8;
	s22 =	simm.s32 $0x9;
	v31 =	vand.u32 $0x7F, v31;
	v33 =	vadd.s32 s20, v0;
	v30 =	vor.u32 v5, v30;
	v25 =	vld.idx.msk [tilespmem:v25+s10+$0x0], $0xffff  }
0x2b2: {  	s19 =	simm.s32 $0xB;
	v35 =	vadd.s32 s21, v0;
	v37 =	vadd.s32 s22, v0;
	v34 =	vld.idx.msk [tilespmem:v26+s5+$0x0], $0xffff;
	v24 =	vsub.f32 v27, v24  }
0x2b3: {  	v51 =	vadd.s32 s19, v0;
	v33 =	vand.u32 $0x7F, v33;
	v31 =	vor.u32 v5, v31;
	v26 =	vld.idx.msk [tilespmem:v26+s10+$0x0], $0xffff  }
0x2b4: {  	v35 =	vand.u32 $0x7F, v35;
	v36 =	vld.idx.msk [tilespmem:v28+s5+$0x0], $0xffff;
	v23 =	vsub.f32 v29, v23;
	v24 =	vmul.f32 v24, v24  }
0x2b5: {  	v37 =	vand.u32 $0x7F, v37;
	v33 =	vor.u32 v5, v33;
	v28 =	vld.idx.msk [tilespmem:v28+s10+$0x0], $0xffff;
	v27 =	vimm.f32 $0.0e+00  }
0x2b6: {  	s18 =	simm.s32 $0xA;
	v29 =	vld.idx.msk [tilespmem:v30+s5+$0x0], $0xffff;
	v25 =	vsub.f32 v32, v25;
	v23 =	vmul.f32 v23, v23;
	v24 =	vadd.f32 v24, v27  }
0x2b7: {  	v35 =	vor.u32 v5, v35;
	v49 =	vor.u32 v5, v37;
	v38 =	vadd.s32 s18, v0;
	v27 =	vld.idx.msk [tilespmem:v30+s10+$0x0], $0xffff  }
0x2b8: {  	v30 =	vld.idx.msk [tilespmem:v31+s5+$0x0], $0xffff;
	v23 =	vadd.f32 v23, v24;
	v24 =	vmul.f32 v25, v25;
	v25 =	vsub.f32 v34, v26  }
0x2b9: {  	v53 =	vand.u32 $0x7F, v51;
	v50 =	vand.u32 $0x7F, v38;
	v26 =	vld.idx.msk [tilespmem:v31+s10+$0x0], $0xffff  }
0x2ba: {  	s20 =	simm.s32 $0xC;
	s21 =	simm.s32 $0xD;
	v52 =	vor.u32 v5, v50;
	v31 =	vld.idx.msk [tilespmem:v33+s5+$0x0], $0xffff;
	v23 =	vadd.f32 v24, v23;
	v24 =	vmul.f32 v25, v25  }
0x2bb: {  	v54 =	vadd.s32 s20, v0;
	v58 =	vadd.s32 s21, v0;
	v25 =	vsub.f32 v36, v28;
	v28 =	vld.idx.msk [tilespmem:v33+s10+$0x0], $0xffff  }
0x2bc: {  	v56 =	vor.u32 v5, v53;
	v57 =	vand.u32 $0x7F, v54;
	v55 =	vld.idx.msk [tilespmem:v35+s5+$0x0], $0xffff;
	v23 =	vadd.f32 v24, v23  }
0x2bd: {  	v59 =	vld.idx.msk [tilespmem:v49+s5+$0x0], $0xffff;
	v24 =	vmul.f32 v25, v25;
	v25 =	vsub.f32 v29, v27;
	v29 =	vand.u32 $0x7F, v58  }
0x2be: {  	v37 =	vor.u32 v5, v57;
	v27 =	vld.idx.msk [tilespmem:v35+s10+$0x0], $0xffff;
	v39 =	vor.u32 v5, v29  }
0x2bf: {  	s22 =	simm.s32 $0xF;
	s19 =	simm.s32 $0xE;
	v60 =	vld.idx.msk [tilespmem:v52+s5+$0x0], $0xffff;
	v23 =	vadd.f32 v24, v23;
	v24 =	vmul.f32 v25, v25;
	v25 =	vsub.f32 v30, v26  }
0x2c0: {  	v29 =	vadd.s32 s22, v0;
	v30 =	vld.idx.msk [tilespmem:v49+s10+$0x0], $0xffff;
	v26 =	vadd.s32 s19, v0;
	v28 =	vsub.f32 v31, v28  }
0x2c1: {  	v61 =	vand.u32 $0x7F, v29;
	v29 =	vld.idx.msk [tilespmem:v56+s10+$0x0], $0xffff;
	v23 =	vadd.f32 v24, v23;
	v24 =	vmul.f32 v25, v25  }
0x2c2: {  	v31 =	vld.idx.msk [tilespmem:v52+s10+$0x0], $0xffff;
	v26 =	vand.u32 $0x7F, v26;
	v28 =	vmul.f32 v28, v28  }
0x2c3: {  	s20 =	simm.s32 $0x11;
	v25 =	vld.idx.msk [tilespmem:v56+s5+$0x0], $0xffff;
	v33 =	vsub.f32 v55, v27;
	v27 =	vor.u32 v5, v26;
	v24 =	vadd.f32 v24, v23  }
0x2c4: {  	v62 =	vadd.s32 s20, v0;
	v26 =	vld.idx.msk [tilespmem:v37+s5+$0x0], $0xffff;
	v23 =	vor.u32 v5, v61  }
0x2c5: {  	s21 =	simm.s32 $0x10;
	s22 =	simm.s32 $0x12;
	v40 =	vmul.f32 v33, v33;
	v35 =	vsub.f32 v59, v30;
	v30 =	vld.idx.msk [tilespmem:v37+s10+$0x0], $0xffff;
	v63 =	vadd.f32 v28, v24  }
0x2c6: {  	v32 =	vand.u32 $0x7F, v62;
	v33 =	vadd.s32 s22, v0;
	v24 =	vor.u32 s21, v22;
	v28 =	vld.idx.msk [tilespmem:v39+s5+$0x0], $0xffff  }
0x2c7: {  	s17 =	simm.s32 $0x1F;
	s18 =	simm.s32 $0x2F;
	s19 =	simm.s32 $0x13;
	v36 =	vsub.f32 v60, v31;
	v31 =	vld.idx.msk [tilespmem:v39+s10+$0x0], $0xffff;
	v35 =	vmul.f32 v35, v35;
	v34 =	vadd.f32 v40, v63  }
.LBB2_17:
0x2c8: {  	p1 =	sne.s32 s18, $0x7F;
	v32 =	vor.u32 v5, v32;
	v33 =	vand.u32 $0x7F, v33;
	v37 =	vadd.s32 s19, v0;
	v38 =	vld.idx.msk [tilespmem:v27+s5+$0x0], $0xffff  }
0x2c9: {  	s19 =	sadd.s32 $0xFFFFFFF5, s17;
	v25 =	vsub.f32 v25, v29;
	v34 =	vadd.f32 v35, v34;
	v35 =	vmul.f32 v36, v36;
	v27 =	vld.idx.msk [tilespmem:v27+s10+$0x0], $0xffff  }
0x2ca: {  	v29 =	vor.u32 v5, v33;
	v33 =	vand.u32 $0x7F, v37;
	v36 =	vadd.s32 s19, v0;
	v37 =	vld.idx.msk [tilespmem:v23+s5+$0x0], $0xffff  }
0x2cb: {  	s19 =	sadd.s32 $0xFFFFFFF6, s17;
	v25 =	vmul.f32 v25, v25;
	v26 =	vsub.f32 v26, v30;
	v34 =	vadd.f32 v35, v34;
	v23 =	vld.idx.msk [tilespmem:v23+s10+$0x0], $0xffff  }
0x2cc: {  	v33 =	vor.u32 v5, v33;
	v35 =	vand.u32 $0x7F, v36;
	v36 =	vadd.s32 s19, v0;
	v30 =	vld.idx.msk [tilespmem:v24+s5+$0x0], $0xffff  }
0x2cd: {  	s19 =	sadd.s32 $0xFFFFFFF7, s17;
	v26 =	vmul.f32 v26, v26;
	v28 =	vsub.f32 v28, v31;
	v24 =	vld.idx.msk [tilespmem:v24+s10+$0x0], $0xffff;
	v25 =	vadd.f32 v25, v34  }
0x2ce: {  	v34 =	vor.u32 v5, v35;
	v35 =	vand.u32 $0x7F, v36;
	v36 =	vadd.s32 s19, v0;
	v31 =	vld.idx.msk [tilespmem:v32+s5+$0x0], $0xffff  }
0x2cf: {  	s19 =	sadd.s32 $0xFFFFFFF8, s17;
	v27 =	vsub.f32 v38, v27;
	v32 =	vld.idx.msk [tilespmem:v32+s10+$0x0], $0xffff;
	v25 =	vadd.f32 v26, v25;
	v26 =	vmul.f32 v28, v28  }
0x2d0: {  	v35 =	vor.u32 v5, v35;
	v36 =	vand.u32 $0x7F, v36;
	v38 =	vadd.s32 s19, v0;
	v28 =	vld.idx.msk [tilespmem:v29+s5+$0x0], $0xffff  }
0x2d1: {  	s19 =	sadd.s32 $0xFFFFFFF9, s17;
	v23 =	vsub.f32 v37, v23;
	v29 =	vld.idx.msk [tilespmem:v29+s10+$0x0], $0xffff;
	v25 =	vadd.f32 v26, v25;
	v26 =	vmul.f32 v27, v27  }
0x2d2: {  	v36 =	vor.u32 v5, v36;
	v37 =	vand.u32 $0x7F, v38;
	v38 =	vadd.s32 s19, v0;
	v27 =	vld.idx.msk [tilespmem:v33+s5+$0x0], $0xffff  }
0x2d3: {  	s19 =	sadd.s32 $0xFFFFFFFA, s17;
	v24 =	vsub.f32 v30, v24;
	v23 =	vmul.f32 v23, v23;
	v30 =	vld.idx.msk [tilespmem:v33+s10+$0x0], $0xffff;
	v25 =	vadd.f32 v26, v25  }
0x2d4: {  	v33 =	vor.u32 v5, v37;
	v37 =	vand.u32 $0x7F, v38;
	v38 =	vadd.s32 s19, v0;
	v26 =	vld.idx.msk [tilespmem:v34+s5+$0x0], $0xffff  }
0x2d5: {  	s19 =	sadd.s32 $0xFFFFFFFB, s17;
	v24 =	vmul.f32 v24, v24;
	v31 =	vsub.f32 v31, v32;
	v32 =	vld.idx.msk [tilespmem:v34+s10+$0x0], $0xffff;
	v23 =	vadd.f32 v23, v25  }
0x2d6: {  	v34 =	vor.u32 v5, v37;
	v37 =	vand.u32 $0x7F, v38;
	v38 =	vadd.s32 s19, v0;
	v25 =	vld.idx.msk [tilespmem:v35+s5+$0x0], $0xffff  }
0x2d7: {  	s19 =	sadd.s32 $0xFFFFFFFC, s17;
	v28 =	vsub.f32 v28, v29;
	v23 =	vadd.f32 v24, v23;
	v24 =	vmul.f32 v31, v31;
	v29 =	vld.idx.msk [tilespmem:v35+s10+$0x0], $0xffff  }
0x2d8: {  	v35 =	vor.u32 v5, v37;
	v37 =	vand.u32 $0x7F, v38;
	v38 =	vadd.s32 s19, v0;
	v31 =	vld.idx.msk [tilespmem:v36+s5+$0x0], $0xffff  }
0x2d9: {  	s19 =	sadd.s32 $0xFFFFFFFD, s17;
	v27 =	vsub.f32 v27, v30;
	v23 =	vadd.f32 v24, v23;
	v24 =	vmul.f32 v28, v28;
	v28 =	vld.idx.msk [tilespmem:v36+s10+$0x0], $0xffff  }
0x2da: {  	v36 =	vor.u32 v5, v37;
	v37 =	vand.u32 $0x7F, v38;
	v38 =	vadd.s32 s19, v0;
	v30 =	vld.idx.msk [tilespmem:v33+s5+$0x0], $0xffff  }
0x2db: {  	s19 =	sadd.s32 $0xFFFFFFFE, s17;
	v26 =	vsub.f32 v26, v32;
	v23 =	vadd.f32 v24, v23;
	v24 =	vmul.f32 v27, v27;
	v27 =	vld.idx.msk [tilespmem:v33+s10+$0x0], $0xffff  }
0x2dc: {  	v33 =	vor.u32 v5, v37;
	v37 =	vand.u32 $0x7F, v38;
	v38 =	vadd.s32 s19, v0;
	v32 =	vld.idx.msk [tilespmem:v34+s5+$0x0], $0xffff  }
0x2dd: {  	s19 =	sadd.s32 $0xFFFFFFFF, s17;
	v25 =	vsub.f32 v25, v29;
	v23 =	vadd.f32 v24, v23;
	v24 =	vmul.f32 v26, v26;
	v26 =	vld.idx.msk [tilespmem:v34+s10+$0x0], $0xffff  }
0x2de: {  	v37 =	vor.u32 v5, v37;
	v29 =	vand.u32 $0x7F, v38;
	v38 =	vadd.s32 s19, v0;
	v34 =	vld.idx.msk [tilespmem:v35+s5+$0x0], $0xffff  }
0x2df: {  	v23 =	vadd.f32 v24, v23;
	v24 =	vmul.f32 v25, v25;
	v25 =	vsub.f32 v31, v28;
	v28 =	vld.idx.msk [tilespmem:v35+s10+$0x0], $0xffff  }
0x2e0: {  	v39 =	vor.u32 v5, v29;
	v29 =	vand.u32 $0x7F, v38;
	v35 =	vadd.s32 s17, v0;
	s17 =	smov.u32 s18;
	v31 =	vld.idx.msk [tilespmem:v36+s5+$0x0], $0xffff  }
0x2e1: {  	v30 =	vsub.f32 v30, v27;
	v23 =	vadd.f32 v24, v23;
	v24 =	vmul.f32 v25, v25;
	v36 =	vld.idx.msk [tilespmem:v36+s10+$0x0], $0xffff  }
0x2e2: {  	v27 =	vor.u32 v5, v29;
	v35 =	vand.u32 $0x7F, v35;
	v25 =	vld.idx.msk [tilespmem:v33+s5+$0x0], $0xffff  }
.Ltmp7:
0x2e3: {  	s19 =	sadd.s32 $0xFFFFFFF2, s18;
	v30 =	vmul.f32 v30, v30;
	v32 =	vsub.f32 v32, v26;
	v24 =	vadd.f32 v24, v23;
	v29 =	vld.idx.msk [tilespmem:v33+s10+$0x0], $0xffff;
	(pc) =	sbr.rel @p1 .LBB2_17-.Ltmp7, $4  }
0x2e4: {  	v33 =	vadd.s32 s19, v0;
	v23 =	vor.u32 v5, v35;
	v26 =	vld.idx.msk [tilespmem:v37+s5+$0x0], $0xffff  }
0x2e5: {  	s20 =	sadd.s32 $0xFFFFFFF3, s18;
	s19 =	sadd.s32 $0xFFFFFFF1, s18;
	v38 =	vmul.f32 v32, v32;
	v40 =	vsub.f32 v34, v28;
	v35 =	vadd.f32 v30, v24;
	v30 =	vld.idx.msk [tilespmem:v37+s10+$0x0], $0xffff  }
0x2e6: {  	v32 =	vand.u32 $0x7F, v33;
	v33 =	vadd.s32 s20, v0;
	v24 =	vor.u32 s19, v22;
	v28 =	vld.idx.msk [tilespmem:v39+s5+$0x0], $0xffff  }
0x2e7: {  	s18 =	sadd.s32 $0x10, s18;
	s19 =	sadd.s32 $0xFFFFFFF4, s17;
	v36 =	vsub.f32 v31, v36;
	v34 =	vadd.f32 v38, v35;
	v35 =	vmul.f32 v40, v40;
	v31 =	vld.idx.msk [tilespmem:v39+s10+$0x0], $0xffff  }
0x2e8: {  	_ =	sdelay $0x3  }
0x2e9: {  	v22 =	vld.idx.msk [tilespmem:v27+s5+$0x0], $0xffff;
	v25 =	vsub.f32 v25, v29;
	v34 =	vadd.f32 v35, v34;
	v40 =	vmul.f32 v36, v36  }
0x2ea: {  	v41 =	vor.u32 v5, v32;
	v42 =	vand.u32 $0x7F, v33;
	v43 =	vadd.s32 s19, v0;
	v44 =	vld.idx.msk [tilespmem:v27+s10+$0x0], $0xffff  }
0x2eb: {  	s18 =	sadd.s32 $0xFFFFFFF5, s17;
	v45 =	vld.idx.msk [tilespmem:v23+s5+$0x0], $0xffff;
	v25 =	vmul.f32 v25, v25;
	v26 =	vsub.f32 v26, v30;
	v34 =	vadd.f32 v40, v34  }
0x2ec: {  	v23 =	vld.idx.msk [tilespmem:v23+s10+$0x0], $0xffff;
	v46 =	vor.u32 v5, v42;
	v47 =	vand.u32 $0x7F, v43;
	v48 =	vadd.s32 s18, v0  }
0x2ed: {  	s21 =	sadd.s32 $0xFFFFFFF6, s17;
	v49 =	vld.idx.msk [tilespmem:v24+s5+$0x0], $0xffff;
	v26 =	vmul.f32 v26, v26;
	v28 =	vsub.f32 v28, v31;
	v25 =	vadd.f32 v25, v34  }
0x2ee: {  	v53 =	vld.idx.msk [tilespmem:v24+s10+$0x0], $0xffff;
	v52 =	vadd.s32 s21, v0;
	v50 =	vor.u32 v5, v47;
	v51 =	vand.u32 $0x7F, v48  }
0x2ef: {  	s22 =	sadd.s32 $0xFFFFFFF7, s17;
	v54 =	vld.idx.msk [tilespmem:v41+s5+$0x0], $0xffff;
	v22 =	vsub.f32 v22, v44;
	v55 =	vmul.f32 v28, v28;
	v25 =	vadd.f32 v26, v25  }
0x2f0: {  	v58 =	vadd.s32 s22, v0;
	v57 =	vand.u32 $0x7F, v52;
	v56 =	vor.u32 v5, v51;
	v29 =	vld.idx.msk [tilespmem:v41+s10+$0x0], $0xffff  }
0x2f1: {  	s19 =	sadd.s32 $0xFFFFFFF8, s17;
	v23 =	vsub.f32 v45, v23;
	v59 =	vld.idx.msk [tilespmem:v46+s5+$0x0], $0xffff;
	v22 =	vmul.f32 v22, v22;
	v25 =	vadd.f32 v55, v25  }
0x2f2: {  	v62 =	vadd.s32 s19, v0;
	v61 =	vand.u32 $0x7F, v58;
	v60 =	vor.u32 v5, v57;
	v30 =	vld.idx.msk [tilespmem:v46+s10+$0x0], $0xffff  }
0x2f3: {  	s20 =	sadd.s32 $0xFFFFFFF9, s17;
	v24 =	vsub.f32 v49, v53;
	v63 =	vld.idx.msk [tilespmem:v50+s5+$0x0], $0xffff;
	v23 =	vmul.f32 v23, v23;
	v22 =	vadd.f32 v22, v25  }
0x2f4: {  	v39 =	vadd.s32 s20, v0;
	v38 =	vand.u32 $0x7F, v62;
	v37 =	vor.u32 v5, v61;
	v31 =	vld.idx.msk [tilespmem:v50+s10+$0x0], $0xffff  }
0x2f5: {  	s21 =	sadd.s32 $0xFFFFFFFA, s17;
	v24 =	vmul.f32 v24, v24;
	v40 =	vld.idx.msk [tilespmem:v56+s5+$0x0], $0xffff;
	v29 =	vsub.f32 v54, v29;
	v22 =	vadd.f32 v23, v22  }
0x2f6: {  	v42 =	vadd.s32 s21, v0;
	v41 =	vand.u32 $0x7F, v39;
	v27 =	vld.idx.msk [tilespmem:v56+s10+$0x0], $0xffff;
	v23 =	vor.u32 v5, v38  }
0x2f7: {  	s22 =	sadd.s32 $0xFFFFFFFB, s17;
	v43 =	vld.idx.msk [tilespmem:v60+s5+$0x0], $0xffff;
	v45 =	vsub.f32 v59, v30;
	v44 =	vmul.f32 v29, v29;
	v22 =	vadd.f32 v24, v22  }
0x2f8: {  	v47 =	vadd.s32 s22, v0;
	v28 =	vor.u32 v5, v41;
	v46 =	vand.u32 $0x7F, v42;
	v26 =	vld.idx.msk [tilespmem:v60+s10+$0x0], $0xffff  }
0x2f9: {  	s19 =	sadd.s32 $0xFFFFFFFC, s17;
	v48 =	vld.idx.msk [tilespmem:v37+s5+$0x0], $0xffff;
	v50 =	vsub.f32 v63, v31;
	v49 =	vmul.f32 v45, v45;
	v22 =	vadd.f32 v44, v22  }
0x2fa: {  	v52 =	vadd.s32 s19, v0;
	v51 =	vand.u32 $0x7F, v47;
	v30 =	vor.u32 v5, v46;
	v25 =	vld.idx.msk [tilespmem:v37+s10+$0x0], $0xffff  }
0x2fb: {  	s20 =	sadd.s32 $0xFFFFFFFD, s17;
	v27 =	vsub.f32 v40, v27;
	v54 =	vmul.f32 v50, v50;
	v53 =	vld.idx.msk [tilespmem:v23+s5+$0x0], $0xffff;
	v22 =	vadd.f32 v49, v22  }
0x2fc: {  	v57 =	vadd.s32 s20, v0;
	v56 =	vand.u32 $0x7F, v52;
	v55 =	vor.u32 v5, v51;
	v23 =	vld.idx.msk [tilespmem:v23+s10+$0x0], $0xffff  }
0x2fd: {  	s21 =	sadd.s32 $0xFFFFFFFE, s17;
	v58 =	vld.idx.msk [tilespmem:v28+s5+$0x0], $0xffff;
	v26 =	vsub.f32 v43, v26;
	v59 =	vmul.f32 v27, v27;
	v22 =	vadd.f32 v54, v22  }
0x2fe: {  	v62 =	vadd.s32 s21, v0;
	v61 =	vand.u32 $0x7F, v57;
	v60 =	vor.u32 v5, v56;
	v28 =	vld.idx.msk [tilespmem:v28+s10+$0x0], $0xffff  }
0x2ff: {  	s22 =	sadd.s32 $0xFFFFFFFF, s17;
	v39 =	vmul.f32 v26, v26;
	v63 =	vld.idx.msk [tilespmem:v30+s5+$0x0], $0xffff;
	v25 =	vsub.f32 v48, v25;
	v22 =	vadd.f32 v59, v22  }
0x300: {  	v41 =	vand.u32 $0x7F, v62;
	v42 =	vadd.s32 s22, v0;
	v40 =	vor.u32 v5, v61;
	v30 =	vld.idx.msk [tilespmem:v30+s10+$0x0], $0xffff  }
0x301: {  	v43 =	vld.idx.msk [tilespmem:v55+s5+$0x0], $0xffff;
	v44 =	vmul.f32 v25, v25;
	v23 =	vsub.f32 v53, v23;
	v22 =	vadd.f32 v39, v22  }
0x302: {  	v47 =	vadd.s32 s17, v0;
	v46 =	vand.u32 $0x7F, v42;
	v45 =	vor.u32 v5, v41;
	v29 =	vld.idx.msk [tilespmem:v55+s10+$0x0], $0xffff  }
0x303: {  	v27 =	vld.idx.msk [tilespmem:v60+s10+$0x0], $0xffff;
	v49 =	vsub.f32 v58, v28;
	v23 =	vmul.f32 v23, v23;
	v22 =	vadd.f32 v44, v22  }
0x304: {  	v51 =	vand.u32 $0x7F, v47;
	v50 =	vor.u32 v5, v46;
	v48 =	vld.idx.msk [tilespmem:v60+s5+$0x0], $0xffff  }
0x305: {  	v52 =	vld.idx.msk [tilespmem:v40+s5+$0x0], $0xffff;
	v53 =	vsub.f32 v63, v30;
	v22 =	vadd.f32 v23, v22;
	v23 =	vmul.f32 v49, v49  }
0x306: {  	v5 =	vor.u32 v5, v51;
	v26 =	vld.idx.msk [tilespmem:v40+s10+$0x0], $0xffff  }
0x307: {  	v25 =	vld.idx.msk [tilespmem:v45+s10+$0x0], $0xffff;
	v55 =	vsub.f32 v43, v29;
	v22 =	vadd.f32 v23, v22;
	v23 =	vmul.f32 v53, v53  }
0x308: {  	v54 =	vld.idx.msk [tilespmem:v45+s5+$0x0], $0xffff  }
0x309: {  	v56 =	vld.idx.msk [tilespmem:v50+s5+$0x0], $0xffff;
	v57 =	vsub.f32 v48, v27;
	v22 =	vadd.f32 v23, v22;
	v23 =	vmul.f32 v55, v55  }
0x30a: {  	v58 =	vld.idx.msk [tilespmem:v50+s10+$0x0], $0xffff  }
0x30b: {  	v59 =	vld.idx.msk [tilespmem:v5+s5+$0x0], $0xffff;
	v60 =	vsub.f32 v52, v26;
	v22 =	vadd.f32 v23, v22;
	v23 =	vmul.f32 v57, v57  }
0x30c: {  	v5 =	vld.idx.msk [tilespmem:v5+s10+$0x0], $0xffff  }
0x30d: {  	v61 =	vsub.f32 v54, v25;
	v22 =	vadd.f32 v23, v22;
	v23 =	vmul.f32 v60, v60;
	_ =	sdelay $0x1  }
0x30e: {  	v62 =	vsub.f32 v56, v58;
	v22 =	vadd.f32 v23, v22;
	v23 =	vmul.f32 v61, v61;
	_ =	sdelay $0x1  }
0x30f: {  	v5 =	vsub.f32 v59, v5;
	v22 =	vadd.f32 v23, v22;
	v23 =	vmul.f32 v62, v62;
	_ =	sdelay $0x1  }
0x310: {  	v5 =	vmul.f32 v5, v5;
	v22 =	vadd.f32 v23, v22;
	_ =	sdelay $0x1  }
0x311: {  	v5 =	vadd.f32 v5, v22;
	_ =	sdelay $0x1  }
0x312: {  	v5 =	vmax.f32 v5, $1.000000000e-30  }
0x313: {  	v22 =	vshra.s32 v5, $0x1;
	v23 =	vmul.f32 $5.000000000e-01, v5  }
0x314: {  	v22 =	vsub.s32 $0x5F3759DF, v22  }
0x315: {  	v63 =	vmul.f32 v22, v23;
	_ =	sdelay $0x1  }
0x316: {  	v24 =	vmul.f32 v22, v63;
	_ =	sdelay $0x1  }
0x317: {  	v24 =	vsub.f32 $1.500000000e+00, v24;
	_ =	sdelay $0x1  }
0x318: {  	v22 =	vmul.f32 v22, v24;
	_ =	sdelay $0x1  }
0x319: {  	v24 =	vmul.f32 v22, v23;
	_ =	sdelay $0x1  }
0x31a: {  	v24 =	vmul.f32 v24, v22;
	_ =	sdelay $0x1  }
0x31b: {  	v24 =	vsub.f32 $1.500000000e+00, v24;
	_ =	sdelay $0x1  }
0x31c: {  	v22 =	vmul.f32 v24, v22;
	_ =	sdelay $0x1  }
0x31d: {  	v23 =	vmul.f32 v22, v23;
	_ =	sdelay $0x1  }
0x31e: {  	v23 =	vmul.f32 v23, v22;
	_ =	sdelay $0x1  }
0x31f: {  	s15 =	sadd.s32 $0x1, s15;
	v23 =	vsub.f32 $1.500000000e+00, v23  }
0x320: {  	p1 =	sne.s32 s15, $0x8  }
.Ltmp8:
0x321: {  	v22 =	vmul.f32 v23, v22;
	(pc) =	sbr.rel @p1 .LBB2_16-.Ltmp8, $3  }
0x322: {  	_ = 	snop  }
0x323: {  	v5 =	vmul.f32 v22, v5;
	_ =	sdelay $0x1  }
0x324: {  	[tilespmem:s16+$0x11F00] =	vst v5  }
0x325: {  	(erf) = vrcp.f32 v17  }
0x326: {  	(erf) = vrcp.f32 v18  }
0x327: {  	(erf) = vrcp.f32 v16  }
0x328: {  	(erf) = vrcp.f32 v19  }
0x329: {  	(erf) = vrcp.f32 v20  }
0x32a: {  	(erf) = vrcp.f32 v9  }
0x32b: {  	(erf) = vrcp.f32 v21  }
0x32c: {  	(erf) = vrcp.f32 v6;
	_ =	sdelay $0x1  }
0x32d: {  	v5 =	vpop (erf)  }
0x32e: {  	v33 =	vpop (erf)  }
0x32f: {  	v34 =	vpop (erf)  }
0x330: {  	v35 =	vpop (erf)  }
0x331: {  	v36 =	vpop (erf)  }
0x332: {  	v37 =	vpop (erf)  }
0x333: {  	v38 =	vpop (erf)  }
0x334: {  	v39 =	vpop (erf)  }
0x335: {  	_ =	swait.ge [sflag:s3], $0x80  }
0x336: {  	[sflag:s3] =	ssyncset.done $0x0  }
0x337: {  	v5 =	vmul.f32 v5, v15;
	[sflag:s3] =	ssyncadd.s32 $0xFFFFFF80  }
0x338: {  	v40 =	vld [tilespmem:$0x1E80]  }
0x339: {  	v4 =	vadd.f32 v5, v4;
	v5 =	vmul.f32 v33, v14  }
0x33a: {  	v41 =	vld [tilespmem:$0x1E90]  }
0x33b: {  	v4 =	vadd.f32 v5, v4;
	v5 =	vmul.f32 v34, v10  }
0x33c: {  	v42 =	vld [tilespmem:$0x1EA0]  }
0x33d: {  	v4 =	vadd.f32 v5, v4;
	v5 =	vmul.f32 v35, v12;
	(erf) = vrcp.f32 v40  }
0x33e: {  	v43 =	vld [tilespmem:$0x1EB0]  }
0x33f: {  	v4 =	vadd.f32 v5, v4;
	v5 =	vmul.f32 v36, v13;
	(erf) = vrcp.f32 v41  }
0x340: {  	v44 =	vld [tilespmem:$0x1EC0]  }
0x341: {  	v4 =	vadd.f32 v5, v4;
	v5 =	vmul.f32 v37, v11;
	v45 =	vld [tilespmem:$0x11F00];
	(erf) = vrcp.f32 v42  }
0x342: {  	v46 =	vld [tilespmem:$0x1ED0]  }
0x343: {  	v47 =	vld [tilespmem:$0x11F10];
	v4 =	vadd.f32 v5, v4;
	v5 =	vmul.f32 v38, v8;
	(erf) = vrcp.f32 v43  }
0x344: {  	v48 =	vld [tilespmem:$0x1EE0]  }
0x345: {  	v49 =	vld [tilespmem:$0x11F20];
	v4 =	vadd.f32 v5, v4;
	v5 =	vmul.f32 v39, v7;
	(erf) = vrcp.f32 v44  }
0x346: {  	v51 =	vld [tilespmem:$0x1EF0];
	v50 =	vpop (erf)  }
0x347: {  	v4 =	vadd.f32 v5, v4;
	(erf) = vrcp.f32 v46;
	v5 =	vmul.f32 v50, v45  }
0x348: {  	v53 =	vld [tilespmem:$0x11F30];
	v52 =	vpop (erf)  }
0x349: {  	(erf) = vrcp.f32 v48;
	v4 =	vadd.f32 v5, v4;
	v5 =	vmul.f32 v52, v47  }
0x34a: {  	v55 =	vld [tilespmem:$0x11F40];
	v54 =	vpop (erf)  }
0x34b: {  	(erf) = vrcp.f32 v51;
	v4 =	vadd.f32 v5, v4;
	v5 =	vmul.f32 v54, v49  }
0x34c: {  	v57 =	vld [tilespmem:$0x11F50];
	v56 =	vpop (erf)  }
0x34d: {  	v4 =	vadd.f32 v5, v4;
	v5 =	vmul.f32 v56, v53  }
0x34e: {  	v59 =	vld [tilespmem:$0x11F60];
	v58 =	vpop (erf)  }
0x34f: {  	v4 =	vadd.f32 v5, v4;
	v5 =	vmul.f32 v58, v55  }
0x350: {  	v61 =	vld [tilespmem:$0x11F70];
	v60 =	vpop (erf)  }
0x351: {  	v4 =	vadd.f32 v5, v4;
	v5 =	vmul.f32 v60, v57  }
0x352: {  	v62 =	vpop (erf)  }
0x353: {  	v4 =	vadd.f32 v5, v4;
	v5 =	vmul.f32 v62, v59  }
0x354: {  	v63 =	vpop (erf)  }
0x355: {  	v4 =	vadd.f32 v5, v4;
	v5 =	vmul.f32 v63, v61;
	_ =	sdelay $0x1  }
0x356: {  	v4 =	vadd.f32 v5, v4;
	_ =	sdelay $0x1  }
0x357: {  	s16 =	simm.s32 $0x12100;
	s15 =	rddreg [dreg:$0x17];
	[tilespmem:$0x12100] =	vst v4  }
0x358: {  	[spmem:s15] =	stream.linear.scatter [tilespmem:s16], [sflag:$0x9], $0x10, $0x38;
	[tilespmem:$0x13B00] =	vst v63  }
0x359: {  	_ =	swait.ge [sflag:s26], $0x10  }
0x35a: {  	[sflag:s26] =	ssyncset.done $0x0  }
0x35b: {  	[sflag:s26] =	ssyncadd.s32 $0xFFFFFFF0  }
0x35c: {  	[bflag:$0x0] =	sbarrier.arrive $0xFFFF  }
0x35d: {  	s15 =	simm.s32 @!p0 $0x12180;
	s16 =	rddreg [dreg:$0x5]  }
0x35e: {  	[tilespmem:s15], [sflag:$0x9] =	stream.linear.gather @!p0 [spmem:s16], $0x100, $0x38;
	[tilespmem:$0x13B00] =	vst v63  }
0x35f: {  	s15 =	simm.s32 @!p0 $0x9  }
0x360: {  	_ =	swait.ge @!p0 [sflag:s15], $0x100  }
0x361: {  	[sflag:s15] =	ssyncset.done @!p0 $0x0  }
0x362: {  	[sflag:s15] =	ssyncadd.s32 @!p0 $0xFFFFFF00  }
0x363: {  	v4 =	vld @!p0 [tilespmem:$0x12180];
	_ =	sdelay $0x1  }
0x364: {  	v5 =	vld @!p0 [tilespmem:$0x12190];
	_ =	sdelay $0x1  }
0x365: {  	v6 =	vld @!p0 [tilespmem:$0x121A0]  }
0x366: {  	v4 =	vadd.f32 @!p0 $0.0e+00, v4  }
0x367: {  	v7 =	vld @!p0 [tilespmem:$0x121B0]  }
0x368: {  	v4 =	vadd.f32 @!p0 v5, v4  }
0x369: {  	v5 =	vld @!p0 [tilespmem:$0x121C0]  }
0x36a: {  	v4 =	vadd.f32 @!p0 v6, v4  }
0x36b: {  	v6 =	vld @!p0 [tilespmem:$0x121D0]  }
0x36c: {  	v4 =	vadd.f32 @!p0 v7, v4  }
0x36d: {  	v7 =	vld @!p0 [tilespmem:$0x121E0]  }
0x36e: {  	v4 =	vadd.f32 @!p0 v5, v4  }
0x36f: {  	v5 =	vld @!p0 [tilespmem:$0x121F0]  }
0x370: {  	v4 =	vadd.f32 @!p0 v6, v4  }
0x371: {  	v6 =	vld @!p0 [tilespmem:$0x12200]  }
0x372: {  	v4 =	vadd.f32 @!p0 v7, v4  }
0x373: {  	v7 =	vld @!p0 [tilespmem:$0x12210]  }
0x374: {  	v4 =	vadd.f32 @!p0 v5, v4  }
0x375: {  	v5 =	vld @!p0 [tilespmem:$0x12220]  }
0x376: {  	v4 =	vadd.f32 @!p0 v6, v4  }
0x377: {  	v6 =	vld @!p0 [tilespmem:$0x12230]  }
0x378: {  	v4 =	vadd.f32 @!p0 v7, v4  }
0x379: {  	v7 =	vld @!p0 [tilespmem:$0x12240]  }
0x37a: {  	v4 =	vadd.f32 @!p0 v5, v4  }
0x37b: {  	v5 =	vld @!p0 [tilespmem:$0x12250]  }
0x37c: {  	v4 =	vadd.f32 @!p0 v6, v4  }
0x37d: {  	v6 =	vld @!p0 [tilespmem:$0x12260]  }
0x37e: {  	v4 =	vadd.f32 @!p0 v7, v4  }
0x37f: {  	v7 =	vld @!p0 [tilespmem:$0x12270]  }
0x380: {  	v4 =	vadd.f32 @!p0 v5, v4;
	_ =	sdelay $0x1  }
0x381: {  	v4 =	vadd.f32 @!p0 v6, v4;
	_ =	sdelay $0x1  }
0x382: {  	v4 =	vadd.f32 @!p0 v7, v4;
	_ =	sdelay $0x1  }
0x383: {  	(xrf2) =	vadd.scan.msk.f32 @!p0 $0xffff, v4;
	_ =	sdelay $0x9  }
0x384: {  	v4, _, _ =	vpop @!p0 (xrf2)  }
0x385: {  	v4 =	vbroadcast @!p0 v4, $0xF;
	_ =	sdelay $0x1  }
0x386: {  	s17 =	simm.s32 @!p0 $0x12100;
	s16 =	simm.s32 @!p0 $0x0;
	s18 =	rddreg [dreg:$0x18];
	[tilespmem:$0x12100] =	vst @!p0 v4  }
0x387: {  	[hbm4b:s18+s16] =	stream.linear.scatter @!p0 [tilespmem:s17], [sflag:$0x9], $0x80, $0x38;
	[tilespmem:$0x13B00] =	vst v63  }
0x388: {  	_ =	swait.ge @!p0 [sflag:s15], $0x80  }
0x389: {  	s4 =	sadd.s32 $0x1, s4;
	s22 =	rddreg [dreg:$0x19]  }
0x38a: {  	p1 =	sne.s32 s4, s22  }
.Ltmp9:
0x38b: {  	_ = 	snop;
	(pc) =	sbr.rel @p1 .LBB2_1-.Ltmp9, $3  }
0x38c: {  	_ =	sdelay $0x1  }
0x38d: {  	[sflag:s15] =	ssyncset.done @!p0 $0x0  }
0x38e: {  	[sflag:s15] =	ssyncadd.s32 @!p0 $0xFFFFFF80  }
0x38f: {  	_ =	sfence.sel $0x180000  }
0x390: {  	[bflag:$0x0] =	sbarrier.arrive $0xFFFF  }
0x391: {  	_ =	strace $0x90000047  }
0x392: {  	[bflag:$0x2] =	sbarrier.arrive $0xFFFF  }
0x393: {  	s0 =	rddreg [dreg:$0x6]  }
0x394: {  	s0 =	sadd.s32 @!p0 $0x100000, s0  }
0x395: {  	[sflag:s0] =	ssyncadd.tile.s32 @!p0 $0x1;
	_ =	shalt  }
.Lfunc_end2:
_tile_overlayer_lowered:
.L_overlay_start_2:
0x396: {  	(tag) =	ssettag $0x2  }
0x397: {  	s0 =	rddreg [dreg:$0x0];
	s2 =	stileid.u32  }
0x398: {  	s1 =	rddreg [dreg:$0x1];
	p0 =	sne.s32 s2, $0x0  }
0x399: {  	s3 =	rddreg [dreg:$0x2];
	[bflag:$0x3] =	sbarrier.arrive $0xFFFF;
	s2 =	simm.s32 @!p0 $0x1C09  }
0x39a: {  	[timem:s3], [sflag:s2] =	dma.local @!p0 [hbm:s0], s1  }
0x39b: {  	s0 =	simm.s32 @!p0 $0x9  }
0x39c: {  	_ =	swait.ge @!p0 [sflag:s0], s1  }
0x39d: {  	s1 =	ssub.s32 @!p0 $0x0, s1;
	[sflag:s0] =	ssyncset.done @!p0 $0x0  }
0x39e: {  	[sflag:s0] =	ssyncadd.s32 @!p0 s1  }
0x39f: {  	[bflag:$0x3] =	sbarrier.arrive $0xFFFF  }
0x3a0: {  	_ =	shalt  }

</sc_bundles>
